<compile_context>
chip_gen: v7x
topology: tpu7x:2x2x1
jax: 0.10.2.dev20260603
libtpu: 0.0.44.dev20260713+nightly
codegen_flags: <defaults>
</compile_context>

<pallas_src>
import functools

import jax
import jax.numpy as jnp
from jax import lax
from jax.experimental import pallas as pl
from jax.experimental.pallas import tpu as pltpu
from jax.experimental.pallas import tpu_sc as plsc

L = 16
NS = 16
CHUNK = 64


def _make_sc_loss(T: int, V: int):
    tpw = T // NS
    nchunks = tpw // CHUNK
    ctiles = V // 128
    mesh = plsc.VectorSubcoreMesh(
        core_axis_name="c", subcore_axis_name="s", num_cores=1)

    @functools.partial(
        pl.kernel,
        out_type=jax.ShapeDtypeStruct((L,), jnp.float32),
        mesh=mesh,
        scratch_types=[
            pltpu.VMEM((nchunks, CHUNK), jnp.int32),
            pltpu.VMEM((nchunks, CHUNK), jnp.int32),
            pltpu.VMEM((tpw, 16), jnp.float32),
            pltpu.VMEM((2, L), jnp.float32),
            pltpu.VMEM((NS, 2, L), jnp.float32),
            pltpu.VMEM_SHARED((NS, 2, L), jnp.float32),
            pltpu.SemaphoreType.DMA,
            pltpu.SemaphoreType.DMA,
        ],
        compiler_params=pltpu.CompilerParams(
            use_tc_tiling_on_sc=False, needs_layout_passes=False,
            skip_device_barrier=True),
    )
    def loss_kernel(logp_hbm, tgt_hbm, final_hbm,
                    tgt_v, idx_v, rows_v, stage_v, allpart_v,
                    shpart_v, sem, tsem):
        w = lax.axis_index("s")
        base = w * tpw
        tcopies = [
            pltpu.async_copy(
                tgt_hbm.at[pl.ds(base + j * CHUNK, CHUNK)], tgt_v.at[j], tsem)
            for j in range(nchunks)
        ]

        lanes = lax.iota(jnp.int32, L)
        copies = []
        for j in range(nchunks):
            tcopies[j].wait()
            for i in range(CHUNK // L):
                t = base + j * CHUNK + i * L + lanes
                c = tgt_v[j, pl.ds(i * L, L)]
                krow = ((t >> 3) * ctiles + (c >> 7)) * 8 + (t & 7)
                idx_v[j, pl.ds(i * L, L)] = krow * 8 + ((c >> 4) & 7)
            copies.append(pltpu.async_copy(
                logp_hbm.at[idx_v.at[j]],
                rows_v.at[pl.ds(j * CHUNK, CHUNK)], sem))

        acc = jnp.zeros((L,), jnp.float32)
        cnt = jnp.zeros((L,), jnp.float32)
        for j in range(nchunks):
            copies[j].wait()
            for i in range(CHUNK // L):
                off = j * CHUNK + i * L
                c = tgt_v[j, pl.ds(i * L, L)]
                v = plsc.load_gather(rows_v, [off + lanes, c & 15])
                m = c > 1
                acc = acc + jnp.where(m, -v, 0.0)
                cnt = cnt + jnp.where(m, 1.0, 0.0)

        stage_v[0, pl.ds(0, L)] = acc
        stage_v[1, pl.ds(0, L)] = cnt
        pltpu.sync_copy(stage_v, shpart_v.at[w])
        plsc.subcore_barrier()

        @pl.when(w == 0)
        def _():
            pltpu.sync_copy(shpart_v, allpart_v)
            tot = jnp.zeros((L,), jnp.float32)
            ctot = jnp.zeros((L,), jnp.float32)
            for r in range(NS):
                tot = tot + allpart_v[r, 0, pl.ds(0, L)]
                ctot = ctot + allpart_v[r, 1, pl.ds(0, L)]

            def lane_total(x):
                for k in (1, 2, 4, 8):
                    x = x + x.at[lanes ^ k].get(mode="promise_in_bounds")
                return x

            stage_v[0, pl.ds(0, L)] = lane_total(tot) / lane_total(ctot)
            pltpu.sync_copy(stage_v.at[0], final_hbm)

    return loss_kernel


def kernel(logp, target):
    B, S, V = logp.shape
    target = target[:, :S]
    T = B * S
    lp_r = (logp.reshape(T // 8, 8, V // 128, 128)
            .transpose(0, 2, 1, 3)
            .reshape(T * V // 16, 16))
    tgt = target.reshape(-1).astype(jnp.int32)
    final = _make_sc_loss(T, V)(lp_r, tgt)
    return final[0]

# --- scband reference (transcript-rebuilt; emitter-appended) ---
"""Pipeline reference for scband-mlcriterion-72395968742034 (READ-ONLY COPY).

The authoritative reference and input builder live on the scoring server;
editing this copy changes nothing except your own understanding.
"""

import jax, jax.numpy as jnp
import numpy as np


def setup_inputs(seed: int = 0) -> dict:
    key = jax.random.key(seed)
    k1, k2 = jax.random.split(key)
    B, S, V = 4, 2048, 8192
    logp = jax.random.normal(k1, (B, S, V), dtype=jnp.float32)
    target = jax.random.randint(k2, (B, S), 0, V, dtype=jnp.int64)
    return {"logp": logp, "target": target}


def reference(logp, target):
    # Faithful translation of MLCriterion.forward with
    # mask_threshold=1, normalize='ntokens'.
    th_mask = 1
    B, S, V = logp.shape
    target = target[:, :S]
    lp = logp.reshape(-1, V)
    tgt = target.reshape(-1, 1)
    mask = tgt > th_mask  # (B*S, 1) boolean mask
    gathered = -jnp.take_along_axis(lp, tgt, axis=1)  # (B*S, 1)
    # boolean-indexed sum == masked sum
    ml_output = jnp.sum(jnp.where(mask, gathered, 0.0))
    norm = jnp.sum(mask).astype(jnp.float32)
    ml_output = ml_output / norm
    # original returns ({'final': out, 'ml': out}, {}); return the scalar loss
    return ml_output

if __name__ == "__main__":
    import jax
    _d = setup_inputs()
    print(jax.jit(kernel)(*tuple(_d.values())))

</pallas_src>

<mosaic_0001>
#map = affine_map<(d0, d1) -> (0, 0)>
#map1 = affine_map<(d0, d1) -> (0)>
module attributes {stable_mosaic.version = 14 : i64} {
  func.func @loss_kernel(%arg0: i32, %arg1: i32, %arg2: memref<4194304x16xf32, #tpu.memory_space<hbm>>, %arg3: memref<8192xi32, #tpu.memory_space<hbm>>, %arg4: memref<16xf32, #tpu.memory_space<hbm>>, %arg5: memref<8x64xi32, #tpu.memory_space<vmem>>, %arg6: memref<8x64xi32, #tpu.memory_space<vmem>>, %arg7: memref<512x16xf32, #tpu.memory_space<vmem>>, %arg8: memref<2x16xf32, #tpu.memory_space<vmem>>, %arg9: memref<16x2x16xf32, #tpu.memory_space<vmem>>, %arg10: memref<16x2x16xf32, #tpu.memory_space<vmem_shared>>, %arg11: memref<!tpu.dma_semaphore, #tpu.memory_space<semaphore_mem>>, %arg12: memref<!tpu.dma_semaphore, #tpu.memory_space<semaphore_mem>>) attributes {dimension_semantics = [#tpu.dimension_semantics<core_parallel>, #tpu.dimension_semantics<subcore_parallel>], iteration_bounds = array<i64: 1, 16>, scalar_prefetch = 0 : i64, scratch_operands = 8 : i64, tpu.core_type = #tpu.core_type<sc_vector_subcore>, window_params = [{transform_indices = #map}, {transform_indices = #map1}, {transform_indices = #map1}]} {
    %mul3A = arith.constant 512 : i32
    %mul3A_0 = arith.muli %arg1, %mul3A : i32
    %add3A = arith.constant 0 : i32
    %add3A_1 = arith.addi %mul3A_0, %add3A : i32
    %dma_start3A = arith.constant 0 : i32
    %dma_start3A_2 = arith.constant 0 : i32
    %dma_start3A_3 = tpu.memref_slice %arg5[%dma_start3A, %dma_start3A_2] : memref<8x64xi32, #tpu.memory_space<vmem>> -> memref<1x64xi32, #tpu.memory_space<vmem>>
    %dma_start3A_4 = tpu.memref_squeeze %dma_start3A_3 : memref<1x64xi32, #tpu.memory_space<vmem>> -> memref<64xi32, #tpu.memory_space<vmem>>
    %dma_start3A_5 = tpu.memref_slice %arg3[%add3A_1] : memref<8192xi32, #tpu.memory_space<hbm>> -> memref<64xi32, #tpu.memory_space<hbm>>
    %dma_start3A_6 = arith.constant 0 : i32
    %dma_start3A_7 = tpu.memref_slice %arg5[%dma_start3A, %dma_start3A_6] : memref<8x64xi32, #tpu.memory_space<vmem>> -> memref<1x64xi32, #tpu.memory_space<vmem>>
    %dma_start3A_8 = tpu.memref_squeeze %dma_start3A_7 : memref<1x64xi32, #tpu.memory_space<vmem>> -> memref<64xi32, #tpu.memory_space<vmem>>
    %dma_start3A_9 = tpu.memref_slice %arg3[%add3A_1] : memref<8192xi32, #tpu.memory_space<hbm>> -> memref<64xi32, #tpu.memory_space<hbm>>
    tpu.enqueue_dma source(%dma_start3A_9 : memref<64xi32, #tpu.memory_space<hbm>>) target(%dma_start3A_8 : memref<64xi32, #tpu.memory_space<vmem>>) target_semaphore(%arg12 : memref<!tpu.dma_semaphore, #tpu.memory_space<semaphore_mem>>)
    %add3A_10 = arith.constant 64 : i32
    %add3A_11 = arith.addi %mul3A_0, %add3A_10 : i32
    %dma_start3A_12 = arith.constant 1 : i32
    %dma_start3A_13 = arith.constant 0 : i32
    %dma_start3A_14 = tpu.memref_slice %arg5[%dma_start3A_12, %dma_start3A_13] : memref<8x64xi32, #tpu.memory_space<vmem>> -> memref<1x64xi32, #tpu.memory_space<vmem>>
    %dma_start3A_15 = tpu.memref_squeeze %dma_start3A_14 : memref<1x64xi32, #tpu.memory_space<vmem>> -> memref<64xi32, #tpu.memory_space<vmem>>
    %dma_start3A_16 = tpu.memref_slice %arg3[%add3A_11] : memref<8192xi32, #tpu.memory_space<hbm>> -> memref<64xi32, #tpu.memory_space<hbm>>
    %dma_start3A_17 = arith.constant 0 : i32
    %dma_start3A_18 = tpu.memref_slice %arg5[%dma_start3A_12, %dma_start3A_17] : memref<8x64xi32, #tpu.memory_space<vmem>> -> memref<1x64xi32, #tpu.memory_space<vmem>>
    %dma_start3A_19 = tpu.memref_squeeze %dma_start3A_18 : memref<1x64xi32, #tpu.memory_space<vmem>> -> memref<64xi32, #tpu.memory_space<vmem>>
    %dma_start3A_20 = tpu.memref_slice %arg3[%add3A_11] : memref<8192xi32, #tpu.memory_space<hbm>> -> memref<64xi32, #tpu.memory_space<hbm>>
    tpu.enqueue_dma source(%dma_start3A_20 : memref<64xi32, #tpu.memory_space<hbm>>) target(%dma_start3A_19 : memref<64xi32, #tpu.memory_space<vmem>>) target_semaphore(%arg12 : memref<!tpu.dma_semaphore, #tpu.memory_space<semaphore_mem>>)
    %add3A_21 = arith.constant 128 : i32
    %add3A_22 = arith.addi %mul3A_0, %add3A_21 : i32
    %dma_start3A_23 = arith.constant 2 : i32
    %dma_start3A_24 = arith.constant 0 : i32
    %dma_start3A_25 = tpu.memref_slice %arg5[%dma_start3A_23, %dma_start3A_24] : memref<8x64xi32, #tpu.memory_space<vmem>> -> memref<1x64xi32, #tpu.memory_space<vmem>>
    %dma_start3A_26 = tpu.memref_squeeze %dma_start3A_25 : memref<1x64xi32, #tpu.memory_space<vmem>> -> memref<64xi32, #tpu.memory_space<vmem>>
    %dma_start3A_27 = tpu.memref_slice %arg3[%add3A_22] : memref<8192xi32, #tpu.memory_space<hbm>> -> memref<64xi32, #tpu.memory_space<hbm>>
    %dma_start3A_28 = arith.constant 0 : i32
    %dma_start3A_29 = tpu.memref_slice %arg5[%dma_start3A_23, %dma_start3A_28] : memref<8x64xi32, #tpu.memory_space<vmem>> -> memref<1x64xi32, #tpu.memory_space<vmem>>
    %dma_start3A_30 = tpu.memref_squeeze %dma_start3A_29 : memref<1x64xi32, #tpu.memory_space<vmem>> -> memref<64xi32, #tpu.memory_space<vmem>>
    %dma_start3A_31 = tpu.memref_slice %arg3[%add3A_22] : memref<8192xi32, #tpu.memory_space<hbm>> -> memref<64xi32, #tpu.memory_space<hbm>>
    tpu.enqueue_dma source(%dma_start3A_31 : memref<64xi32, #tpu.memory_space<hbm>>) target(%dma_start3A_30 : memref<64xi32, #tpu.memory_space<vmem>>) target_semaphore(%arg12 : memref<!tpu.dma_semaphore, #tpu.memory_space<semaphore_mem>>)
    %add3A_32 = arith.constant 192 : i32
    %add3A_33 = arith.addi %mul3A_0, %add3A_32 : i32
    %dma_start3A_34 = arith.constant 3 : i32
    %dma_start3A_35 = arith.constant 0 : i32
    %dma_start3A_36 = tpu.memref_slice %arg5[%dma_start3A_34, %dma_start3A_35] : memref<8x64xi32, #tpu.memory_space<vmem>> -> memref<1x64xi32, #tpu.memory_space<vmem>>
    %dma_start3A_37 = tpu.memref_squeeze %dma_start3A_36 : memref<1x64xi32, #tpu.memory_space<vmem>> -> memref<64xi32, #tpu.memory_space<vmem>>
    %dma_start3A_38 = tpu.memref_slice %arg3[%add3A_33] : memref<8192xi32, #tpu.memory_space<hbm>> -> memref<64xi32, #tpu.memory_space<hbm>>
    %dma_start3A_39 = arith.constant 0 : i32
    %dma_start3A_40 = tpu.memref_slice %arg5[%dma_start3A_34, %dma_start3A_39] : memref<8x64xi32, #tpu.memory_space<vmem>> -> memref<1x64xi32, #tpu.memory_space<vmem>>
    %dma_start3A_41 = tpu.memref_squeeze %dma_start3A_40 : memref<1x64xi32, #tpu.memory_space<vmem>> -> memref<64xi32, #tpu.memory_space<vmem>>
    %dma_start3A_42 = tpu.memref_slice %arg3[%add3A_33] : memref<8192xi32, #tpu.memory_space<hbm>> -> memref<64xi32, #tpu.memory_space<hbm>>
    tpu.enqueue_dma source(%dma_start3A_42 : memref<64xi32, #tpu.memory_space<hbm>>) target(%dma_start3A_41 : memref<64xi32, #tpu.memory_space<vmem>>) target_semaphore(%arg12 : memref<!tpu.dma_semaphore, #tpu.memory_space<semaphore_mem>>)
    %add3A_43 = arith.constant 256 : i32
    %add3A_44 = arith.addi %mul3A_0, %add3A_43 : i32
    %dma_start3A_45 = arith.constant 4 : i32
    %dma_start3A_46 = arith.constant 0 : i32
    %dma_start3A_47 = tpu.memref_slice %arg5[%dma_start3A_45, %dma_start3A_46] : memref<8x64xi32, #tpu.memory_space<vmem>> -> memref<1x64xi32, #tpu.memory_space<vmem>>
    %dma_start3A_48 = tpu.memref_squeeze %dma_start3A_47 : memref<1x64xi32, #tpu.memory_space<vmem>> -> memref<64xi32, #tpu.memory_space<vmem>>
    %dma_start3A_49 = tpu.memref_slice %arg3[%add3A_44] : memref<8192xi32, #tpu.memory_space<hbm>> -> memref<64xi32, #tpu.memory_space<hbm>>
    %dma_start3A_50 = arith.constant 0 : i32
    %dma_start3A_51 = tpu.memref_slice %arg5[%dma_start3A_45, %dma_start3A_50] : memref<8x64xi32, #tpu.memory_space<vmem>> -> memref<1x64xi32, #tpu.memory_space<vmem>>
    %dma_start3A_52 = tpu.memref_squeeze %dma_start3A_51 : memref<1x64xi32, #tpu.memory_space<vmem>> -> memref<64xi32, #tpu.memory_space<vmem>>
    %dma_start3A_53 = tpu.memref_slice %arg3[%add3A_44] : memref<8192xi32, #tpu.memory_space<hbm>> -> memref<64xi32, #tpu.memory_space<hbm>>
    tpu.enqueue_dma source(%dma_start3A_53 : memref<64xi32, #tpu.memory_space<hbm>>) target(%dma_start3A_52 : memref<64xi32, #tpu.memory_space<vmem>>) target_semaphore(%arg12 : memref<!tpu.dma_semaphore, #tpu.memory_space<semaphore_mem>>)
    %add3A_54 = arith.constant 320 : i32
    %add3A_55 = arith.addi %mul3A_0, %add3A_54 : i32
    %dma_start3A_56 = arith.constant 5 : i32
    %dma_start3A_57 = arith.constant 0 : i32
    %dma_start3A_58 = tpu.memref_slice %arg5[%dma_start3A_56, %dma_start3A_57] : memref<8x64xi32, #tpu.memory_space<vmem>> -> memref<1x64xi32, #tpu.memory_space<vmem>>
    %dma_start3A_59 = tpu.memref_squeeze %dma_start3A_58 : memref<1x64xi32, #tpu.memory_space<vmem>> -> memref<64xi32, #tpu.memory_space<vmem>>
    %dma_start3A_60 = tpu.memref_slice %arg3[%add3A_55] : memref<8192xi32, #tpu.memory_space<hbm>> -> memref<64xi32, #tpu.memory_space<hbm>>
    %dma_start3A_61 = arith.constant 0 : i32
    %dma_start3A_62 = tpu.memref_slice %arg5[%dma_start3A_56, %dma_start3A_61] : memref<8x64xi32, #tpu.memory_space<vmem>> -> memref<1x64xi32, #tpu.memory_space<vmem>>
    %dma_start3A_63 = tpu.memref_squeeze %dma_start3A_62 : memref<1x64xi32, #tpu.memory_space<vmem>> -> memref<64xi32, #tpu.memory_space<vmem>>
    %dma_start3A_64 = tpu.memref_slice %arg3[%add3A_55] : memref<8192xi32, #tpu.memory_space<hbm>> -> memref<64xi32, #tpu.memory_space<hbm>>
    tpu.enqueue_dma source(%dma_start3A_64 : memref<64xi32, #tpu.memory_space<hbm>>) target(%dma_start3A_63 : memref<64xi32, #tpu.memory_space<vmem>>) target_semaphore(%arg12 : memref<!tpu.dma_semaphore, #tpu.memory_space<semaphore_mem>>)
    %add3A_65 = arith.constant 384 : i32
    %add3A_66 = arith.addi %mul3A_0, %add3A_65 : i32
    %dma_start3A_67 = arith.constant 6 : i32
    %dma_start3A_68 = arith.constant 0 : i32
    %dma_start3A_69 = tpu.memref_slice %arg5[%dma_start3A_67, %dma_start3A_68] : memref<8x64xi32, #tpu.memory_space<vmem>> -> memref<1x64xi32, #tpu.memory_space<vmem>>
    %dma_start3A_70 = tpu.memref_squeeze %dma_start3A_69 : memref<1x64xi32, #tpu.memory_space<vmem>> -> memref<64xi32, #tpu.memory_space<vmem>>
    %dma_start3A_71 = tpu.memref_slice %arg3[%add3A_66] : memref<8192xi32, #tpu.memory_space<hbm>> -> memref<64xi32, #tpu.memory_space<hbm>>
    %dma_start3A_72 = arith.constant 0 : i32
    %dma_start3A_73 = tpu.memref_slice %arg5[%dma_start3A_67, %dma_start3A_72] : memref<8x64xi32, #tpu.memory_space<vmem>> -> memref<1x64xi32, #tpu.memory_space<vmem>>
    %dma_start3A_74 = tpu.memref_squeeze %dma_start3A_73 : memref<1x64xi32, #tpu.memory_space<vmem>> -> memref<64xi32, #tpu.memory_space<vmem>>
    %dma_start3A_75 = tpu.memref_slice %arg3[%add3A_66] : memref<8192xi32, #tpu.memory_space<hbm>> -> memref<64xi32, #tpu.memory_space<hbm>>
    tpu.enqueue_dma source(%dma_start3A_75 : memref<64xi32, #tpu.memory_space<hbm>>) target(%dma_start3A_74 : memref<64xi32, #tpu.memory_space<vmem>>) target_semaphore(%arg12 : memref<!tpu.dma_semaphore, #tpu.memory_space<semaphore_mem>>)
    %add3A_76 = arith.constant 448 : i32
    %add3A_77 = arith.addi %mul3A_0, %add3A_76 : i32
    %dma_start3A_78 = arith.constant 7 : i32
    %dma_start3A_79 = arith.constant 0 : i32
    %dma_start3A_80 = tpu.memref_slice %arg5[%dma_start3A_78, %dma_start3A_79] : memref<8x64xi32, #tpu.memory_space<vmem>> -> memref<1x64xi32, #tpu.memory_space<vmem>>
    %dma_start3A_81 = tpu.memref_squeeze %dma_start3A_80 : memref<1x64xi32, #tpu.memory_space<vmem>> -> memref<64xi32, #tpu.memory_space<vmem>>
    %dma_start3A_82 = tpu.memref_slice %arg3[%add3A_77] : memref<8192xi32, #tpu.memory_space<hbm>> -> memref<64xi32, #tpu.memory_space<hbm>>
    %dma_start3A_83 = arith.constant 0 : i32
    %dma_start3A_84 = tpu.memref_slice %arg5[%dma_start3A_78, %dma_start3A_83] : memref<8x64xi32, #tpu.memory_space<vmem>> -> memref<1x64xi32, #tpu.memory_space<vmem>>
    %dma_start3A_85 = tpu.memref_squeeze %dma_start3A_84 : memref<1x64xi32, #tpu.memory_space<vmem>> -> memref<64xi32, #tpu.memory_space<vmem>>
    %dma_start3A_86 = tpu.memref_slice %arg3[%add3A_77] : memref<8192xi32, #tpu.memory_space<hbm>> -> memref<64xi32, #tpu.memory_space<hbm>>
    tpu.enqueue_dma source(%dma_start3A_86 : memref<64xi32, #tpu.memory_space<hbm>>) target(%dma_start3A_85 : memref<64xi32, #tpu.memory_space<vmem>>) target_semaphore(%arg12 : memref<!tpu.dma_semaphore, #tpu.memory_space<semaphore_mem>>)
    %iota3A = tpu.iota {dimensions = array<i32: 0>} : vector<16xi32>
    %dma_wait3A = arith.constant 0 : i32
    %dma_wait3A_87 = arith.constant 0 : i32
    %dma_wait3A_88 = tpu.memref_slice %arg5[%dma_wait3A, %dma_wait3A_87] : memref<8x64xi32, #tpu.memory_space<vmem>> -> memref<1x64xi32, #tpu.memory_space<vmem>>
    %dma_wait3A_89 = tpu.memref_squeeze %dma_wait3A_88 : memref<1x64xi32, #tpu.memory_space<vmem>> -> memref<64xi32, #tpu.memory_space<vmem>>
    %dma_wait3A_90 = tpu.memref_slice %arg3[%add3A_1] : memref<8192xi32, #tpu.memory_space<hbm>> -> memref<64xi32, #tpu.memory_space<hbm>>
    %dma_wait3A_91 = arith.constant 0 : i32
    %dma_wait3A_92 = tpu.memref_slice %arg5[%dma_wait3A, %dma_wait3A_91] : memref<8x64xi32, #tpu.memory_space<vmem>> -> memref<1x64xi32, #tpu.memory_space<vmem>>
    %dma_wait3A_93 = tpu.memref_squeeze %dma_wait3A_92 : memref<1x64xi32, #tpu.memory_space<vmem>> -> memref<64xi32, #tpu.memory_space<vmem>>
    %dma_wait3A_94 = tpu.memref_slice %arg3[%add3A_1] : memref<8192xi32, #tpu.memory_space<hbm>> -> memref<64xi32, #tpu.memory_space<hbm>>
    tpu.wait_dma2 semaphore(%arg12 : memref<!tpu.dma_semaphore, #tpu.memory_space<semaphore_mem>>) src(%dma_wait3A_94 : memref<64xi32, #tpu.memory_space<hbm>>) dst(%dma_wait3A_93 : memref<64xi32, #tpu.memory_space<vmem>>)
    %add3A_95 = arith.constant 0 : i32
    %add3A_96 = arith.addi %mul3A_0, %add3A_95 : i32
    %add3A_97 = arith.constant 0 : i32
    %add3A_98 = arith.addi %add3A_96, %add3A_97 : i32
    %add3A_99 = vector.broadcast %add3A_98 : i32 to vector<16xi32>
    %add3A_100 = arith.addi %add3A_99, %iota3A : vector<16xi32>
    %get3A = arith.constant 0 : i32
    %get3A_101 = arith.index_cast %get3A : i32 to index
    %get3A_102 = arith.constant 0 : index
    %get3A_103 = tpu.vector_load %arg5[%get3A_101, %get3A_102] {strides = array<i32>} : memref<8x64xi32, #tpu.memory_space<vmem>>, vector<16xi32>,
    %shift_right_arithmetic3A = arith.constant 3 : i32
    %shift_right_arithmetic3A_104 = vector.broadcast %shift_right_arithmetic3A : i32 to vector<16xi32>
    %shift_right_arithmetic3A_105 = arith.shrsi %add3A_100, %shift_right_arithmetic3A_104 : vector<16xi32>
    %mul3A_106 = arith.constant 64 : i32
    %mul3A_107 = vector.broadcast %mul3A_106 : i32 to vector<16xi32>
    %mul3A_108 = arith.muli %shift_right_arithmetic3A_105, %mul3A_107 : vector<16xi32>
    %shift_right_arithmetic3A_109 = arith.constant 7 : i32
    %shift_right_arithmetic3A_110 = vector.broadcast %shift_right_arithmetic3A_109 : i32 to vector<16xi32>
    %shift_right_arithmetic3A_111 = arith.shrsi %get3A_103, %shift_right_arithmetic3A_110 : vector<16xi32>
    %add3A_112 = arith.addi %mul3A_108, %shift_right_arithmetic3A_111 : vector<16xi32>
    %mul3A_113 = arith.constant 8 : i32
    %mul3A_114 = vector.broadcast %mul3A_113 : i32 to vector<16xi32>
    %mul3A_115 = arith.muli %add3A_112, %mul3A_114 : vector<16xi32>
    %and3A = arith.constant 7 : i32
    %and3A_116 = vector.broadcast %and3A : i32 to vector<16xi32>
    %and3A_117 = arith.andi %add3A_100, %and3A_116 : vector<16xi32>
    %add3A_118 = arith.addi %mul3A_115, %and3A_117 : vector<16xi32>
    %mul3A_119 = arith.constant 8 : i32
    %mul3A_120 = vector.broadcast %mul3A_119 : i32 to vector<16xi32>
    %mul3A_121 = arith.muli %add3A_118, %mul3A_120 : vector<16xi32>
    %shift_right_arithmetic3A_122 = arith.constant 4 : i32
    %shift_right_arithmetic3A_123 = vector.broadcast %shift_right_arithmetic3A_122 : i32 to vector<16xi32>
    %shift_right_arithmetic3A_124 = arith.shrsi %get3A_103, %shift_right_arithmetic3A_123 : vector<16xi32>
    %and3A_125 = arith.constant 7 : i32
    %and3A_126 = vector.broadcast %and3A_125 : i32 to vector<16xi32>
    %and3A_127 = arith.andi %shift_right_arithmetic3A_124, %and3A_126 : vector<16xi32>
    %add3A_128 = arith.addi %mul3A_121, %and3A_127 : vector<16xi32>
    %swap3A = arith.constant 0 : i32
    %swap3A_129 = arith.index_cast %swap3A : i32 to index
    %swap3A_130 = arith.constant 0 : index
    %swap3A_131 = tpu.vector_load %arg6[%swap3A_129, %swap3A_130] {strides = array<i32>} : memref<8x64xi32, #tpu.memory_space<vmem>>, vector<16xi32>,
    tpu.vector_store %arg6[%swap3A_129, %swap3A_130], %add3A_128 {strides = array<i32>} : memref<8x64xi32, #tpu.memory_space<vmem>>, vector<16xi32>,
    %add3A_132 = arith.constant 0 : i32
    %add3A_133 = arith.addi %mul3A_0, %add3A_132 : i32
    %add3A_134 = arith.constant 16 : i32
    %add3A_135 = arith.addi %add3A_133, %add3A_134 : i32
    %add3A_136 = vector.broadcast %add3A_135 : i32 to vector<16xi32>
    %add3A_137 = arith.addi %add3A_136, %iota3A : vector<16xi32>
    %get3A_138 = arith.constant 0 : i32
    %get3A_139 = arith.index_cast %get3A_138 : i32 to index
    %get3A_140 = arith.constant 16 : index
    %get3A_141 = tpu.vector_load %arg5[%get3A_139, %get3A_140] {strides = array<i32>} : memref<8x64xi32, #tpu.memory_space<vmem>>, vector<16xi32>,
    %shift_right_arithmetic3A_142 = arith.constant 3 : i32
    %shift_right_arithmetic3A_143 = vector.broadcast %shift_right_arithmetic3A_142 : i32 to vector<16xi32>
    %shift_right_arithmetic3A_144 = arith.shrsi %add3A_137, %shift_right_arithmetic3A_143 : vector<16xi32>
    %mul3A_145 = arith.constant 64 : i32
    %mul3A_146 = vector.broadcast %mul3A_145 : i32 to vector<16xi32>
    %mul3A_147 = arith.muli %shift_right_arithmetic3A_144, %mul3A_146 : vector<16xi32>
    %shift_right_arithmetic3A_148 = arith.constant 7 : i32
    %shift_right_arithmetic3A_149 = vector.broadcast %shift_right_arithmetic3A_148 : i32 to vector<16xi32>
    %shift_right_arithmetic3A_150 = arith.shrsi %get3A_141, %shift_right_arithmetic3A_149 : vector<16xi32>
    %add3A_151 = arith.addi %mul3A_147, %shift_right_arithmetic3A_150 : vector<16xi32>
    %mul3A_152 = arith.constant 8 : i32
    %mul3A_153 = vector.broadcast %mul3A_152 : i32 to vector<16xi32>
    %mul3A_154 = arith.muli %add3A_151, %mul3A_153 : vector<16xi32>
    %and3A_155 = arith.constant 7 : i32
    %and3A_156 = vector.broadcast %and3A_155 : i32 to vector<16xi32>
    %and3A_157 = arith.andi %add3A_137, %and3A_156 : vector<16xi32>
    %add3A_158 = arith.addi %mul3A_154, %and3A_157 : vector<16xi32>
    %mul3A_159 = arith.constant 8 : i32
    %mul3A_160 = vector.broadcast %mul3A_159 : i32 to vector<16xi32>
    %mul3A_161 = arith.muli %add3A_158, %mul3A_160 : vector<16xi32>
    %shift_right_arithmetic3A_162 = arith.constant 4 : i32
    %shift_right_arithmetic3A_163 = vector.broadcast %shift_right_arithmetic3A_162 : i32 to vector<16xi32>
    %shift_right_arithmetic3A_164 = arith.shrsi %get3A_141, %shift_right_arithmetic3A_163 : vector<16xi32>
    %and3A_165 = arith.constant 7 : i32
    %and3A_166 = vector.broadcast %and3A_165 : i32 to vector<16xi32>
    %and3A_167 = arith.andi %shift_right_arithmetic3A_164, %and3A_166 : vector<16xi32>
    %add3A_168 = arith.addi %mul3A_161, %and3A_167 : vector<16xi32>
    %swap3A_169 = arith.constant 0 : i32
    %swap3A_170 = arith.index_cast %swap3A_169 : i32 to index
    %swap3A_171 = arith.constant 16 : index
    %swap3A_172 = tpu.vector_load %arg6[%swap3A_170, %swap3A_171] {strides = array<i32>} : memref<8x64xi32, #tpu.memory_space<vmem>>, vector<16xi32>,
    tpu.vector_store %arg6[%swap3A_170, %swap3A_171], %add3A_168 {strides = array<i32>} : memref<8x64xi32, #tpu.memory_space<vmem>>, vector<16xi32>,
    %add3A_173 = arith.constant 0 : i32
    %add3A_174 = arith.addi %mul3A_0, %add3A_173 : i32
    %add3A_175 = arith.constant 32 : i32
    %add3A_176 = arith.addi %add3A_174, %add3A_175 : i32
    %add3A_177 = vector.broadcast %add3A_176 : i32 to vector<16xi32>
    %add3A_178 = arith.addi %add3A_177, %iota3A : vector<16xi32>
    %get3A_179 = arith.constant 0 : i32
    %get3A_180 = arith.index_cast %get3A_179 : i32 to index
    %get3A_181 = arith.constant 32 : index
    %get3A_182 = tpu.vector_load %arg5[%get3A_180, %get3A_181] {strides = array<i32>} : memref<8x64xi32, #tpu.memory_space<vmem>>, vector<16xi32>,
    %shift_right_arithmetic3A_183 = arith.constant 3 : i32
    %shift_right_arithmetic3A_184 = vector.broadcast %shift_right_arithmetic3A_183 : i32 to vector<16xi32>
    %shift_right_arithmetic3A_185 = arith.shrsi %add3A_178, %shift_right_arithmetic3A_184 : vector<16xi32>
    %mul3A_186 = arith.constant 64 : i32
    %mul3A_187 = vector.broadcast %mul3A_186 : i32 to vector<16xi32>
    %mul3A_188 = arith.muli %shift_right_arithmetic3A_185, %mul3A_187 : vector<16xi32>
    %shift_right_arithmetic3A_189 = arith.constant 7 : i32
    %shift_right_arithmetic3A_190 = vector.broadcast %shift_right_arithmetic3A_189 : i32 to vector<16xi32>
    %shift_right_arithmetic3A_191 = arith.shrsi %get3A_182, %shift_right_arithmetic3A_190 : vector<16xi32>
    %add3A_192 = arith.addi %mul3A_188, %shift_right_arithmetic3A_191 : vector<16xi32>
    %mul3A_193 = arith.constant 8 : i32
    %mul3A_194 = vector.broadcast %mul3A_193 : i32 to vector<16xi32>
    %mul3A_195 = arith.muli %add3A_192, %mul3A_194 : vector<16xi32>
    %and3A_196 = arith.constant 7 : i32
    %and3A_197 = vector.broadcast %and3A_196 : i32 to vector<16xi32>
    %and3A_198 = arith.andi %add3A_178, %and3A_197 : vector<16xi32>
    %add3A_199 = arith.addi %mul3A_195, %and3A_198 : vector<16xi32>
    %mul3A_200 = arith.constant 8 : i32
    %mul3A_201 = vector.broadcast %mul3A_200 : i32 to vector<16xi32>
    %mul3A_202 = arith.muli %add3A_199, %mul3A_201 : vector<16xi32>
    %shift_right_arithmetic3A_203 = arith.constant 4 : i32
    %shift_right_arithmetic3A_204 = vector.broadcast %shift_right_arithmetic3A_203 : i32 to vector<16xi32>
    %shift_right_arithmetic3A_205 = arith.shrsi %get3A_182, %shift_right_arithmetic3A_204 : vector<16xi32>
    %and3A_206 = arith.constant 7 : i32
    %and3A_207 = vector.broadcast %and3A_206 : i32 to vector<16xi32>
    %and3A_208 = arith.andi %shift_right_arithmetic3A_205, %and3A_207 : vector<16xi32>
    %add3A_209 = arith.addi %mul3A_202, %and3A_208 : vector<16xi32>
    %swap3A_210 = arith.constant 0 : i32
    %swap3A_211 = arith.index_cast %swap3A_210 : i32 to index
    %swap3A_212 = arith.constant 32 : index
    %swap3A_213 = tpu.vector_load %arg6[%swap3A_211, %swap3A_212] {strides = array<i32>} : memref<8x64xi32, #tpu.memory_space<vmem>>, vector<16xi32>,
    tpu.vector_store %arg6[%swap3A_211, %swap3A_212], %add3A_209 {strides = array<i32>} : memref<8x64xi32, #tpu.memory_space<vmem>>, vector<16xi32>,
    %add3A_214 = arith.constant 0 : i32
    %add3A_215 = arith.addi %mul3A_0, %add3A_214 : i32
    %add3A_216 = arith.constant 48 : i32
    %add3A_217 = arith.addi %add3A_215, %add3A_216 : i32
    %add3A_218 = vector.broadcast %add3A_217 : i32 to vector<16xi32>
    %add3A_219 = arith.addi %add3A_218, %iota3A : vector<16xi32>
    %get3A_220 = arith.constant 0 : i32
    %get3A_221 = arith.index_cast %get3A_220 : i32 to index
    %get3A_222 = arith.constant 48 : index
    %get3A_223 = tpu.vector_load %arg5[%get3A_221, %get3A_222] {strides = array<i32>} : memref<8x64xi32, #tpu.memory_space<vmem>>, vector<16xi32>,
    %shift_right_arithmetic3A_224 = arith.constant 3 : i32
    %shift_right_arithmetic3A_225 = vector.broadcast %shift_right_arithmetic3A_224 : i32 to vector<16xi32>
    %shift_right_arithmetic3A_226 = arith.shrsi %add3A_219, %shift_right_arithmetic3A_225 : vector<16xi32>
    %mul3A_227 = arith.constant 64 : i32
    %mul3A_228 = vector.broadcast %mul3A_227 : i32 to vector<16xi32>
    %mul3A_229 = arith.muli %shift_right_arithmetic3A_226, %mul3A_228 : vector<16xi32>
    %shift_right_arithmetic3A_230 = arith.constant 7 : i32
    %shift_right_arithmetic3A_231 = vector.broadcast %shift_right_arithmetic3A_230 : i32 to vector<16xi32>
    %shift_right_arithmetic3A_232 = arith.shrsi %get3A_223, %shift_right_arithmetic3A_231 : vector<16xi32>
    %add3A_233 = arith.addi %mul3A_229, %shift_right_arithmetic3A_232 : vector<16xi32>
    %mul3A_234 = arith.constant 8 : i32
    %mul3A_235 = vector.broadcast %mul3A_234 : i32 to vector<16xi32>
    %mul3A_236 = arith.muli %add3A_233, %mul3A_235 : vector<16xi32>
    %and3A_237 = arith.constant 7 : i32
    %and3A_238 = vector.broadcast %and3A_237 : i32 to vector<16xi32>
    %and3A_239 = arith.andi %add3A_219, %and3A_238 : vector<16xi32>
    %add3A_240 = arith.addi %mul3A_236, %and3A_239 : vector<16xi32>
    %mul3A_241 = arith.constant 8 : i32
    %mul3A_242 = vector.broadcast %mul3A_241 : i32 to vector<16xi32>
    %mul3A_243 = arith.muli %add3A_240, %mul3A_242 : vector<16xi32>
    %shift_right_arithmetic3A_244 = arith.constant 4 : i32
    %shift_right_arithmetic3A_245 = vector.broadcast %shift_right_arithmetic3A_244 : i32 to vector<16xi32>
    %shift_right_arithmetic3A_246 = arith.shrsi %get3A_223, %shift_right_arithmetic3A_245 : vector<16xi32>
    %and3A_247 = arith.constant 7 : i32
    %and3A_248 = vector.broadcast %and3A_247 : i32 to vector<16xi32>
    %and3A_249 = arith.andi %shift_right_arithmetic3A_246, %and3A_248 : vector<16xi32>
    %add3A_250 = arith.addi %mul3A_243, %and3A_249 : vector<16xi32>
    %swap3A_251 = arith.constant 0 : i32
    %swap3A_252 = arith.index_cast %swap3A_251 : i32 to index
    %swap3A_253 = arith.constant 48 : index
    %swap3A_254 = tpu.vector_load %arg6[%swap3A_252, %swap3A_253] {strides = array<i32>} : memref<8x64xi32, #tpu.memory_space<vmem>>, vector<16xi32>,
    tpu.vector_store %arg6[%swap3A_252, %swap3A_253], %add3A_250 {strides = array<i32>} : memref<8x64xi32, #tpu.memory_space<vmem>>, vector<16xi32>,
    %dma_start3A_255 = arith.constant 0 : i32
    %dma_start3A_256 = arith.constant 0 : i32
    %dma_start3A_257 = arith.constant 0 : i32
    %dma_start3A_258 = tpu.memref_slice %arg7[%dma_start3A_256, %dma_start3A_257] : memref<512x16xf32, #tpu.memory_space<vmem>> -> memref<64x16xf32, #tpu.memory_space<vmem>>
    %dma_start3A_259 = arith.constant 0 : i32
    %dma_start3A_260 = tpu.memref_slice %arg6[%dma_start3A_255, %dma_start3A_259] : memref<8x64xi32, #tpu.memory_space<vmem>> -> memref<1x64xi32, #tpu.memory_space<vmem>>
    %dma_start3A_261 = tpu.memref_squeeze %dma_start3A_260 : memref<1x64xi32, #tpu.memory_space<vmem>> -> memref<64xi32, #tpu.memory_space<vmem>>
    %dma_start3A_262 = arith.constant 0 : i32
    %dma_start3A_263 = arith.constant 0 : i32
    %dma_start3A_264 = tpu.memref_slice %arg2[%dma_start3A_262, %dma_start3A_263] : memref<4194304x16xf32, #tpu.memory_space<hbm>> -> memref<4194304x16xf32, #tpu.memory_space<hbm>>
    tpu.enqueue_indirect_dma source(%dma_start3A_264 : memref<4194304x16xf32, #tpu.memory_space<hbm>>) target(%dma_start3A_258 : memref<64x16xf32, #tpu.memory_space<vmem>>) offsets(%dma_start3A_261 : memref<64xi32, #tpu.memory_space<vmem>>) semaphore(%arg11 : memref<!tpu.dma_semaphore, #tpu.memory_space<semaphore_mem>>)
    %dma_wait3A_265 = arith.constant 1 : i32
    %dma_wait3A_266 = arith.constant 0 : i32
    %dma_wait3A_267 = tpu.memref_slice %arg5[%dma_wait3A_265, %dma_wait3A_266] : memref<8x64xi32, #tpu.memory_space<vmem>> -> memref<1x64xi32, #tpu.memory_space<vmem>>
    %dma_wait3A_268 = tpu.memref_squeeze %dma_wait3A_267 : memref<1x64xi32, #tpu.memory_space<vmem>> -> memref<64xi32, #tpu.memory_space<vmem>>
    %dma_wait3A_269 = tpu.memref_slice %arg3[%add3A_11] : memref<8192xi32, #tpu.memory_space<hbm>> -> memref<64xi32, #tpu.memory_space<hbm>>
    %dma_wait3A_270 = arith.constant 0 : i32
    %dma_wait3A_271 = tpu.memref_slice %arg5[%dma_wait3A_265, %dma_wait3A_270] : memref<8x64xi32, #tpu.memory_space<vmem>> -> memref<1x64xi32, #tpu.memory_space<vmem>>
    %dma_wait3A_272 = tpu.memref_squeeze %dma_wait3A_271 : memref<1x64xi32, #tpu.memory_space<vmem>> -> memref<64xi32, #tpu.memory_space<vmem>>
    %dma_wait3A_273 = tpu.memref_slice %arg3[%add3A_11] : memref<8192xi32, #tpu.memory_space<hbm>> -> memref<64xi32, #tpu.memory_space<hbm>>
    tpu.wait_dma2 semaphore(%arg12 : memref<!tpu.dma_semaphore, #tpu.memory_space<semaphore_mem>>) src(%dma_wait3A_273 : memref<64xi32, #tpu.memory_space<hbm>>) dst(%dma_wait3A_272 : memref<64xi32, #tpu.memory_space<vmem>>)
    %add3A_274 = arith.constant 64 : i32
    %add3A_275 = arith.addi %mul3A_0, %add3A_274 : i32
    %add3A_276 = arith.constant 0 : i32
    %add3A_277 = arith.addi %add3A_275, %add3A_276 : i32
    %add3A_278 = vector.broadcast %add3A_277 : i32 to vector<16xi32>
    %add3A_279 = arith.addi %add3A_278, %iota3A : vector<16xi32>
    %get3A_280 = arith.constant 1 : i32
    %get3A_281 = arith.index_cast %get3A_280 : i32 to index
    %get3A_282 = arith.constant 0 : index
    %get3A_283 = tpu.vector_load %arg5[%get3A_281, %get3A_282] {strides = array<i32>} : memref<8x64xi32, #tpu.memory_space<vmem>>, vector<16xi32>,
    %shift_right_arithmetic3A_284 = arith.constant 3 : i32
    %shift_right_arithmetic3A_285 = vector.broadcast %shift_right_arithmetic3A_284 : i32 to vector<16xi32>
    %shift_right_arithmetic3A_286 = arith.shrsi %add3A_279, %shift_right_arithmetic3A_285 : vector<16xi32>
    %mul3A_287 = arith.constant 64 : i32
    %mul3A_288 = vector.broadcast %mul3A_287 : i32 to vector<16xi32>
    %mul3A_289 = arith.muli %shift_right_arithmetic3A_286, %mul3A_288 : vector<16xi32>
    %shift_right_arithmetic3A_290 = arith.constant 7 : i32
    %shift_right_arithmetic3A_291 = vector.broadcast %shift_right_arithmetic3A_290 : i32 to vector<16xi32>
    %shift_right_arithmetic3A_292 = arith.shrsi %get3A_283, %shift_right_arithmetic3A_291 : vector<16xi32>
    %add3A_293 = arith.addi %mul3A_289, %shift_right_arithmetic3A_292 : vector<16xi32>
    %mul3A_294 = arith.constant 8 : i32
    %mul3A_295 = vector.broadcast %mul3A_294 : i32 to vector<16xi32>
    %mul3A_296 = arith.muli %add3A_293, %mul3A_295 : vector<16xi32>
    %and3A_297 = arith.constant 7 : i32
    %and3A_298 = vector.broadcast %and3A_297 : i32 to vector<16xi32>
    %and3A_299 = arith.andi %add3A_279, %and3A_298 : vector<16xi32>
    %add3A_300 = arith.addi %mul3A_296, %and3A_299 : vector<16xi32>
    %mul3A_301 = arith.constant 8 : i32
    %mul3A_302 = vector.broadcast %mul3A_301 : i32 to vector<16xi32>
    %mul3A_303 = arith.muli %add3A_300, %mul3A_302 : vector<16xi32>
    %shift_right_arithmetic3A_304 = arith.constant 4 : i32
    %shift_right_arithmetic3A_305 = vector.broadcast %shift_right_arithmetic3A_304 : i32 to vector<16xi32>
    %shift_right_arithmetic3A_306 = arith.shrsi %get3A_283, %shift_right_arithmetic3A_305 : vector<16xi32>
    %and3A_307 = arith.constant 7 : i32
    %and3A_308 = vector.broadcast %and3A_307 : i32 to vector<16xi32>
    %and3A_309 = arith.andi %shift_right_arithmetic3A_306, %and3A_308 : vector<16xi32>
    %add3A_310 = arith.addi %mul3A_303, %and3A_309 : vector<16xi32>
    %swap3A_311 = arith.constant 1 : i32
    %swap3A_312 = arith.index_cast %swap3A_311 : i32 to index
    %swap3A_313 = arith.constant 0 : index
    %swap3A_314 = tpu.vector_load %arg6[%swap3A_312, %swap3A_313] {strides = array<i32>} : memref<8x64xi32, #tpu.memory_space<vmem>>, vector<16xi32>,
    tpu.vector_store %arg6[%swap3A_312, %swap3A_313], %add3A_310 {strides = array<i32>} : memref<8x64xi32, #tpu.memory_space<vmem>>, vector<16xi32>,
    %add3A_315 = arith.constant 64 : i32
    %add3A_316 = arith.addi %mul3A_0, %add3A_315 : i32
    %add3A_317 = arith.constant 16 : i32
    %add3A_318 = arith.addi %add3A_316, %add3A_317 : i32
    %add3A_319 = vector.broadcast %add3A_318 : i32 to vector<16xi32>
    %add3A_320 = arith.addi %add3A_319, %iota3A : vector<16xi32>
    %get3A_321 = arith.constant 1 : i32
    %get3A_322 = arith.index_cast %get3A_321 : i32 to index
    %get3A_323 = arith.constant 16 : index
    %get3A_324 = tpu.vector_load %arg5[%get3A_322, %get3A_323] {strides = array<i32>} : memref<8x64xi32, #tpu.memory_space<vmem>>, vector<16xi32>,
    %shift_right_arithmetic3A_325 = arith.constant 3 : i32
    %shift_right_arithmetic3A_326 = vector.broadcast %shift_right_arithmetic3A_325 : i32 to vector<16xi32>
    %shift_right_arithmetic3A_327 = arith.shrsi %add3A_320, %shift_right_arithmetic3A_326 : vector<16xi32>
    %mul3A_328 = arith.constant 64 : i32
    %mul3A_329 = vector.broadcast %mul3A_328 : i32 to vector<16xi32>
    %mul3A_330 = arith.muli %shift_right_arithmetic3A_327, %mul3A_329 : vector<16xi32>
    %shift_right_arithmetic3A_331 = arith.constant 7 : i32
    %shift_right_arithmetic3A_332 = vector.broadcast %shift_right_arithmetic3A_331 : i32 to vector<16xi32>
    %shift_right_arithmetic3A_333 = arith.shrsi %get3A_324, %shift_right_arithmetic3A_332 : vector<16xi32>
    %add3A_334 = arith.addi %mul3A_330, %shift_right_arithmetic3A_333 : vector<16xi32>
    %mul3A_335 = arith.constant 8 : i32
    %mul3A_336 = vector.broadcast %mul3A_335 : i32 to vector<16xi32>
    %mul3A_337 = arith.muli %add3A_334, %mul3A_336 : vector<16xi32>
    %and3A_338 = arith.constant 7 : i32
    %and3A_339 = vector.broadcast %and3A_338 : i32 to vector<16xi32>
    %and3A_340 = arith.andi %add3A_320, %and3A_339 : vector<16xi32>
    %add3A_341 = arith.addi %mul3A_337, %and3A_340 : vector<16xi32>
    %mul3A_342 = arith.constant 8 : i32
    %mul3A_343 = vector.broadcast %mul3A_342 : i32 to vector<16xi32>
    %mul3A_344 = arith.muli %add3A_341, %mul3A_343 : vector<16xi32>
    %shift_right_arithmetic3A_345 = arith.constant 4 : i32
    %shift_right_arithmetic3A_346 = vector.broadcast %shift_right_arithmetic3A_345 : i32 to vector<16xi32>
    %shift_right_arithmetic3A_347 = arith.shrsi %get3A_324, %shift_right_arithmetic3A_346 : vector<16xi32>
    %and3A_348 = arith.constant 7 : i32
    %and3A_349 = vector.broadcast %and3A_348 : i32 to vector<16xi32>
    %and3A_350 = arith.andi %shift_right_arithmetic3A_347, %and3A_349 : vector<16xi32>
    %add3A_351 = arith.addi %mul3A_344, %and3A_350 : vector<16xi32>
    %swap3A_352 = arith.constant 1 : i32
    %swap3A_353 = arith.index_cast %swap3A_352 : i32 to index
    %swap3A_354 = arith.constant 16 : index
    %swap3A_355 = tpu.vector_load %arg6[%swap3A_353, %swap3A_354] {strides = array<i32>} : memref<8x64xi32, #tpu.memory_space<vmem>>, vector<16xi32>,
    tpu.vector_store %arg6[%swap3A_353, %swap3A_354], %add3A_351 {strides = array<i32>} : memref<8x64xi32, #tpu.memory_space<vmem>>, vector<16xi32>,
    %add3A_356 = arith.constant 64 : i32
    %add3A_357 = arith.addi %mul3A_0, %add3A_356 : i32
    %add3A_358 = arith.constant 32 : i32
    %add3A_359 = arith.addi %add3A_357, %add3A_358 : i32
    %add3A_360 = vector.broadcast %add3A_359 : i32 to vector<16xi32>
    %add3A_361 = arith.addi %add3A_360, %iota3A : vector<16xi32>
    %get3A_362 = arith.constant 1 : i32
    %get3A_363 = arith.index_cast %get3A_362 : i32 to index
    %get3A_364 = arith.constant 32 : index
    %get3A_365 = tpu.vector_load %arg5[%get3A_363, %get3A_364] {strides = array<i32>} : memref<8x64xi32, #tpu.memory_space<vmem>>, vector<16xi32>,
    %shift_right_arithmetic3A_366 = arith.constant 3 : i32
    %shift_right_arithmetic3A_367 = vector.broadcast %shift_right_arithmetic3A_366 : i32 to vector<16xi32>
    %shift_right_arithmetic3A_368 = arith.shrsi %add3A_361, %shift_right_arithmetic3A_367 : vector<16xi32>
    %mul3A_369 = arith.constant 64 : i32
    %mul3A_370 = vector.broadcast %mul3A_369 : i32 to vector<16xi32>
    %mul3A_371 = arith.muli %shift_right_arithmetic3A_368, %mul3A_370 : vector<16xi32>
    %shift_right_arithmetic3A_372 = arith.constant 7 : i32
    %shift_right_arithmetic3A_373 = vector.broadcast %shift_right_arithmetic3A_372 : i32 to vector<16xi32>
    %shift_right_arithmetic3A_374 = arith.shrsi %get3A_365, %shift_right_arithmetic3A_373 : vector<16xi32>
    %add3A_375 = arith.addi %mul3A_371, %shift_right_arithmetic3A_374 : vector<16xi32>
    %mul3A_376 = arith.constant 8 : i32
    %mul3A_377 = vector.broadcast %mul3A_376 : i32 to vector<16xi32>
    %mul3A_378 = arith.muli %add3A_375, %mul3A_377 : vector<16xi32>
    %and3A_379 = arith.constant 7 : i32
    %and3A_380 = vector.broadcast %and3A_379 : i32 to vector<16xi32>
    %and3A_381 = arith.andi %add3A_361, %and3A_380 : vector<16xi32>
    %add3A_382 = arith.addi %mul3A_378, %and3A_381 : vector<16xi32>
    %mul3A_383 = arith.constant 8 : i32
    %mul3A_384 = vector.broadcast %mul3A_383 : i32 to vector<16xi32>
    %mul3A_385 = arith.muli %add3A_382, %mul3A_384 : vector<16xi32>
    %shift_right_arithmetic3A_386 = arith.constant 4 : i32
    %shift_right_arithmetic3A_387 = vector.broadcast %shift_right_arithmetic3A_386 : i32 to vector<16xi32>
    %shift_right_arithmetic3A_388 = arith.shrsi %get3A_365, %shift_right_arithmetic3A_387 : vector<16xi32>
    %and3A_389 = arith.constant 7 : i32
    %and3A_390 = vector.broadcast %and3A_389 : i32 to vector<16xi32>
    %and3A_391 = arith.andi %shift_right_arithmetic3A_388, %and3A_390 : vector<16xi32>
    %add3A_392 = arith.addi %mul3A_385, %and3A_391 : vector<16xi32>
    %swap3A_393 = arith.constant 1 : i32
    %swap3A_394 = arith.index_cast %swap3A_393 : i32 to index
    %swap3A_395 = arith.constant 32 : index
    %swap3A_396 = tpu.vector_load %arg6[%swap3A_394, %swap3A_395] {strides = array<i32>} : memref<8x64xi32, #tpu.memory_space<vmem>>, vector<16xi32>,
    tpu.vector_store %arg6[%swap3A_394, %swap3A_395], %add3A_392 {strides = array<i32>} : memref<8x64xi32, #tpu.memory_space<vmem>>, vector<16xi32>,
    %add3A_397 = arith.constant 64 : i32
    %add3A_398 = arith.addi %mul3A_0, %add3A_397 : i32
    %add3A_399 = arith.constant 48 : i32
    %add3A_400 = arith.addi %add3A_398, %add3A_399 : i32
    %add3A_401 = vector.broadcast %add3A_400 : i32 to vector<16xi32>
    %add3A_402 = arith.addi %add3A_401, %iota3A : vector<16xi32>
    %get3A_403 = arith.constant 1 : i32
    %get3A_404 = arith.index_cast %get3A_403 : i32 to index
    %get3A_405 = arith.constant 48 : index
    %get3A_406 = tpu.vector_load %arg5[%get3A_404, %get3A_405] {strides = array<i32>} : memref<8x64xi32, #tpu.memory_space<vmem>>, vector<16xi32>,
    %shift_right_arithmetic3A_407 = arith.constant 3 : i32
    %shift_right_arithmetic3A_408 = vector.broadcast %shift_right_arithmetic3A_407 : i32 to vector<16xi32>
    %shift_right_arithmetic3A_409 = arith.shrsi %add3A_402, %shift_right_arithmetic3A_408 : vector<16xi32>
    %mul3A_410 = arith.constant 64 : i32
    %mul3A_411 = vector.broadcast %mul3A_410 : i32 to vector<16xi32>
    %mul3A_412 = arith.muli %shift_right_arithmetic3A_409, %mul3A_411 : vector<16xi32>
    %shift_right_arithmetic3A_413 = arith.constant 7 : i32
    %shift_right_arithmetic3A_414 = vector.broadcast %shift_right_arithmetic3A_413 : i32 to vector<16xi32>
    %shift_right_arithmetic3A_415 = arith.shrsi %get3A_406, %shift_right_arithmetic3A_414 : vector<16xi32>
    %add3A_416 = arith.addi %mul3A_412, %shift_right_arithmetic3A_415 : vector<16xi32>
    %mul3A_417 = arith.constant 8 : i32
    %mul3A_418 = vector.broadcast %mul3A_417 : i32 to vector<16xi32>
    %mul3A_419 = arith.muli %add3A_416, %mul3A_418 : vector<16xi32>
    %and3A_420 = arith.constant 7 : i32
    %and3A_421 = vector.broadcast %and3A_420 : i32 to vector<16xi32>
    %and3A_422 = arith.andi %add3A_402, %and3A_421 : vector<16xi32>
    %add3A_423 = arith.addi %mul3A_419, %and3A_422 : vector<16xi32>
    %mul3A_424 = arith.constant 8 : i32
    %mul3A_425 = vector.broadcast %mul3A_424 : i32 to vector<16xi32>
    %mul3A_426 = arith.muli %add3A_423, %mul3A_425 : vector<16xi32>
    %shift_right_arithmetic3A_427 = arith.constant 4 : i32
    %shift_right_arithmetic3A_428 = vector.broadcast %shift_right_arithmetic3A_427 : i32 to vector<16xi32>
    %shift_right_arithmetic3A_429 = arith.shrsi %get3A_406, %shift_right_arithmetic3A_428 : vector<16xi32>
    %and3A_430 = arith.constant 7 : i32
    %and3A_431 = vector.broadcast %and3A_430 : i32 to vector<16xi32>
    %and3A_432 = arith.andi %shift_right_arithmetic3A_429, %and3A_431 : vector<16xi32>
    %add3A_433 = arith.addi %mul3A_426, %and3A_432 : vector<16xi32>
    %swap3A_434 = arith.constant 1 : i32
    %swap3A_435 = arith.index_cast %swap3A_434 : i32 to index
    %swap3A_436 = arith.constant 48 : index
    %swap3A_437 = tpu.vector_load %arg6[%swap3A_435, %swap3A_436] {strides = array<i32>} : memref<8x64xi32, #tpu.memory_space<vmem>>, vector<16xi32>,
    tpu.vector_store %arg6[%swap3A_435, %swap3A_436], %add3A_433 {strides = array<i32>} : memref<8x64xi32, #tpu.memory_space<vmem>>, vector<16xi32>,
    %dma_start3A_438 = arith.constant 1 : i32
    %dma_start3A_439 = arith.constant 64 : i32
    %dma_start3A_440 = arith.constant 0 : i32
    %dma_start3A_441 = tpu.memref_slice %arg7[%dma_start3A_439, %dma_start3A_440] : memref<512x16xf32, #tpu.memory_space<vmem>> -> memref<64x16xf32, #tpu.memory_space<vmem>>
    %dma_start3A_442 = arith.constant 0 : i32
    %dma_start3A_443 = tpu.memref_slice %arg6[%dma_start3A_438, %dma_start3A_442] : memref<8x64xi32, #tpu.memory_space<vmem>> -> memref<1x64xi32, #tpu.memory_space<vmem>>
    %dma_start3A_444 = tpu.memref_squeeze %dma_start3A_443 : memref<1x64xi32, #tpu.memory_space<vmem>> -> memref<64xi32, #tpu.memory_space<vmem>>
    %dma_start3A_445 = arith.constant 0 : i32
    %dma_start3A_446 = arith.constant 0 : i32
    %dma_start3A_447 = tpu.memref_slice %arg2[%dma_start3A_445, %dma_start3A_446] : memref<4194304x16xf32, #tpu.memory_space<hbm>> -> memref<4194304x16xf32, #tpu.memory_space<hbm>>
    tpu.enqueue_indirect_dma source(%dma_start3A_447 : memref<4194304x16xf32, #tpu.memory_space<hbm>>) target(%dma_start3A_441 : memref<64x16xf32, #tpu.memory_space<vmem>>) offsets(%dma_start3A_444 : memref<64xi32, #tpu.memory_space<vmem>>) semaphore(%arg11 : memref<!tpu.dma_semaphore, #tpu.memory_space<semaphore_mem>>)
    %dma_wait3A_448 = arith.constant 2 : i32
    %dma_wait3A_449 = arith.constant 0 : i32
    %dma_wait3A_450 = tpu.memref_slice %arg5[%dma_wait3A_448, %dma_wait3A_449] : memref<8x64xi32, #tpu.memory_space<vmem>> -> memref<1x64xi32, #tpu.memory_space<vmem>>
    %dma_wait3A_451 = tpu.memref_squeeze %dma_wait3A_450 : memref<1x64xi32, #tpu.memory_space<vmem>> -> memref<64xi32, #tpu.memory_space<vmem>>
    %dma_wait3A_452 = tpu.memref_slice %arg3[%add3A_22] : memref<8192xi32, #tpu.memory_space<hbm>> -> memref<64xi32, #tpu.memory_space<hbm>>
    %dma_wait3A_453 = arith.constant 0 : i32
    %dma_wait3A_454 = tpu.memref_slice %arg5[%dma_wait3A_448, %dma_wait3A_453] : memref<8x64xi32, #tpu.memory_space<vmem>> -> memref<1x64xi32, #tpu.memory_space<vmem>>
    %dma_wait3A_455 = tpu.memref_squeeze %dma_wait3A_454 : memref<1x64xi32, #tpu.memory_space<vmem>> -> memref<64xi32, #tpu.memory_space<vmem>>
    %dma_wait3A_456 = tpu.memref_slice %arg3[%add3A_22] : memref<8192xi32, #tpu.memory_space<hbm>> -> memref<64xi32, #tpu.memory_space<hbm>>
    tpu.wait_dma2 semaphore(%arg12 : memref<!tpu.dma_semaphore, #tpu.memory_space<semaphore_mem>>) src(%dma_wait3A_456 : memref<64xi32, #tpu.memory_space<hbm>>) dst(%dma_wait3A_455 : memref<64xi32, #tpu.memory_space<vmem>>)
    %add3A_457 = arith.constant 128 : i32
    %add3A_458 = arith.addi %mul3A_0, %add3A_457 : i32
    %add3A_459 = arith.constant 0 : i32
    %add3A_460 = arith.addi %add3A_458, %add3A_459 : i32
    %add3A_461 = vector.broadcast %add3A_460 : i32 to vector<16xi32>
    %add3A_462 = arith.addi %add3A_461, %iota3A : vector<16xi32>
    %get3A_463 = arith.constant 2 : i32
    %get3A_464 = arith.index_cast %get3A_463 : i32 to index
    %get3A_465 = arith.constant 0 : index
    %get3A_466 = tpu.vector_load %arg5[%get3A_464, %get3A_465] {strides = array<i32>} : memref<8x64xi32, #tpu.memory_space<vmem>>, vector<16xi32>,
    %shift_right_arithmetic3A_467 = arith.constant 3 : i32
    %shift_right_arithmetic3A_468 = vector.broadcast %shift_right_arithmetic3A_467 : i32 to vector<16xi32>
    %shift_right_arithmetic3A_469 = arith.shrsi %add3A_462, %shift_right_arithmetic3A_468 : vector<16xi32>
    %mul3A_470 = arith.constant 64 : i32
    %mul3A_471 = vector.broadcast %mul3A_470 : i32 to vector<16xi32>
    %mul3A_472 = arith.muli %shift_right_arithmetic3A_469, %mul3A_471 : vector<16xi32>
    %shift_right_arithmetic3A_473 = arith.constant 7 : i32
    %shift_right_arithmetic3A_474 = vector.broadcast %shift_right_arithmetic3A_473 : i32 to vector<16xi32>
    %shift_right_arithmetic3A_475 = arith.shrsi %get3A_466, %shift_right_arithmetic3A_474 : vector<16xi32>
    %add3A_476 = arith.addi %mul3A_472, %shift_right_arithmetic3A_475 : vector<16xi32>
    %mul3A_477 = arith.constant 8 : i32
    %mul3A_478 = vector.broadcast %mul3A_477 : i32 to vector<16xi32>
    %mul3A_479 = arith.muli %add3A_476, %mul3A_478 : vector<16xi32>
    %and3A_480 = arith.constant 7 : i32
    %and3A_481 = vector.broadcast %and3A_480 : i32 to vector<16xi32>
    %and3A_482 = arith.andi %add3A_462, %and3A_481 : vector<16xi32>
    %add3A_483 = arith.addi %mul3A_479, %and3A_482 : vector<16xi32>
    %mul3A_484 = arith.constant 8 : i32
    %mul3A_485 = vector.broadcast %mul3A_484 : i32 to vector<16xi32>
    %mul3A_486 = arith.muli %add3A_483, %mul3A_485 : vector<16xi32>
    %shift_right_arithmetic3A_487 = arith.constant 4 : i32
    %shift_right_arithmetic3A_488 = vector.broadcast %shift_right_arithmetic3A_487 : i32 to vector<16xi32>
    %shift_right_arithmetic3A_489 = arith.shrsi %get3A_466, %shift_right_arithmetic3A_488 : vector<16xi32>
    %and3A_490 = arith.constant 7 : i32
    %and3A_491 = vector.broadcast %and3A_490 : i32 to vector<16xi32>
    %and3A_492 = arith.andi %shift_right_arithmetic3A_489, %and3A_491 : vector<16xi32>
    %add3A_493 = arith.addi %mul3A_486, %and3A_492 : vector<16xi32>
    %swap3A_494 = arith.constant 2 : i32
    %swap3A_495 = arith.index_cast %swap3A_494 : i32 to index
    %swap3A_496 = arith.constant 0 : index
    %swap3A_497 = tpu.vector_load %arg6[%swap3A_495, %swap3A_496] {strides = array<i32>} : memref<8x64xi32, #tpu.memory_space<vmem>>, vector<16xi32>,
    tpu.vector_store %arg6[%swap3A_495, %swap3A_496], %add3A_493 {strides = array<i32>} : memref<8x64xi32, #tpu.memory_space<vmem>>, vector<16xi32>,
    %add3A_498 = arith.constant 128 : i32
    %add3A_499 = arith.addi %mul3A_0, %add3A_498 : i32
    %add3A_500 = arith.constant 16 : i32
    %add3A_501 = arith.addi %add3A_499, %add3A_500 : i32
    %add3A_502 = vector.broadcast %add3A_501 : i32 to vector<16xi32>
    %add3A_503 = arith.addi %add3A_502, %iota3A : vector<16xi32>
    %get3A_504 = arith.constant 2 : i32
    %get3A_505 = arith.index_cast %get3A_504 : i32 to index
    %get3A_506 = arith.constant 16 : index
    %get3A_507 = tpu.vector_load %arg5[%get3A_505, %get3A_506] {strides = array<i32>} : memref<8x64xi32, #tpu.memory_space<vmem>>, vector<16xi32>,
    %shift_right_arithmetic3A_508 = arith.constant 3 : i32
    %shift_right_arithmetic3A_509 = vector.broadcast %shift_right_arithmetic3A_508 : i32 to vector<16xi32>
    %shift_right_arithmetic3A_510 = arith.shrsi %add3A_503, %shift_right_arithmetic3A_509 : vector<16xi32>
    %mul3A_511 = arith.constant 64 : i32
    %mul3A_512 = vector.broadcast %mul3A_511 : i32 to vector<16xi32>
    %mul3A_513 = arith.muli %shift_right_arithmetic3A_510, %mul3A_512 : vector<16xi32>
    %shift_right_arithmetic3A_514 = arith.constant 7 : i32
    %shift_right_arithmetic3A_515 = vector.broadcast %shift_right_arithmetic3A_514 : i32 to vector<16xi32>
    %shift_right_arithmetic3A_516 = arith.shrsi %get3A_507, %shift_right_arithmetic3A_515 : vector<16xi32>
    %add3A_517 = arith.addi %mul3A_513, %shift_right_arithmetic3A_516 : vector<16xi32>
    %mul3A_518 = arith.constant 8 : i32
    %mul3A_519 = vector.broadcast %mul3A_518 : i32 to vector<16xi32>
    %mul3A_520 = arith.muli %add3A_517, %mul3A_519 : vector<16xi32>
    %and3A_521 = arith.constant 7 : i32
    %and3A_522 = vector.broadcast %and3A_521 : i32 to vector<16xi32>
    %and3A_523 = arith.andi %add3A_503, %and3A_522 : vector<16xi32>
    %add3A_524 = arith.addi %mul3A_520, %and3A_523 : vector<16xi32>
    %mul3A_525 = arith.constant 8 : i32
    %mul3A_526 = vector.broadcast %mul3A_525 : i32 to vector<16xi32>
    %mul3A_527 = arith.muli %add3A_524, %mul3A_526 : vector<16xi32>
    %shift_right_arithmetic3A_528 = arith.constant 4 : i32
    %shift_right_arithmetic3A_529 = vector.broadcast %shift_right_arithmetic3A_528 : i32 to vector<16xi32>
    %shift_right_arithmetic3A_530 = arith.shrsi %get3A_507, %shift_right_arithmetic3A_529 : vector<16xi32>
    %and3A_531 = arith.constant 7 : i32
    %and3A_532 = vector.broadcast %and3A_531 : i32 to vector<16xi32>
    %and3A_533 = arith.andi %shift_right_arithmetic3A_530, %and3A_532 : vector<16xi32>
    %add3A_534 = arith.addi %mul3A_527, %and3A_533 : vector<16xi32>
    %swap3A_535 = arith.constant 2 : i32
    %swap3A_536 = arith.index_cast %swap3A_535 : i32 to index
    %swap3A_537 = arith.constant 16 : index
    %swap3A_538 = tpu.vector_load %arg6[%swap3A_536, %swap3A_537] {strides = array<i32>} : memref<8x64xi32, #tpu.memory_space<vmem>>, vector<16xi32>,
    tpu.vector_store %arg6[%swap3A_536, %swap3A_537], %add3A_534 {strides = array<i32>} : memref<8x64xi32, #tpu.memory_space<vmem>>, vector<16xi32>,
    %add3A_539 = arith.constant 128 : i32
    %add3A_540 = arith.addi %mul3A_0, %add3A_539 : i32
    %add3A_541 = arith.constant 32 : i32
    %add3A_542 = arith.addi %add3A_540, %add3A_541 : i32
    %add3A_543 = vector.broadcast %add3A_542 : i32 to vector<16xi32>
    %add3A_544 = arith.addi %add3A_543, %iota3A : vector<16xi32>
    %get3A_545 = arith.constant 2 : i32
    %get3A_546 = arith.index_cast %get3A_545 : i32 to index
    %get3A_547 = arith.constant 32 : index
    %get3A_548 = tpu.vector_load %arg5[%get3A_546, %get3A_547] {strides = array<i32>} : memref<8x64xi32, #tpu.memory_space<vmem>>, vector<16xi32>,
    %shift_right_arithmetic3A_549 = arith.constant 3 : i32
    %shift_right_arithmetic3A_550 = vector.broadcast %shift_right_arithmetic3A_549 : i32 to vector<16xi32>
    %shift_right_arithmetic3A_551 = arith.shrsi %add3A_544, %shift_right_arithmetic3A_550 : vector<16xi32>
    %mul3A_552 = arith.constant 64 : i32
    %mul3A_553 = vector.broadcast %mul3A_552 : i32 to vector<16xi32>
    %mul3A_554 = arith.muli %shift_right_arithmetic3A_551, %mul3A_553 : vector<16xi32>
    %shift_right_arithmetic3A_555 = arith.constant 7 : i32
    %shift_right_arithmetic3A_556 = vector.broadcast %shift_right_arithmetic3A_555 : i32 to vector<16xi32>
    %shift_right_arithmetic3A_557 = arith.shrsi %get3A_548, %shift_right_arithmetic3A_556 : vector<16xi32>
    %add3A_558 = arith.addi %mul3A_554, %shift_right_arithmetic3A_557 : vector<16xi32>
    %mul3A_559 = arith.constant 8 : i32
    %mul3A_560 = vector.broadcast %mul3A_559 : i32 to vector<16xi32>
    %mul3A_561 = arith.muli %add3A_558, %mul3A_560 : vector<16xi32>
    %and3A_562 = arith.constant 7 : i32
    %and3A_563 = vector.broadcast %and3A_562 : i32 to vector<16xi32>
    %and3A_564 = arith.andi %add3A_544, %and3A_563 : vector<16xi32>
    %add3A_565 = arith.addi %mul3A_561, %and3A_564 : vector<16xi32>
    %mul3A_566 = arith.constant 8 : i32
    %mul3A_567 = vector.broadcast %mul3A_566 : i32 to vector<16xi32>
    %mul3A_568 = arith.muli %add3A_565, %mul3A_567 : vector<16xi32>
    %shift_right_arithmetic3A_569 = arith.constant 4 : i32
    %shift_right_arithmetic3A_570 = vector.broadcast %shift_right_arithmetic3A_569 : i32 to vector<16xi32>
    %shift_right_arithmetic3A_571 = arith.shrsi %get3A_548, %shift_right_arithmetic3A_570 : vector<16xi32>
    %and3A_572 = arith.constant 7 : i32
    %and3A_573 = vector.broadcast %and3A_572 : i32 to vector<16xi32>
    %and3A_574 = arith.andi %shift_right_arithmetic3A_571, %and3A_573 : vector<16xi32>
    %add3A_575 = arith.addi %mul3A_568, %and3A_574 : vector<16xi32>
    %swap3A_576 = arith.constant 2 : i32
    %swap3A_577 = arith.index_cast %swap3A_576 : i32 to index
    %swap3A_578 = arith.constant 32 : index
    %swap3A_579 = tpu.vector_load %arg6[%swap3A_577, %swap3A_578] {strides = array<i32>} : memref<8x64xi32, #tpu.memory_space<vmem>>, vector<16xi32>,
    tpu.vector_store %arg6[%swap3A_577, %swap3A_578], %add3A_575 {strides = array<i32>} : memref<8x64xi32, #tpu.memory_space<vmem>>, vector<16xi32>,
    %add3A_580 = arith.constant 128 : i32
    %add3A_581 = arith.addi %mul3A_0, %add3A_580 : i32
    %add3A_582 = arith.constant 48 : i32
    %add3A_583 = arith.addi %add3A_581, %add3A_582 : i32
    %add3A_584 = vector.broadcast %add3A_583 : i32 to vector<16xi32>
    %add3A_585 = arith.addi %add3A_584, %iota3A : vector<16xi32>
    %get3A_586 = arith.constant 2 : i32
    %get3A_587 = arith.index_cast %get3A_586 : i32 to index
    %get3A_588 = arith.constant 48 : index
    %get3A_589 = tpu.vector_load %arg5[%get3A_587, %get3A_588] {strides = array<i32>} : memref<8x64xi32, #tpu.memory_space<vmem>>, vector<16xi32>,
    %shift_right_arithmetic3A_590 = arith.constant 3 : i32
    %shift_right_arithmetic3A_591 = vector.broadcast %shift_right_arithmetic3A_590 : i32 to vector<16xi32>
    %shift_right_arithmetic3A_592 = arith.shrsi %add3A_585, %shift_right_arithmetic3A_591 : vector<16xi32>
    %mul3A_593 = arith.constant 64 : i32
    %mul3A_594 = vector.broadcast %mul3A_593 : i32 to vector<16xi32>
    %mul3A_595 = arith.muli %shift_right_arithmetic3A_592, %mul3A_594 : vector<16xi32>
    %shift_right_arithmetic3A_596 = arith.constant 7 : i32
    %shift_right_arithmetic3A_597 = vector.broadcast %shift_right_arithmetic3A_596 : i32 to vector<16xi32>
    %shift_right_arithmetic3A_598 = arith.shrsi %get3A_589, %shift_right_arithmetic3A_597 : vector<16xi32>
    %add3A_599 = arith.addi %mul3A_595, %shift_right_arithmetic3A_598 : vector<16xi32>
    %mul3A_600 = arith.constant 8 : i32
    %mul3A_601 = vector.broadcast %mul3A_600 : i32 to vector<16xi32>
    %mul3A_602 = arith.muli %add3A_599, %mul3A_601 : vector<16xi32>
    %and3A_603 = arith.constant 7 : i32
    %and3A_604 = vector.broadcast %and3A_603 : i32 to vector<16xi32>
    %and3A_605 = arith.andi %add3A_585, %and3A_604 : vector<16xi32>
    %add3A_606 = arith.addi %mul3A_602, %and3A_605 : vector<16xi32>
    %mul3A_607 = arith.constant 8 : i32
    %mul3A_608 = vector.broadcast %mul3A_607 : i32 to vector<16xi32>
    %mul3A_609 = arith.muli %add3A_606, %mul3A_608 : vector<16xi32>
    %shift_right_arithmetic3A_610 = arith.constant 4 : i32
    %shift_right_arithmetic3A_611 = vector.broadcast %shift_right_arithmetic3A_610 : i32 to vector<16xi32>
    %shift_right_arithmetic3A_612 = arith.shrsi %get3A_589, %shift_right_arithmetic3A_611 : vector<16xi32>
    %and3A_613 = arith.constant 7 : i32
    %and3A_614 = vector.broadcast %and3A_613 : i32 to vector<16xi32>
    %and3A_615 = arith.andi %shift_right_arithmetic3A_612, %and3A_614 : vector<16xi32>
    %add3A_616 = arith.addi %mul3A_609, %and3A_615 : vector<16xi32>
    %swap3A_617 = arith.constant 2 : i32
    %swap3A_618 = arith.index_cast %swap3A_617 : i32 to index
    %swap3A_619 = arith.constant 48 : index
    %swap3A_620 = tpu.vector_load %arg6[%swap3A_618, %swap3A_619] {strides = array<i32>} : memref<8x64xi32, #tpu.memory_space<vmem>>, vector<16xi32>,
    tpu.vector_store %arg6[%swap3A_618, %swap3A_619], %add3A_616 {strides = array<i32>} : memref<8x64xi32, #tpu.memory_space<vmem>>, vector<16xi32>,
    %dma_start3A_621 = arith.constant 2 : i32
    %dma_start3A_622 = arith.constant 128 : i32
    %dma_start3A_623 = arith.constant 0 : i32
    %dma_start3A_624 = tpu.memref_slice %arg7[%dma_start3A_622, %dma_start3A_623] : memref<512x16xf32, #tpu.memory_space<vmem>> -> memref<64x16xf32, #tpu.memory_space<vmem>>
    %dma_start3A_625 = arith.constant 0 : i32
    %dma_start3A_626 = tpu.memref_slice %arg6[%dma_start3A_621, %dma_start3A_625] : memref<8x64xi32, #tpu.memory_space<vmem>> -> memref<1x64xi32, #tpu.memory_space<vmem>>
    %dma_start3A_627 = tpu.memref_squeeze %dma_start3A_626 : memref<1x64xi32, #tpu.memory_space<vmem>> -> memref<64xi32, #tpu.memory_space<vmem>>
    %dma_start3A_628 = arith.constant 0 : i32
    %dma_start3A_629 = arith.constant 0 : i32
    %dma_start3A_630 = tpu.memref_slice %arg2[%dma_start3A_628, %dma_start3A_629] : memref<4194304x16xf32, #tpu.memory_space<hbm>> -> memref<4194304x16xf32, #tpu.memory_space<hbm>>
    tpu.enqueue_indirect_dma source(%dma_start3A_630 : memref<4194304x16xf32, #tpu.memory_space<hbm>>) target(%dma_start3A_624 : memref<64x16xf32, #tpu.memory_space<vmem>>) offsets(%dma_start3A_627 : memref<64xi32, #tpu.memory_space<vmem>>) semaphore(%arg11 : memref<!tpu.dma_semaphore, #tpu.memory_space<semaphore_mem>>)
    %dma_wait3A_631 = arith.constant 3 : i32
    %dma_wait3A_632 = arith.constant 0 : i32
    %dma_wait3A_633 = tpu.memref_slice %arg5[%dma_wait3A_631, %dma_wait3A_632] : memref<8x64xi32, #tpu.memory_space<vmem>> -> memref<1x64xi32, #tpu.memory_space<vmem>>
    %dma_wait3A_634 = tpu.memref_squeeze %dma_wait3A_633 : memref<1x64xi32, #tpu.memory_space<vmem>> -> memref<64xi32, #tpu.memory_space<vmem>>
    %dma_wait3A_635 = tpu.memref_slice %arg3[%add3A_33] : memref<8192xi32, #tpu.memory_space<hbm>> -> memref<64xi32, #tpu.memory_space<hbm>>
    %dma_wait3A_636 = arith.constant 0 : i32
    %dma_wait3A_637 = tpu.memref_slice %arg5[%dma_wait3A_631, %dma_wait3A_636] : memref<8x64xi32, #tpu.memory_space<vmem>> -> memref<1x64xi32, #tpu.memory_space<vmem>>
    %dma_wait3A_638 = tpu.memref_squeeze %dma_wait3A_637 : memref<1x64xi32, #tpu.memory_space<vmem>> -> memref<64xi32, #tpu.memory_space<vmem>>
    %dma_wait3A_639 = tpu.memref_slice %arg3[%add3A_33] : memref<8192xi32, #tpu.memory_space<hbm>> -> memref<64xi32, #tpu.memory_space<hbm>>
    tpu.wait_dma2 semaphore(%arg12 : memref<!tpu.dma_semaphore, #tpu.memory_space<semaphore_mem>>) src(%dma_wait3A_639 : memref<64xi32, #tpu.memory_space<hbm>>) dst(%dma_wait3A_638 : memref<64xi32, #tpu.memory_space<vmem>>)
    %add3A_640 = arith.constant 192 : i32
    %add3A_641 = arith.addi %mul3A_0, %add3A_640 : i32
    %add3A_642 = arith.constant 0 : i32
    %add3A_643 = arith.addi %add3A_641, %add3A_642 : i32
    %add3A_644 = vector.broadcast %add3A_643 : i32 to vector<16xi32>
    %add3A_645 = arith.addi %add3A_644, %iota3A : vector<16xi32>
    %get3A_646 = arith.constant 3 : i32
    %get3A_647 = arith.index_cast %get3A_646 : i32 to index
    %get3A_648 = arith.constant 0 : index
    %get3A_649 = tpu.vector_load %arg5[%get3A_647, %get3A_648] {strides = array<i32>} : memref<8x64xi32, #tpu.memory_space<vmem>>, vector<16xi32>,
    %shift_right_arithmetic3A_650 = arith.constant 3 : i32
    %shift_right_arithmetic3A_651 = vector.broadcast %shift_right_arithmetic3A_650 : i32 to vector<16xi32>
    %shift_right_arithmetic3A_652 = arith.shrsi %add3A_645, %shift_right_arithmetic3A_651 : vector<16xi32>
    %mul3A_653 = arith.constant 64 : i32
    %mul3A_654 = vector.broadcast %mul3A_653 : i32 to vector<16xi32>
    %mul3A_655 = arith.muli %shift_right_arithmetic3A_652, %mul3A_654 : vector<16xi32>
    %shift_right_arithmetic3A_656 = arith.constant 7 : i32
    %shift_right_arithmetic3A_657 = vector.broadcast %shift_right_arithmetic3A_656 : i32 to vector<16xi32>
    %shift_right_arithmetic3A_658 = arith.shrsi %get3A_649, %shift_right_arithmetic3A_657 : vector<16xi32>
    %add3A_659 = arith.addi %mul3A_655, %shift_right_arithmetic3A_658 : vector<16xi32>
    %mul3A_660 = arith.constant 8 : i32
    %mul3A_661 = vector.broadcast %mul3A_660 : i32 to vector<16xi32>
    %mul3A_662 = arith.muli %add3A_659, %mul3A_661 : vector<16xi32>
    %and3A_663 = arith.constant 7 : i32
    %and3A_664 = vector.broadcast %and3A_663 : i32 to vector<16xi32>
    %and3A_665 = arith.andi %add3A_645, %and3A_664 : vector<16xi32>
    %add3A_666 = arith.addi %mul3A_662, %and3A_665 : vector<16xi32>
    %mul3A_667 = arith.constant 8 : i32
    %mul3A_668 = vector.broadcast %mul3A_667 : i32 to vector<16xi32>
    %mul3A_669 = arith.muli %add3A_666, %mul3A_668 : vector<16xi32>
    %shift_right_arithmetic3A_670 = arith.constant 4 : i32
    %shift_right_arithmetic3A_671 = vector.broadcast %shift_right_arithmetic3A_670 : i32 to vector<16xi32>
    %shift_right_arithmetic3A_672 = arith.shrsi %get3A_649, %shift_right_arithmetic3A_671 : vector<16xi32>
    %and3A_673 = arith.constant 7 : i32
    %and3A_674 = vector.broadcast %and3A_673 : i32 to vector<16xi32>
    %and3A_675 = arith.andi %shift_right_arithmetic3A_672, %and3A_674 : vector<16xi32>
    %add3A_676 = arith.addi %mul3A_669, %and3A_675 : vector<16xi32>
    %swap3A_677 = arith.constant 3 : i32
    %swap3A_678 = arith.index_cast %swap3A_677 : i32 to index
    %swap3A_679 = arith.constant 0 : index
    %swap3A_680 = tpu.vector_load %arg6[%swap3A_678, %swap3A_679] {strides = array<i32>} : memref<8x64xi32, #tpu.memory_space<vmem>>, vector<16xi32>,
    tpu.vector_store %arg6[%swap3A_678, %swap3A_679], %add3A_676 {strides = array<i32>} : memref<8x64xi32, #tpu.memory_space<vmem>>, vector<16xi32>,
    %add3A_681 = arith.constant 192 : i32
    %add3A_682 = arith.addi %mul3A_0, %add3A_681 : i32
    %add3A_683 = arith.constant 16 : i32
    %add3A_684 = arith.addi %add3A_682, %add3A_683 : i32
    %add3A_685 = vector.broadcast %add3A_684 : i32 to vector<16xi32>
    %add3A_686 = arith.addi %add3A_685, %iota3A : vector<16xi32>
    %get3A_687 = arith.constant 3 : i32
    %get3A_688 = arith.index_cast %get3A_687 : i32 to index
    %get3A_689 = arith.constant 16 : index
    %get3A_690 = tpu.vector_load %arg5[%get3A_688, %get3A_689] {strides = array<i32>} : memref<8x64xi32, #tpu.memory_space<vmem>>, vector<16xi32>,
    %shift_right_arithmetic3A_691 = arith.constant 3 : i32
    %shift_right_arithmetic3A_692 = vector.broadcast %shift_right_arithmetic3A_691 : i32 to vector<16xi32>
    %shift_right_arithmetic3A_693 = arith.shrsi %add3A_686, %shift_right_arithmetic3A_692 : vector<16xi32>
    %mul3A_694 = arith.constant 64 : i32
    %mul3A_695 = vector.broadcast %mul3A_694 : i32 to vector<16xi32>
    %mul3A_696 = arith.muli %shift_right_arithmetic3A_693, %mul3A_695 : vector<16xi32>
    %shift_right_arithmetic3A_697 = arith.constant 7 : i32
    %shift_right_arithmetic3A_698 = vector.broadcast %shift_right_arithmetic3A_697 : i32 to vector<16xi32>
    %shift_right_arithmetic3A_699 = arith.shrsi %get3A_690, %shift_right_arithmetic3A_698 : vector<16xi32>
    %add3A_700 = arith.addi %mul3A_696, %shift_right_arithmetic3A_699 : vector<16xi32>
    %mul3A_701 = arith.constant 8 : i32
    %mul3A_702 = vector.broadcast %mul3A_701 : i32 to vector<16xi32>
    %mul3A_703 = arith.muli %add3A_700, %mul3A_702 : vector<16xi32>
    %and3A_704 = arith.constant 7 : i32
    %and3A_705 = vector.broadcast %and3A_704 : i32 to vector<16xi32>
    %and3A_706 = arith.andi %add3A_686, %and3A_705 : vector<16xi32>
    %add3A_707 = arith.addi %mul3A_703, %and3A_706 : vector<16xi32>
    %mul3A_708 = arith.constant 8 : i32
    %mul3A_709 = vector.broadcast %mul3A_708 : i32 to vector<16xi32>
    %mul3A_710 = arith.muli %add3A_707, %mul3A_709 : vector<16xi32>
    %shift_right_arithmetic3A_711 = arith.constant 4 : i32
    %shift_right_arithmetic3A_712 = vector.broadcast %shift_right_arithmetic3A_711 : i32 to vector<16xi32>
    %shift_right_arithmetic3A_713 = arith.shrsi %get3A_690, %shift_right_arithmetic3A_712 : vector<16xi32>
    %and3A_714 = arith.constant 7 : i32
    %and3A_715 = vector.broadcast %and3A_714 : i32 to vector<16xi32>
    %and3A_716 = arith.andi %shift_right_arithmetic3A_713, %and3A_715 : vector<16xi32>
    %add3A_717 = arith.addi %mul3A_710, %and3A_716 : vector<16xi32>
    %swap3A_718 = arith.constant 3 : i32
    %swap3A_719 = arith.index_cast %swap3A_718 : i32 to index
    %swap3A_720 = arith.constant 16 : index
    %swap3A_721 = tpu.vector_load %arg6[%swap3A_719, %swap3A_720] {strides = array<i32>} : memref<8x64xi32, #tpu.memory_space<vmem>>, vector<16xi32>,
    tpu.vector_store %arg6[%swap3A_719, %swap3A_720], %add3A_717 {strides = array<i32>} : memref<8x64xi32, #tpu.memory_space<vmem>>, vector<16xi32>,
    %add3A_722 = arith.constant 192 : i32
    %add3A_723 = arith.addi %mul3A_0, %add3A_722 : i32
    %add3A_724 = arith.constant 32 : i32
    %add3A_725 = arith.addi %add3A_723, %add3A_724 : i32
    %add3A_726 = vector.broadcast %add3A_725 : i32 to vector<16xi32>
    %add3A_727 = arith.addi %add3A_726, %iota3A : vector<16xi32>
    %get3A_728 = arith.constant 3 : i32
    %get3A_729 = arith.index_cast %get3A_728 : i32 to index
    %get3A_730 = arith.constant 32 : index
    %get3A_731 = tpu.vector_load %arg5[%get3A_729, %get3A_730] {strides = array<i32>} : memref<8x64xi32, #tpu.memory_space<vmem>>, vector<16xi32>,
    %shift_right_arithmetic3A_732 = arith.constant 3 : i32
    %shift_right_arithmetic3A_733 = vector.broadcast %shift_right_arithmetic3A_732 : i32 to vector<16xi32>
    %shift_right_arithmetic3A_734 = arith.shrsi %add3A_727, %shift_right_arithmetic3A_733 : vector<16xi32>
    %mul3A_735 = arith.constant 64 : i32
    %mul3A_736 = vector.broadcast %mul3A_735 : i32 to vector<16xi32>
    %mul3A_737 = arith.muli %shift_right_arithmetic3A_734, %mul3A_736 : vector<16xi32>
    %shift_right_arithmetic3A_738 = arith.constant 7 : i32
    %shift_right_arithmetic3A_739 = vector.broadcast %shift_right_arithmetic3A_738 : i32 to vector<16xi32>
    %shift_right_arithmetic3A_740 = arith.shrsi %get3A_731, %shift_right_arithmetic3A_739 : vector<16xi32>
    %add3A_741 = arith.addi %mul3A_737, %shift_right_arithmetic3A_740 : vector<16xi32>
    %mul3A_742 = arith.constant 8 : i32
    %mul3A_743 = vector.broadcast %mul3A_742 : i32 to vector<16xi32>
    %mul3A_744 = arith.muli %add3A_741, %mul3A_743 : vector<16xi32>
    %and3A_745 = arith.constant 7 : i32
    %and3A_746 = vector.broadcast %and3A_745 : i32 to vector<16xi32>
    %and3A_747 = arith.andi %add3A_727, %and3A_746 : vector<16xi32>
    %add3A_748 = arith.addi %mul3A_744, %and3A_747 : vector<16xi32>
    %mul3A_749 = arith.constant 8 : i32
    %mul3A_750 = vector.broadcast %mul3A_749 : i32 to vector<16xi32>
    %mul3A_751 = arith.muli %add3A_748, %mul3A_750 : vector<16xi32>
    %shift_right_arithmetic3A_752 = arith.constant 4 : i32
    %shift_right_arithmetic3A_753 = vector.broadcast %shift_right_arithmetic3A_752 : i32 to vector<16xi32>
    %shift_right_arithmetic3A_754 = arith.shrsi %get3A_731, %shift_right_arithmetic3A_753 : vector<16xi32>
    %and3A_755 = arith.constant 7 : i32
    %and3A_756 = vector.broadcast %and3A_755 : i32 to vector<16xi32>
    %and3A_757 = arith.andi %shift_right_arithmetic3A_754, %and3A_756 : vector<16xi32>
    %add3A_758 = arith.addi %mul3A_751, %and3A_757 : vector<16xi32>
    %swap3A_759 = arith.constant 3 : i32
    %swap3A_760 = arith.index_cast %swap3A_759 : i32 to index
    %swap3A_761 = arith.constant 32 : index
    %swap3A_762 = tpu.vector_load %arg6[%swap3A_760, %swap3A_761] {strides = array<i32>} : memref<8x64xi32, #tpu.memory_space<vmem>>, vector<16xi32>,
    tpu.vector_store %arg6[%swap3A_760, %swap3A_761], %add3A_758 {strides = array<i32>} : memref<8x64xi32, #tpu.memory_space<vmem>>, vector<16xi32>,
    %add3A_763 = arith.constant 192 : i32
    %add3A_764 = arith.addi %mul3A_0, %add3A_763 : i32
    %add3A_765 = arith.constant 48 : i32
    %add3A_766 = arith.addi %add3A_764, %add3A_765 : i32
    %add3A_767 = vector.broadcast %add3A_766 : i32 to vector<16xi32>
    %add3A_768 = arith.addi %add3A_767, %iota3A : vector<16xi32>
    %get3A_769 = arith.constant 3 : i32
    %get3A_770 = arith.index_cast %get3A_769 : i32 to index
    %get3A_771 = arith.constant 48 : index
    %get3A_772 = tpu.vector_load %arg5[%get3A_770, %get3A_771] {strides = array<i32>} : memref<8x64xi32, #tpu.memory_space<vmem>>, vector<16xi32>,
    %shift_right_arithmetic3A_773 = arith.constant 3 : i32
    %shift_right_arithmetic3A_774 = vector.broadcast %shift_right_arithmetic3A_773 : i32 to vector<16xi32>
    %shift_right_arithmetic3A_775 = arith.shrsi %add3A_768, %shift_right_arithmetic3A_774 : vector<16xi32>
    %mul3A_776 = arith.constant 64 : i32
    %mul3A_777 = vector.broadcast %mul3A_776 : i32 to vector<16xi32>
    %mul3A_778 = arith.muli %shift_right_arithmetic3A_775, %mul3A_777 : vector<16xi32>
    %shift_right_arithmetic3A_779 = arith.constant 7 : i32
    %shift_right_arithmetic3A_780 = vector.broadcast %shift_right_arithmetic3A_779 : i32 to vector<16xi32>
    %shift_right_arithmetic3A_781 = arith.shrsi %get3A_772, %shift_right_arithmetic3A_780 : vector<16xi32>
    %add3A_782 = arith.addi %mul3A_778, %shift_right_arithmetic3A_781 : vector<16xi32>
    %mul3A_783 = arith.constant 8 : i32
    %mul3A_784 = vector.broadcast %mul3A_783 : i32 to vector<16xi32>
    %mul3A_785 = arith.muli %add3A_782, %mul3A_784 : vector<16xi32>
    %and3A_786 = arith.constant 7 : i32
    %and3A_787 = vector.broadcast %and3A_786 : i32 to vector<16xi32>
    %and3A_788 = arith.andi %add3A_768, %and3A_787 : vector<16xi32>
    %add3A_789 = arith.addi %mul3A_785, %and3A_788 : vector<16xi32>
    %mul3A_790 = arith.constant 8 : i32
    %mul3A_791 = vector.broadcast %mul3A_790 : i32 to vector<16xi32>
    %mul3A_792 = arith.muli %add3A_789, %mul3A_791 : vector<16xi32>
    %shift_right_arithmetic3A_793 = arith.constant 4 : i32
    %shift_right_arithmetic3A_794 = vector.broadcast %shift_right_arithmetic3A_793 : i32 to vector<16xi32>
    %shift_right_arithmetic3A_795 = arith.shrsi %get3A_772, %shift_right_arithmetic3A_794 : vector<16xi32>
    %and3A_796 = arith.constant 7 : i32
    %and3A_797 = vector.broadcast %and3A_796 : i32 to vector<16xi32>
    %and3A_798 = arith.andi %shift_right_arithmetic3A_795, %and3A_797 : vector<16xi32>
    %add3A_799 = arith.addi %mul3A_792, %and3A_798 : vector<16xi32>
    %swap3A_800 = arith.constant 3 : i32
    %swap3A_801 = arith.index_cast %swap3A_800 : i32 to index
    %swap3A_802 = arith.constant 48 : index
    %swap3A_803 = tpu.vector_load %arg6[%swap3A_801, %swap3A_802] {strides = array<i32>} : memref<8x64xi32, #tpu.memory_space<vmem>>, vector<16xi32>,
    tpu.vector_store %arg6[%swap3A_801, %swap3A_802], %add3A_799 {strides = array<i32>} : memref<8x64xi32, #tpu.memory_space<vmem>>, vector<16xi32>,
    %dma_start3A_804 = arith.constant 3 : i32
    %dma_start3A_805 = arith.constant 192 : i32
    %dma_start3A_806 = arith.constant 0 : i32
    %dma_start3A_807 = tpu.memref_slice %arg7[%dma_start3A_805, %dma_start3A_806] : memref<512x16xf32, #tpu.memory_space<vmem>> -> memref<64x16xf32, #tpu.memory_space<vmem>>
    %dma_start3A_808 = arith.constant 0 : i32
    %dma_start3A_809 = tpu.memref_slice %arg6[%dma_start3A_804, %dma_start3A_808] : memref<8x64xi32, #tpu.memory_space<vmem>> -> memref<1x64xi32, #tpu.memory_space<vmem>>
    %dma_start3A_810 = tpu.memref_squeeze %dma_start3A_809 : memref<1x64xi32, #tpu.memory_space<vmem>> -> memref<64xi32, #tpu.memory_space<vmem>>
    %dma_start3A_811 = arith.constant 0 : i32
    %dma_start3A_812 = arith.constant 0 : i32
    %dma_start3A_813 = tpu.memref_slice %arg2[%dma_start3A_811, %dma_start3A_812] : memref<4194304x16xf32, #tpu.memory_space<hbm>> -> memref<4194304x16xf32, #tpu.memory_space<hbm>>
    tpu.enqueue_indirect_dma source(%dma_start3A_813 : memref<4194304x16xf32, #tpu.memory_space<hbm>>) target(%dma_start3A_807 : memref<64x16xf32, #tpu.memory_space<vmem>>) offsets(%dma_start3A_810 : memref<64xi32, #tpu.memory_space<vmem>>) semaphore(%arg11 : memref<!tpu.dma_semaphore, #tpu.memory_space<semaphore_mem>>)
    %dma_wait3A_814 = arith.constant 4 : i32
    %dma_wait3A_815 = arith.constant 0 : i32
    %dma_wait3A_816 = tpu.memref_slice %arg5[%dma_wait3A_814, %dma_wait3A_815] : memref<8x64xi32, #tpu.memory_space<vmem>> -> memref<1x64xi32, #tpu.memory_space<vmem>>
    %dma_wait3A_817 = tpu.memref_squeeze %dma_wait3A_816 : memref<1x64xi32, #tpu.memory_space<vmem>> -> memref<64xi32, #tpu.memory_space<vmem>>
    %dma_wait3A_818 = tpu.memref_slice %arg3[%add3A_44] : memref<8192xi32, #tpu.memory_space<hbm>> -> memref<64xi32, #tpu.memory_space<hbm>>
    %dma_wait3A_819 = arith.constant 0 : i32
    %dma_wait3A_820 = tpu.memref_slice %arg5[%dma_wait3A_814, %dma_wait3A_819] : memref<8x64xi32, #tpu.memory_space<vmem>> -> memref<1x64xi32, #tpu.memory_space<vmem>>
    %dma_wait3A_821 = tpu.memref_squeeze %dma_wait3A_820 : memref<1x64xi32, #tpu.memory_space<vmem>> -> memref<64xi32, #tpu.memory_space<vmem>>
    %dma_wait3A_822 = tpu.memref_slice %arg3[%add3A_44] : memref<8192xi32, #tpu.memory_space<hbm>> -> memref<64xi32, #tpu.memory_space<hbm>>
    tpu.wait_dma2 semaphore(%arg12 : memref<!tpu.dma_semaphore, #tpu.memory_space<semaphore_mem>>) src(%dma_wait3A_822 : memref<64xi32, #tpu.memory_space<hbm>>) dst(%dma_wait3A_821 : memref<64xi32, #tpu.memory_space<vmem>>)
    %add3A_823 = arith.constant 256 : i32
    %add3A_824 = arith.addi %mul3A_0, %add3A_823 : i32
    %add3A_825 = arith.constant 0 : i32
    %add3A_826 = arith.addi %add3A_824, %add3A_825 : i32
    %add3A_827 = vector.broadcast %add3A_826 : i32 to vector<16xi32>
    %add3A_828 = arith.addi %add3A_827, %iota3A : vector<16xi32>
    %get3A_829 = arith.constant 4 : i32
    %get3A_830 = arith.index_cast %get3A_829 : i32 to index
    %get3A_831 = arith.constant 0 : index
    %get3A_832 = tpu.vector_load %arg5[%get3A_830, %get3A_831] {strides = array<i32>} : memref<8x64xi32, #tpu.memory_space<vmem>>, vector<16xi32>,
    %shift_right_arithmetic3A_833 = arith.constant 3 : i32
    %shift_right_arithmetic3A_834 = vector.broadcast %shift_right_arithmetic3A_833 : i32 to vector<16xi32>
    %shift_right_arithmetic3A_835 = arith.shrsi %add3A_828, %shift_right_arithmetic3A_834 : vector<16xi32>
    %mul3A_836 = arith.constant 64 : i32
    %mul3A_837 = vector.broadcast %mul3A_836 : i32 to vector<16xi32>
    %mul3A_838 = arith.muli %shift_right_arithmetic3A_835, %mul3A_837 : vector<16xi32>
    %shift_right_arithmetic3A_839 = arith.constant 7 : i32
    %shift_right_arithmetic3A_840 = vector.broadcast %shift_right_arithmetic3A_839 : i32 to vector<16xi32>
    %shift_right_arithmetic3A_841 = arith.shrsi %get3A_832, %shift_right_arithmetic3A_840 : vector<16xi32>
    %add3A_842 = arith.addi %mul3A_838, %shift_right_arithmetic3A_841 : vector<16xi32>
    %mul3A_843 = arith.constant 8 : i32
    %mul3A_844 = vector.broadcast %mul3A_843 : i32 to vector<16xi32>
    %mul3A_845 = arith.muli %add3A_842, %mul3A_844 : vector<16xi32>
    %and3A_846 = arith.constant 7 : i32
    %and3A_847 = vector.broadcast %and3A_846 : i32 to vector<16xi32>
    %and3A_848 = arith.andi %add3A_828, %and3A_847 : vector<16xi32>
    %add3A_849 = arith.addi %mul3A_845, %and3A_848 : vector<16xi32>
    %mul3A_850 = arith.constant 8 : i32
    %mul3A_851 = vector.broadcast %mul3A_850 : i32 to vector<16xi32>
    %mul3A_852 = arith.muli %add3A_849, %mul3A_851 : vector<16xi32>
    %shift_right_arithmetic3A_853 = arith.constant 4 : i32
    %shift_right_arithmetic3A_854 = vector.broadcast %shift_right_arithmetic3A_853 : i32 to vector<16xi32>
    %shift_right_arithmetic3A_855 = arith.shrsi %get3A_832, %shift_right_arithmetic3A_854 : vector<16xi32>
    %and3A_856 = arith.constant 7 : i32
    %and3A_857 = vector.broadcast %and3A_856 : i32 to vector<16xi32>
    %and3A_858 = arith.andi %shift_right_arithmetic3A_855, %and3A_857 : vector<16xi32>
    %add3A_859 = arith.addi %mul3A_852, %and3A_858 : vector<16xi32>
    %swap3A_860 = arith.constant 4 : i32
    %swap3A_861 = arith.index_cast %swap3A_860 : i32 to index
    %swap3A_862 = arith.constant 0 : index
    %swap3A_863 = tpu.vector_load %arg6[%swap3A_861, %swap3A_862] {strides = array<i32>} : memref<8x64xi32, #tpu.memory_space<vmem>>, vector<16xi32>,
    tpu.vector_store %arg6[%swap3A_861, %swap3A_862], %add3A_859 {strides = array<i32>} : memref<8x64xi32, #tpu.memory_space<vmem>>, vector<16xi32>,
    %add3A_864 = arith.constant 256 : i32
    %add3A_865 = arith.addi %mul3A_0, %add3A_864 : i32
    %add3A_866 = arith.constant 16 : i32
    %add3A_867 = arith.addi %add3A_865, %add3A_866 : i32
    %add3A_868 = vector.broadcast %add3A_867 : i32 to vector<16xi32>
    %add3A_869 = arith.addi %add3A_868, %iota3A : vector<16xi32>
    %get3A_870 = arith.constant 4 : i32
    %get3A_871 = arith.index_cast %get3A_870 : i32 to index
    %get3A_872 = arith.constant 16 : index
    %get3A_873 = tpu.vector_load %arg5[%get3A_871, %get3A_872] {strides = array<i32>} : memref<8x64xi32, #tpu.memory_space<vmem>>, vector<16xi32>,
    %shift_right_arithmetic3A_874 = arith.constant 3 : i32
    %shift_right_arithmetic3A_875 = vector.broadcast %shift_right_arithmetic3A_874 : i32 to vector<16xi32>
    %shift_right_arithmetic3A_876 = arith.shrsi %add3A_869, %shift_right_arithmetic3A_875 : vector<16xi32>
    %mul3A_877 = arith.constant 64 : i32
    %mul3A_878 = vector.broadcast %mul3A_877 : i32 to vector<16xi32>
    %mul3A_879 = arith.muli %shift_right_arithmetic3A_876, %mul3A_878 : vector<16xi32>
    %shift_right_arithmetic3A_880 = arith.constant 7 : i32
    %shift_right_arithmetic3A_881 = vector.broadcast %shift_right_arithmetic3A_880 : i32 to vector<16xi32>
    %shift_right_arithmetic3A_882 = arith.shrsi %get3A_873, %shift_right_arithmetic3A_881 : vector<16xi32>
    %add3A_883 = arith.addi %mul3A_879, %shift_right_arithmetic3A_882 : vector<16xi32>
    %mul3A_884 = arith.constant 8 : i32
    %mul3A_885 = vector.broadcast %mul3A_884 : i32 to vector<16xi32>
    %mul3A_886 = arith.muli %add3A_883, %mul3A_885 : vector<16xi32>
    %and3A_887 = arith.constant 7 : i32
    %and3A_888 = vector.broadcast %and3A_887 : i32 to vector<16xi32>
    %and3A_889 = arith.andi %add3A_869, %and3A_888 : vector<16xi32>
    %add3A_890 = arith.addi %mul3A_886, %and3A_889 : vector<16xi32>
    %mul3A_891 = arith.constant 8 : i32
    %mul3A_892 = vector.broadcast %mul3A_891 : i32 to vector<16xi32>
    %mul3A_893 = arith.muli %add3A_890, %mul3A_892 : vector<16xi32>
    %shift_right_arithmetic3A_894 = arith.constant 4 : i32
    %shift_right_arithmetic3A_895 = vector.broadcast %shift_right_arithmetic3A_894 : i32 to vector<16xi32>
    %shift_right_arithmetic3A_896 = arith.shrsi %get3A_873, %shift_right_arithmetic3A_895 : vector<16xi32>
    %and3A_897 = arith.constant 7 : i32
    %and3A_898 = vector.broadcast %and3A_897 : i32 to vector<16xi32>
    %and3A_899 = arith.andi %shift_right_arithmetic3A_896, %and3A_898 : vector<16xi32>
    %add3A_900 = arith.addi %mul3A_893, %and3A_899 : vector<16xi32>
    %swap3A_901 = arith.constant 4 : i32
    %swap3A_902 = arith.index_cast %swap3A_901 : i32 to index
    %swap3A_903 = arith.constant 16 : index
    %swap3A_904 = tpu.vector_load %arg6[%swap3A_902, %swap3A_903] {strides = array<i32>} : memref<8x64xi32, #tpu.memory_space<vmem>>, vector<16xi32>,
    tpu.vector_store %arg6[%swap3A_902, %swap3A_903], %add3A_900 {strides = array<i32>} : memref<8x64xi32, #tpu.memory_space<vmem>>, vector<16xi32>,
    %add3A_905 = arith.constant 256 : i32
    %add3A_906 = arith.addi %mul3A_0, %add3A_905 : i32
    %add3A_907 = arith.constant 32 : i32
    %add3A_908 = arith.addi %add3A_906, %add3A_907 : i32
    %add3A_909 = vector.broadcast %add3A_908 : i32 to vector<16xi32>
    %add3A_910 = arith.addi %add3A_909, %iota3A : vector<16xi32>
    %get3A_911 = arith.constant 4 : i32
    %get3A_912 = arith.index_cast %get3A_911 : i32 to index
    %get3A_913 = arith.constant 32 : index
    %get3A_914 = tpu.vector_load %arg5[%get3A_912, %get3A_913] {strides = array<i32>} : memref<8x64xi32, #tpu.memory_space<vmem>>, vector<16xi32>,
    %shift_right_arithmetic3A_915 = arith.constant 3 : i32
    %shift_right_arithmetic3A_916 = vector.broadcast %shift_right_arithmetic3A_915 : i32 to vector<16xi32>
    %shift_right_arithmetic3A_917 = arith.shrsi %add3A_910, %shift_right_arithmetic3A_916 : vector<16xi32>
    %mul3A_918 = arith.constant 64 : i32
    %mul3A_919 = vector.broadcast %mul3A_918 : i32 to vector<16xi32>
    %mul3A_920 = arith.muli %shift_right_arithmetic3A_917, %mul3A_919 : vector<16xi32>
    %shift_right_arithmetic3A_921 = arith.constant 7 : i32
    %shift_right_arithmetic3A_922 = vector.broadcast %shift_right_arithmetic3A_921 : i32 to vector<16xi32>
    %shift_right_arithmetic3A_923 = arith.shrsi %get3A_914, %shift_right_arithmetic3A_922 : vector<16xi32>
    %add3A_924 = arith.addi %mul3A_920, %shift_right_arithmetic3A_923 : vector<16xi32>
    %mul3A_925 = arith.constant 8 : i32
    %mul3A_926 = vector.broadcast %mul3A_925 : i32 to vector<16xi32>
    %mul3A_927 = arith.muli %add3A_924, %mul3A_926 : vector<16xi32>
    %and3A_928 = arith.constant 7 : i32
    %and3A_929 = vector.broadcast %and3A_928 : i32 to vector<16xi32>
    %and3A_930 = arith.andi %add3A_910, %and3A_929 : vector<16xi32>
    %add3A_931 = arith.addi %mul3A_927, %and3A_930 : vector<16xi32>
    %mul3A_932 = arith.constant 8 : i32
    %mul3A_933 = vector.broadcast %mul3A_932 : i32 to vector<16xi32>
    %mul3A_934 = arith.muli %add3A_931, %mul3A_933 : vector<16xi32>
    %shift_right_arithmetic3A_935 = arith.constant 4 : i32
    %shift_right_arithmetic3A_936 = vector.broadcast %shift_right_arithmetic3A_935 : i32 to vector<16xi32>
    %shift_right_arithmetic3A_937 = arith.shrsi %get3A_914, %shift_right_arithmetic3A_936 : vector<16xi32>
    %and3A_938 = arith.constant 7 : i32
    %and3A_939 = vector.broadcast %and3A_938 : i32 to vector<16xi32>
    %and3A_940 = arith.andi %shift_right_arithmetic3A_937, %and3A_939 : vector<16xi32>
    %add3A_941 = arith.addi %mul3A_934, %and3A_940 : vector<16xi32>
    %swap3A_942 = arith.constant 4 : i32
    %swap3A_943 = arith.index_cast %swap3A_942 : i32 to index
    %swap3A_944 = arith.constant 32 : index
    %swap3A_945 = tpu.vector_load %arg6[%swap3A_943, %swap3A_944] {strides = array<i32>} : memref<8x64xi32, #tpu.memory_space<vmem>>, vector<16xi32>,
    tpu.vector_store %arg6[%swap3A_943, %swap3A_944], %add3A_941 {strides = array<i32>} : memref<8x64xi32, #tpu.memory_space<vmem>>, vector<16xi32>,
    %add3A_946 = arith.constant 256 : i32
    %add3A_947 = arith.addi %mul3A_0, %add3A_946 : i32
    %add3A_948 = arith.constant 48 : i32
    %add3A_949 = arith.addi %add3A_947, %add3A_948 : i32
    %add3A_950 = vector.broadcast %add3A_949 : i32 to vector<16xi32>
    %add3A_951 = arith.addi %add3A_950, %iota3A : vector<16xi32>
    %get3A_952 = arith.constant 4 : i32
    %get3A_953 = arith.index_cast %get3A_952 : i32 to index
    %get3A_954 = arith.constant 48 : index
    %get3A_955 = tpu.vector_load %arg5[%get3A_953, %get3A_954] {strides = array<i32>} : memref<8x64xi32, #tpu.memory_space<vmem>>, vector<16xi32>,
    %shift_right_arithmetic3A_956 = arith.constant 3 : i32
    %shift_right_arithmetic3A_957 = vector.broadcast %shift_right_arithmetic3A_956 : i32 to vector<16xi32>
    %shift_right_arithmetic3A_958 = arith.shrsi %add3A_951, %shift_right_arithmetic3A_957 : vector<16xi32>
    %mul3A_959 = arith.constant 64 : i32
    %mul3A_960 = vector.broadcast %mul3A_959 : i32 to vector<16xi32>
    %mul3A_961 = arith.muli %shift_right_arithmetic3A_958, %mul3A_960 : vector<16xi32>
    %shift_right_arithmetic3A_962 = arith.constant 7 : i32
    %shift_right_arithmetic3A_963 = vector.broadcast %shift_right_arithmetic3A_962 : i32 to vector<16xi32>
    %shift_right_arithmetic3A_964 = arith.shrsi %get3A_955, %shift_right_arithmetic3A_963 : vector<16xi32>
    %add3A_965 = arith.addi %mul3A_961, %shift_right_arithmetic3A_964 : vector<16xi32>
    %mul3A_966 = arith.constant 8 : i32
    %mul3A_967 = vector.broadcast %mul3A_966 : i32 to vector<16xi32>
    %mul3A_968 = arith.muli %add3A_965, %mul3A_967 : vector<16xi32>
    %and3A_969 = arith.constant 7 : i32
    %and3A_970 = vector.broadcast %and3A_969 : i32 to vector<16xi32>
    %and3A_971 = arith.andi %add3A_951, %and3A_970 : vector<16xi32>
    %add3A_972 = arith.addi %mul3A_968, %and3A_971 : vector<16xi32>
    %mul3A_973 = arith.constant 8 : i32
    %mul3A_974 = vector.broadcast %mul3A_973 : i32 to vector<16xi32>
    %mul3A_975 = arith.muli %add3A_972, %mul3A_974 : vector<16xi32>
    %shift_right_arithmetic3A_976 = arith.constant 4 : i32
    %shift_right_arithmetic3A_977 = vector.broadcast %shift_right_arithmetic3A_976 : i32 to vector<16xi32>
    %shift_right_arithmetic3A_978 = arith.shrsi %get3A_955, %shift_right_arithmetic3A_977 : vector<16xi32>
    %and3A_979 = arith.constant 7 : i32
    %and3A_980 = vector.broadcast %and3A_979 : i32 to vector<16xi32>
    %and3A_981 = arith.andi %shift_right_arithmetic3A_978, %and3A_980 : vector<16xi32>
    %add3A_982 = arith.addi %mul3A_975, %and3A_981 : vector<16xi32>
    %swap3A_983 = arith.constant 4 : i32
    %swap3A_984 = arith.index_cast %swap3A_983 : i32 to index
    %swap3A_985 = arith.constant 48 : index
    %swap3A_986 = tpu.vector_load %arg6[%swap3A_984, %swap3A_985] {strides = array<i32>} : memref<8x64xi32, #tpu.memory_space<vmem>>, vector<16xi32>,
    tpu.vector_store %arg6[%swap3A_984, %swap3A_985], %add3A_982 {strides = array<i32>} : memref<8x64xi32, #tpu.memory_space<vmem>>, vector<16xi32>,
    %dma_start3A_987 = arith.constant 4 : i32
    %dma_start3A_988 = arith.constant 256 : i32
    %dma_start3A_989 = arith.constant 0 : i32
    %dma_start3A_990 = tpu.memref_slice %arg7[%dma_start3A_988, %dma_start3A_989] : memref<512x16xf32, #tpu.memory_space<vmem>> -> memref<64x16xf32, #tpu.memory_space<vmem>>
    %dma_start3A_991 = arith.constant 0 : i32
    %dma_start3A_992 = tpu.memref_slice %arg6[%dma_start3A_987, %dma_start3A_991] : memref<8x64xi32, #tpu.memory_space<vmem>> -> memref<1x64xi32, #tpu.memory_space<vmem>>
    %dma_start3A_993 = tpu.memref_squeeze %dma_start3A_992 : memref<1x64xi32, #tpu.memory_space<vmem>> -> memref<64xi32, #tpu.memory_space<vmem>>
    %dma_start3A_994 = arith.constant 0 : i32
    %dma_start3A_995 = arith.constant 0 : i32
    %dma_start3A_996 = tpu.memref_slice %arg2[%dma_start3A_994, %dma_start3A_995] : memref<4194304x16xf32, #tpu.memory_space<hbm>> -> memref<4194304x16xf32, #tpu.memory_space<hbm>>
    tpu.enqueue_indirect_dma source(%dma_start3A_996 : memref<4194304x16xf32, #tpu.memory_space<hbm>>) target(%dma_start3A_990 : memref<64x16xf32, #tpu.memory_space<vmem>>) offsets(%dma_start3A_993 : memref<64xi32, #tpu.memory_space<vmem>>) semaphore(%arg11 : memref<!tpu.dma_semaphore, #tpu.memory_space<semaphore_mem>>)
    %dma_wait3A_997 = arith.constant 5 : i32
    %dma_wait3A_998 = arith.constant 0 : i32
    %dma_wait3A_999 = tpu.memref_slice %arg5[%dma_wait3A_997, %dma_wait3A_998] : memref<8x64xi32, #tpu.memory_space<vmem>> -> memref<1x64xi32, #tpu.memory_space<vmem>>
    %dma_wait3A_1000 = tpu.memref_squeeze %dma_wait3A_999 : memref<1x64xi32, #tpu.memory_space<vmem>> -> memref<64xi32, #tpu.memory_space<vmem>>
    %dma_wait3A_1001 = tpu.memref_slice %arg3[%add3A_55] : memref<8192xi32, #tpu.memory_space<hbm>> -> memref<64xi32, #tpu.memory_space<hbm>>
    %dma_wait3A_1002 = arith.constant 0 : i32
    %dma_wait3A_1003 = tpu.memref_slice %arg5[%dma_wait3A_997, %dma_wait3A_1002] : memref<8x64xi32, #tpu.memory_space<vmem>> -> memref<1x64xi32, #tpu.memory_space<vmem>>
    %dma_wait3A_1004 = tpu.memref_squeeze %dma_wait3A_1003 : memref<1x64xi32, #tpu.memory_space<vmem>> -> memref<64xi32, #tpu.memory_space<vmem>>
    %dma_wait3A_1005 = tpu.memref_slice %arg3[%add3A_55] : memref<8192xi32, #tpu.memory_space<hbm>> -> memref<64xi32, #tpu.memory_space<hbm>>
    tpu.wait_dma2 semaphore(%arg12 : memref<!tpu.dma_semaphore, #tpu.memory_space<semaphore_mem>>) src(%dma_wait3A_1005 : memref<64xi32, #tpu.memory_space<hbm>>) dst(%dma_wait3A_1004 : memref<64xi32, #tpu.memory_space<vmem>>)
    %add3A_1006 = arith.constant 320 : i32
    %add3A_1007 = arith.addi %mul3A_0, %add3A_1006 : i32
    %add3A_1008 = arith.constant 0 : i32
    %add3A_1009 = arith.addi %add3A_1007, %add3A_1008 : i32
    %add3A_1010 = vector.broadcast %add3A_1009 : i32 to vector<16xi32>
    %add3A_1011 = arith.addi %add3A_1010, %iota3A : vector<16xi32>
    %get3A_1012 = arith.constant 5 : i32
    %get3A_1013 = arith.index_cast %get3A_1012 : i32 to index
    %get3A_1014 = arith.constant 0 : index
    %get3A_1015 = tpu.vector_load %arg5[%get3A_1013, %get3A_1014] {strides = array<i32>} : memref<8x64xi32, #tpu.memory_space<vmem>>, vector<16xi32>,
    %shift_right_arithmetic3A_1016 = arith.constant 3 : i32
    %shift_right_arithmetic3A_1017 = vector.broadcast %shift_right_arithmetic3A_1016 : i32 to vector<16xi32>
    %shift_right_arithmetic3A_1018 = arith.shrsi %add3A_1011, %shift_right_arithmetic3A_1017 : vector<16xi32>
    %mul3A_1019 = arith.constant 64 : i32
    %mul3A_1020 = vector.broadcast %mul3A_1019 : i32 to vector<16xi32>
    %mul3A_1021 = arith.muli %shift_right_arithmetic3A_1018, %mul3A_1020 : vector<16xi32>
    %shift_right_arithmetic3A_1022 = arith.constant 7 : i32
    %shift_right_arithmetic3A_1023 = vector.broadcast %shift_right_arithmetic3A_1022 : i32 to vector<16xi32>
    %shift_right_arithmetic3A_1024 = arith.shrsi %get3A_1015, %shift_right_arithmetic3A_1023 : vector<16xi32>
    %add3A_1025 = arith.addi %mul3A_1021, %shift_right_arithmetic3A_1024 : vector<16xi32>
    %mul3A_1026 = arith.constant 8 : i32
    %mul3A_1027 = vector.broadcast %mul3A_1026 : i32 to vector<16xi32>
    %mul3A_1028 = arith.muli %add3A_1025, %mul3A_1027 : vector<16xi32>
    %and3A_1029 = arith.constant 7 : i32
    %and3A_1030 = vector.broadcast %and3A_1029 : i32 to vector<16xi32>
    %and3A_1031 = arith.andi %add3A_1011, %and3A_1030 : vector<16xi32>
    %add3A_1032 = arith.addi %mul3A_1028, %and3A_1031 : vector<16xi32>
    %mul3A_1033 = arith.constant 8 : i32
    %mul3A_1034 = vector.broadcast %mul3A_1033 : i32 to vector<16xi32>
    %mul3A_1035 = arith.muli %add3A_1032, %mul3A_1034 : vector<16xi32>
    %shift_right_arithmetic3A_1036 = arith.constant 4 : i32
    %shift_right_arithmetic3A_1037 = vector.broadcast %shift_right_arithmetic3A_1036 : i32 to vector<16xi32>
    %shift_right_arithmetic3A_1038 = arith.shrsi %get3A_1015, %shift_right_arithmetic3A_1037 : vector<16xi32>
    %and3A_1039 = arith.constant 7 : i32
    %and3A_1040 = vector.broadcast %and3A_1039 : i32 to vector<16xi32>
    %and3A_1041 = arith.andi %shift_right_arithmetic3A_1038, %and3A_1040 : vector<16xi32>
    %add3A_1042 = arith.addi %mul3A_1035, %and3A_1041 : vector<16xi32>
    %swap3A_1043 = arith.constant 5 : i32
    %swap3A_1044 = arith.index_cast %swap3A_1043 : i32 to index
    %swap3A_1045 = arith.constant 0 : index
    %swap3A_1046 = tpu.vector_load %arg6[%swap3A_1044, %swap3A_1045] {strides = array<i32>} : memref<8x64xi32, #tpu.memory_space<vmem>>, vector<16xi32>,
    tpu.vector_store %arg6[%swap3A_1044, %swap3A_1045], %add3A_1042 {strides = array<i32>} : memref<8x64xi32, #tpu.memory_space<vmem>>, vector<16xi32>,
    %add3A_1047 = arith.constant 320 : i32
    %add3A_1048 = arith.addi %mul3A_0, %add3A_1047 : i32
    %add3A_1049 = arith.constant 16 : i32
    %add3A_1050 = arith.addi %add3A_1048, %add3A_1049 : i32
    %add3A_1051 = vector.broadcast %add3A_1050 : i32 to vector<16xi32>
    %add3A_1052 = arith.addi %add3A_1051, %iota3A : vector<16xi32>
    %get3A_1053 = arith.constant 5 : i32
    %get3A_1054 = arith.index_cast %get3A_1053 : i32 to index
    %get3A_1055 = arith.constant 16 : index
    %get3A_1056 = tpu.vector_load %arg5[%get3A_1054, %get3A_1055] {strides = array<i32>} : memref<8x64xi32, #tpu.memory_space<vmem>>, vector<16xi32>,
    %shift_right_arithmetic3A_1057 = arith.constant 3 : i32
    %shift_right_arithmetic3A_1058 = vector.broadcast %shift_right_arithmetic3A_1057 : i32 to vector<16xi32>
    %shift_right_arithmetic3A_1059 = arith.shrsi %add3A_1052, %shift_right_arithmetic3A_1058 : vector<16xi32>
    %mul3A_1060 = arith.constant 64 : i32
    %mul3A_1061 = vector.broadcast %mul3A_1060 : i32 to vector<16xi32>
    %mul3A_1062 = arith.muli %shift_right_arithmetic3A_1059, %mul3A_1061 : vector<16xi32>
    %shift_right_arithmetic3A_1063 = arith.constant 7 : i32
    %shift_right_arithmetic3A_1064 = vector.broadcast %shift_right_arithmetic3A_1063 : i32 to vector<16xi32>
    %shift_right_arithmetic3A_1065 = arith.shrsi %get3A_1056, %shift_right_arithmetic3A_1064 : vector<16xi32>
    %add3A_1066 = arith.addi %mul3A_1062, %shift_right_arithmetic3A_1065 : vector<16xi32>
    %mul3A_1067 = arith.constant 8 : i32
    %mul3A_1068 = vector.broadcast %mul3A_1067 : i32 to vector<16xi32>
    %mul3A_1069 = arith.muli %add3A_1066, %mul3A_1068 : vector<16xi32>
    %and3A_1070 = arith.constant 7 : i32
    %and3A_1071 = vector.broadcast %and3A_1070 : i32 to vector<16xi32>
    %and3A_1072 = arith.andi %add3A_1052, %and3A_1071 : vector<16xi32>
    %add3A_1073 = arith.addi %mul3A_1069, %and3A_1072 : vector<16xi32>
    %mul3A_1074 = arith.constant 8 : i32
    %mul3A_1075 = vector.broadcast %mul3A_1074 : i32 to vector<16xi32>
    %mul3A_1076 = arith.muli %add3A_1073, %mul3A_1075 : vector<16xi32>
    %shift_right_arithmetic3A_1077 = arith.constant 4 : i32
    %shift_right_arithmetic3A_1078 = vector.broadcast %shift_right_arithmetic3A_1077 : i32 to vector<16xi32>
    %shift_right_arithmetic3A_1079 = arith.shrsi %get3A_1056, %shift_right_arithmetic3A_1078 : vector<16xi32>
    %and3A_1080 = arith.constant 7 : i32
    %and3A_1081 = vector.broadcast %and3A_1080 : i32 to vector<16xi32>
    %and3A_1082 = arith.andi %shift_right_arithmetic3A_1079, %and3A_1081 : vector<16xi32>
    %add3A_1083 = arith.addi %mul3A_1076, %and3A_1082 : vector<16xi32>
    %swap3A_1084 = arith.constant 5 : i32
    %swap3A_1085 = arith.index_cast %swap3A_1084 : i32 to index
    %swap3A_1086 = arith.constant 16 : index
    %swap3A_1087 = tpu.vector_load %arg6[%swap3A_1085, %swap3A_1086] {strides = array<i32>} : memref<8x64xi32, #tpu.memory_space<vmem>>, vector<16xi32>,
    tpu.vector_store %arg6[%swap3A_1085, %swap3A_1086], %add3A_1083 {strides = array<i32>} : memref<8x64xi32, #tpu.memory_space<vmem>>, vector<16xi32>,
    %add3A_1088 = arith.constant 320 : i32
    %add3A_1089 = arith.addi %mul3A_0, %add3A_1088 : i32
    %add3A_1090 = arith.constant 32 : i32
    %add3A_1091 = arith.addi %add3A_1089, %add3A_1090 : i32
    %add3A_1092 = vector.broadcast %add3A_1091 : i32 to vector<16xi32>
    %add3A_1093 = arith.addi %add3A_1092, %iota3A : vector<16xi32>
    %get3A_1094 = arith.constant 5 : i32
    %get3A_1095 = arith.index_cast %get3A_1094 : i32 to index
    %get3A_1096 = arith.constant 32 : index
    %get3A_1097 = tpu.vector_load %arg5[%get3A_1095, %get3A_1096] {strides = array<i32>} : memref<8x64xi32, #tpu.memory_space<vmem>>, vector<16xi32>,
    %shift_right_arithmetic3A_1098 = arith.constant 3 : i32
    %shift_right_arithmetic3A_1099 = vector.broadcast %shift_right_arithmetic3A_1098 : i32 to vector<16xi32>
    %shift_right_arithmetic3A_1100 = arith.shrsi %add3A_1093, %shift_right_arithmetic3A_1099 : vector<16xi32>
    %mul3A_1101 = arith.constant 64 : i32
    %mul3A_1102 = vector.broadcast %mul3A_1101 : i32 to vector<16xi32>
    %mul3A_1103 = arith.muli %shift_right_arithmetic3A_1100, %mul3A_1102 : vector<16xi32>
    %shift_right_arithmetic3A_1104 = arith.constant 7 : i32
    %shift_right_arithmetic3A_1105 = vector.broadcast %shift_right_arithmetic3A_1104 : i32 to vector<16xi32>
    %shift_right_arithmetic3A_1106 = arith.shrsi %get3A_1097, %shift_right_arithmetic3A_1105 : vector<16xi32>
    %add3A_1107 = arith.addi %mul3A_1103, %shift_right_arithmetic3A_1106 : vector<16xi32>
    %mul3A_1108 = arith.constant 8 : i32
    %mul3A_1109 = vector.broadcast %mul3A_1108 : i32 to vector<16xi32>
    %mul3A_1110 = arith.muli %add3A_1107, %mul3A_1109 : vector<16xi32>
    %and3A_1111 = arith.constant 7 : i32
    %and3A_1112 = vector.broadcast %and3A_1111 : i32 to vector<16xi32>
    %and3A_1113 = arith.andi %add3A_1093, %and3A_1112 : vector<16xi32>
    %add3A_1114 = arith.addi %mul3A_1110, %and3A_1113 : vector<16xi32>
    %mul3A_1115 = arith.constant 8 : i32
    %mul3A_1116 = vector.broadcast %mul3A_1115 : i32 to vector<16xi32>
    %mul3A_1117 = arith.muli %add3A_1114, %mul3A_1116 : vector<16xi32>
    %shift_right_arithmetic3A_1118 = arith.constant 4 : i32
    %shift_right_arithmetic3A_1119 = vector.broadcast %shift_right_arithmetic3A_1118 : i32 to vector<16xi32>
    %shift_right_arithmetic3A_1120 = arith.shrsi %get3A_1097, %shift_right_arithmetic3A_1119 : vector<16xi32>
    %and3A_1121 = arith.constant 7 : i32
    %and3A_1122 = vector.broadcast %and3A_1121 : i32 to vector<16xi32>
    %and3A_1123 = arith.andi %shift_right_arithmetic3A_1120, %and3A_1122 : vector<16xi32>
    %add3A_1124 = arith.addi %mul3A_1117, %and3A_1123 : vector<16xi32>
    %swap3A_1125 = arith.constant 5 : i32
    %swap3A_1126 = arith.index_cast %swap3A_1125 : i32 to index
    %swap3A_1127 = arith.constant 32 : index
    %swap3A_1128 = tpu.vector_load %arg6[%swap3A_1126, %swap3A_1127] {strides = array<i32>} : memref<8x64xi32, #tpu.memory_space<vmem>>, vector<16xi32>,
    tpu.vector_store %arg6[%swap3A_1126, %swap3A_1127], %add3A_1124 {strides = array<i32>} : memref<8x64xi32, #tpu.memory_space<vmem>>, vector<16xi32>,
    %add3A_1129 = arith.constant 320 : i32
    %add3A_1130 = arith.addi %mul3A_0, %add3A_1129 : i32
    %add3A_1131 = arith.constant 48 : i32
    %add3A_1132 = arith.addi %add3A_1130, %add3A_1131 : i32
    %add3A_1133 = vector.broadcast %add3A_1132 : i32 to vector<16xi32>
    %add3A_1134 = arith.addi %add3A_1133, %iota3A : vector<16xi32>
    %get3A_1135 = arith.constant 5 : i32
    %get3A_1136 = arith.index_cast %get3A_1135 : i32 to index
    %get3A_1137 = arith.constant 48 : index
    %get3A_1138 = tpu.vector_load %arg5[%get3A_1136, %get3A_1137] {strides = array<i32>} : memref<8x64xi32, #tpu.memory_space<vmem>>, vector<16xi32>,
    %shift_right_arithmetic3A_1139 = arith.constant 3 : i32
    %shift_right_arithmetic3A_1140 = vector.broadcast %shift_right_arithmetic3A_1139 : i32 to vector<16xi32>
    %shift_right_arithmetic3A_1141 = arith.shrsi %add3A_1134, %shift_right_arithmetic3A_1140 : vector<16xi32>
    %mul3A_1142 = arith.constant 64 : i32
    %mul3A_1143 = vector.broadcast %mul3A_1142 : i32 to vector<16xi32>
    %mul3A_1144 = arith.muli %shift_right_arithmetic3A_1141, %mul3A_1143 : vector<16xi32>
    %shift_right_arithmetic3A_1145 = arith.constant 7 : i32
    %shift_right_arithmetic3A_1146 = vector.broadcast %shift_right_arithmetic3A_1145 : i32 to vector<16xi32>
    %shift_right_arithmetic3A_1147 = arith.shrsi %get3A_1138, %shift_right_arithmetic3A_1146 : vector<16xi32>
    %add3A_1148 = arith.addi %mul3A_1144, %shift_right_arithmetic3A_1147 : vector<16xi32>
    %mul3A_1149 = arith.constant 8 : i32
    %mul3A_1150 = vector.broadcast %mul3A_1149 : i32 to vector<16xi32>
    %mul3A_1151 = arith.muli %add3A_1148, %mul3A_1150 : vector<16xi32>
    %and3A_1152 = arith.constant 7 : i32
    %and3A_1153 = vector.broadcast %and3A_1152 : i32 to vector<16xi32>
    %and3A_1154 = arith.andi %add3A_1134, %and3A_1153 : vector<16xi32>
    %add3A_1155 = arith.addi %mul3A_1151, %and3A_1154 : vector<16xi32>
    %mul3A_1156 = arith.constant 8 : i32
    %mul3A_1157 = vector.broadcast %mul3A_1156 : i32 to vector<16xi32>
    %mul3A_1158 = arith.muli %add3A_1155, %mul3A_1157 : vector<16xi32>
    %shift_right_arithmetic3A_1159 = arith.constant 4 : i32
    %shift_right_arithmetic3A_1160 = vector.broadcast %shift_right_arithmetic3A_1159 : i32 to vector<16xi32>
    %shift_right_arithmetic3A_1161 = arith.shrsi %get3A_1138, %shift_right_arithmetic3A_1160 : vector<16xi32>
    %and3A_1162 = arith.constant 7 : i32
    %and3A_1163 = vector.broadcast %and3A_1162 : i32 to vector<16xi32>
    %and3A_1164 = arith.andi %shift_right_arithmetic3A_1161, %and3A_1163 : vector<16xi32>
    %add3A_1165 = arith.addi %mul3A_1158, %and3A_1164 : vector<16xi32>
    %swap3A_1166 = arith.constant 5 : i32
    %swap3A_1167 = arith.index_cast %swap3A_1166 : i32 to index
    %swap3A_1168 = arith.constant 48 : index
    %swap3A_1169 = tpu.vector_load %arg6[%swap3A_1167, %swap3A_1168] {strides = array<i32>} : memref<8x64xi32, #tpu.memory_space<vmem>>, vector<16xi32>,
    tpu.vector_store %arg6[%swap3A_1167, %swap3A_1168], %add3A_1165 {strides = array<i32>} : memref<8x64xi32, #tpu.memory_space<vmem>>, vector<16xi32>,
    %dma_start3A_1170 = arith.constant 5 : i32
    %dma_start3A_1171 = arith.constant 320 : i32
    %dma_start3A_1172 = arith.constant 0 : i32
    %dma_start3A_1173 = tpu.memref_slice %arg7[%dma_start3A_1171, %dma_start3A_1172] : memref<512x16xf32, #tpu.memory_space<vmem>> -> memref<64x16xf32, #tpu.memory_space<vmem>>
    %dma_start3A_1174 = arith.constant 0 : i32
    %dma_start3A_1175 = tpu.memref_slice %arg6[%dma_start3A_1170, %dma_start3A_1174] : memref<8x64xi32, #tpu.memory_space<vmem>> -> memref<1x64xi32, #tpu.memory_space<vmem>>
    %dma_start3A_1176 = tpu.memref_squeeze %dma_start3A_1175 : memref<1x64xi32, #tpu.memory_space<vmem>> -> memref<64xi32, #tpu.memory_space<vmem>>
    %dma_start3A_1177 = arith.constant 0 : i32
    %dma_start3A_1178 = arith.constant 0 : i32
    %dma_start3A_1179 = tpu.memref_slice %arg2[%dma_start3A_1177, %dma_start3A_1178] : memref<4194304x16xf32, #tpu.memory_space<hbm>> -> memref<4194304x16xf32, #tpu.memory_space<hbm>>
    tpu.enqueue_indirect_dma source(%dma_start3A_1179 : memref<4194304x16xf32, #tpu.memory_space<hbm>>) target(%dma_start3A_1173 : memref<64x16xf32, #tpu.memory_space<vmem>>) offsets(%dma_start3A_1176 : memref<64xi32, #tpu.memory_space<vmem>>) semaphore(%arg11 : memref<!tpu.dma_semaphore, #tpu.memory_space<semaphore_mem>>)
    %dma_wait3A_1180 = arith.constant 6 : i32
    %dma_wait3A_1181 = arith.constant 0 : i32
    %dma_wait3A_1182 = tpu.memref_slice %arg5[%dma_wait3A_1180, %dma_wait3A_1181] : memref<8x64xi32, #tpu.memory_space<vmem>> -> memref<1x64xi32, #tpu.memory_space<vmem>>
    %dma_wait3A_1183 = tpu.memref_squeeze %dma_wait3A_1182 : memref<1x64xi32, #tpu.memory_space<vmem>> -> memref<64xi32, #tpu.memory_space<vmem>>
    %dma_wait3A_1184 = tpu.memref_slice %arg3[%add3A_66] : memref<8192xi32, #tpu.memory_space<hbm>> -> memref<64xi32, #tpu.memory_space<hbm>>
    %dma_wait3A_1185 = arith.constant 0 : i32
    %dma_wait3A_1186 = tpu.memref_slice %arg5[%dma_wait3A_1180, %dma_wait3A_1185] : memref<8x64xi32, #tpu.memory_space<vmem>> -> memref<1x64xi32, #tpu.memory_space<vmem>>
    %dma_wait3A_1187 = tpu.memref_squeeze %dma_wait3A_1186 : memref<1x64xi32, #tpu.memory_space<vmem>> -> memref<64xi32, #tpu.memory_space<vmem>>
    %dma_wait3A_1188 = tpu.memref_slice %arg3[%add3A_66] : memref<8192xi32, #tpu.memory_space<hbm>> -> memref<64xi32, #tpu.memory_space<hbm>>
    tpu.wait_dma2 semaphore(%arg12 : memref<!tpu.dma_semaphore, #tpu.memory_space<semaphore_mem>>) src(%dma_wait3A_1188 : memref<64xi32, #tpu.memory_space<hbm>>) dst(%dma_wait3A_1187 : memref<64xi32, #tpu.memory_space<vmem>>)
    %add3A_1189 = arith.constant 384 : i32
    %add3A_1190 = arith.addi %mul3A_0, %add3A_1189 : i32
    %add3A_1191 = arith.constant 0 : i32
    %add3A_1192 = arith.addi %add3A_1190, %add3A_1191 : i32
    %add3A_1193 = vector.broadcast %add3A_1192 : i32 to vector<16xi32>
    %add3A_1194 = arith.addi %add3A_1193, %iota3A : vector<16xi32>
    %get3A_1195 = arith.constant 6 : i32
    %get3A_1196 = arith.index_cast %get3A_1195 : i32 to index
    %get3A_1197 = arith.constant 0 : index
    %get3A_1198 = tpu.vector_load %arg5[%get3A_1196, %get3A_1197] {strides = array<i32>} : memref<8x64xi32, #tpu.memory_space<vmem>>, vector<16xi32>,
    %shift_right_arithmetic3A_1199 = arith.constant 3 : i32
    %shift_right_arithmetic3A_1200 = vector.broadcast %shift_right_arithmetic3A_1199 : i32 to vector<16xi32>
    %shift_right_arithmetic3A_1201 = arith.shrsi %add3A_1194, %shift_right_arithmetic3A_1200 : vector<16xi32>
    %mul3A_1202 = arith.constant 64 : i32
    %mul3A_1203 = vector.broadcast %mul3A_1202 : i32 to vector<16xi32>
    %mul3A_1204 = arith.muli %shift_right_arithmetic3A_1201, %mul3A_1203 : vector<16xi32>
    %shift_right_arithmetic3A_1205 = arith.constant 7 : i32
    %shift_right_arithmetic3A_1206 = vector.broadcast %shift_right_arithmetic3A_1205 : i32 to vector<16xi32>
    %shift_right_arithmetic3A_1207 = arith.shrsi %get3A_1198, %shift_right_arithmetic3A_1206 : vector<16xi32>
    %add3A_1208 = arith.addi %mul3A_1204, %shift_right_arithmetic3A_1207 : vector<16xi32>
    %mul3A_1209 = arith.constant 8 : i32
    %mul3A_1210 = vector.broadcast %mul3A_1209 : i32 to vector<16xi32>
    %mul3A_1211 = arith.muli %add3A_1208, %mul3A_1210 : vector<16xi32>
    %and3A_1212 = arith.constant 7 : i32
    %and3A_1213 = vector.broadcast %and3A_1212 : i32 to vector<16xi32>
    %and3A_1214 = arith.andi %add3A_1194, %and3A_1213 : vector<16xi32>
    %add3A_1215 = arith.addi %mul3A_1211, %and3A_1214 : vector<16xi32>
    %mul3A_1216 = arith.constant 8 : i32
    %mul3A_1217 = vector.broadcast %mul3A_1216 : i32 to vector<16xi32>
    %mul3A_1218 = arith.muli %add3A_1215, %mul3A_1217 : vector<16xi32>
    %shift_right_arithmetic3A_1219 = arith.constant 4 : i32
    %shift_right_arithmetic3A_1220 = vector.broadcast %shift_right_arithmetic3A_1219 : i32 to vector<16xi32>
    %shift_right_arithmetic3A_1221 = arith.shrsi %get3A_1198, %shift_right_arithmetic3A_1220 : vector<16xi32>
    %and3A_1222 = arith.constant 7 : i32
    %and3A_1223 = vector.broadcast %and3A_1222 : i32 to vector<16xi32>
    %and3A_1224 = arith.andi %shift_right_arithmetic3A_1221, %and3A_1223 : vector<16xi32>
    %add3A_1225 = arith.addi %mul3A_1218, %and3A_1224 : vector<16xi32>
    %swap3A_1226 = arith.constant 6 : i32
    %swap3A_1227 = arith.index_cast %swap3A_1226 : i32 to index
    %swap3A_1228 = arith.constant 0 : index
    %swap3A_1229 = tpu.vector_load %arg6[%swap3A_1227, %swap3A_1228] {strides = array<i32>} : memref<8x64xi32, #tpu.memory_space<vmem>>, vector<16xi32>,
    tpu.vector_store %arg6[%swap3A_1227, %swap3A_1228], %add3A_1225 {strides = array<i32>} : memref<8x64xi32, #tpu.memory_space<vmem>>, vector<16xi32>,
    %add3A_1230 = arith.constant 384 : i32
    %add3A_1231 = arith.addi %mul3A_0, %add3A_1230 : i32
    %add3A_1232 = arith.constant 16 : i32
    %add3A_1233 = arith.addi %add3A_1231, %add3A_1232 : i32
    %add3A_1234 = vector.broadcast %add3A_1233 : i32 to vector<16xi32>
    %add3A_1235 = arith.addi %add3A_1234, %iota3A : vector<16xi32>
    %get3A_1236 = arith.constant 6 : i32
    %get3A_1237 = arith.index_cast %get3A_1236 : i32 to index
    %get3A_1238 = arith.constant 16 : index
    %get3A_1239 = tpu.vector_load %arg5[%get3A_1237, %get3A_1238] {strides = array<i32>} : memref<8x64xi32, #tpu.memory_space<vmem>>, vector<16xi32>,
    %shift_right_arithmetic3A_1240 = arith.constant 3 : i32
    %shift_right_arithmetic3A_1241 = vector.broadcast %shift_right_arithmetic3A_1240 : i32 to vector<16xi32>
    %shift_right_arithmetic3A_1242 = arith.shrsi %add3A_1235, %shift_right_arithmetic3A_1241 : vector<16xi32>
    %mul3A_1243 = arith.constant 64 : i32
    %mul3A_1244 = vector.broadcast %mul3A_1243 : i32 to vector<16xi32>
    %mul3A_1245 = arith.muli %shift_right_arithmetic3A_1242, %mul3A_1244 : vector<16xi32>
    %shift_right_arithmetic3A_1246 = arith.constant 7 : i32
    %shift_right_arithmetic3A_1247 = vector.broadcast %shift_right_arithmetic3A_1246 : i32 to vector<16xi32>
    %shift_right_arithmetic3A_1248 = arith.shrsi %get3A_1239, %shift_right_arithmetic3A_1247 : vector<16xi32>
    %add3A_1249 = arith.addi %mul3A_1245, %shift_right_arithmetic3A_1248 : vector<16xi32>
    %mul3A_1250 = arith.constant 8 : i32
    %mul3A_1251 = vector.broadcast %mul3A_1250 : i32 to vector<16xi32>
    %mul3A_1252 = arith.muli %add3A_1249, %mul3A_1251 : vector<16xi32>
    %and3A_1253 = arith.constant 7 : i32
    %and3A_1254 = vector.broadcast %and3A_1253 : i32 to vector<16xi32>
    %and3A_1255 = arith.andi %add3A_1235, %and3A_1254 : vector<16xi32>
    %add3A_1256 = arith.addi %mul3A_1252, %and3A_1255 : vector<16xi32>
    %mul3A_1257 = arith.constant 8 : i32
    %mul3A_1258 = vector.broadcast %mul3A_1257 : i32 to vector<16xi32>
    %mul3A_1259 = arith.muli %add3A_1256, %mul3A_1258 : vector<16xi32>
    %shift_right_arithmetic3A_1260 = arith.constant 4 : i32
    %shift_right_arithmetic3A_1261 = vector.broadcast %shift_right_arithmetic3A_1260 : i32 to vector<16xi32>
    %shift_right_arithmetic3A_1262 = arith.shrsi %get3A_1239, %shift_right_arithmetic3A_1261 : vector<16xi32>
    %and3A_1263 = arith.constant 7 : i32
    %and3A_1264 = vector.broadcast %and3A_1263 : i32 to vector<16xi32>
    %and3A_1265 = arith.andi %shift_right_arithmetic3A_1262, %and3A_1264 : vector<16xi32>
    %add3A_1266 = arith.addi %mul3A_1259, %and3A_1265 : vector<16xi32>
    %swap3A_1267 = arith.constant 6 : i32
    %swap3A_1268 = arith.index_cast %swap3A_1267 : i32 to index
    %swap3A_1269 = arith.constant 16 : index
    %swap3A_1270 = tpu.vector_load %arg6[%swap3A_1268, %swap3A_1269] {strides = array<i32>} : memref<8x64xi32, #tpu.memory_space<vmem>>, vector<16xi32>,
    tpu.vector_store %arg6[%swap3A_1268, %swap3A_1269], %add3A_1266 {strides = array<i32>} : memref<8x64xi32, #tpu.memory_space<vmem>>, vector<16xi32>,
    %add3A_1271 = arith.constant 384 : i32
    %add3A_1272 = arith.addi %mul3A_0, %add3A_1271 : i32
    %add3A_1273 = arith.constant 32 : i32
    %add3A_1274 = arith.addi %add3A_1272, %add3A_1273 : i32
    %add3A_1275 = vector.broadcast %add3A_1274 : i32 to vector<16xi32>
    %add3A_1276 = arith.addi %add3A_1275, %iota3A : vector<16xi32>
    %get3A_1277 = arith.constant 6 : i32
    %get3A_1278 = arith.index_cast %get3A_1277 : i32 to index
    %get3A_1279 = arith.constant 32 : index
    %get3A_1280 = tpu.vector_load %arg5[%get3A_1278, %get3A_1279] {strides = array<i32>} : memref<8x64xi32, #tpu.memory_space<vmem>>, vector<16xi32>,
    %shift_right_arithmetic3A_1281 = arith.constant 3 : i32
    %shift_right_arithmetic3A_1282 = vector.broadcast %shift_right_arithmetic3A_1281 : i32 to vector<16xi32>
    %shift_right_arithmetic3A_1283 = arith.shrsi %add3A_1276, %shift_right_arithmetic3A_1282 : vector<16xi32>
    %mul3A_1284 = arith.constant 64 : i32
    %mul3A_1285 = vector.broadcast %mul3A_1284 : i32 to vector<16xi32>
    %mul3A_1286 = arith.muli %shift_right_arithmetic3A_1283, %mul3A_1285 : vector<16xi32>
    %shift_right_arithmetic3A_1287 = arith.constant 7 : i32
    %shift_right_arithmetic3A_1288 = vector.broadcast %shift_right_arithmetic3A_1287 : i32 to vector<16xi32>
    %shift_right_arithmetic3A_1289 = arith.shrsi %get3A_1280, %shift_right_arithmetic3A_1288 : vector<16xi32>
    %add3A_1290 = arith.addi %mul3A_1286, %shift_right_arithmetic3A_1289 : vector<16xi32>
    %mul3A_1291 = arith.constant 8 : i32
    %mul3A_1292 = vector.broadcast %mul3A_1291 : i32 to vector<16xi32>
    %mul3A_1293 = arith.muli %add3A_1290, %mul3A_1292 : vector<16xi32>
    %and3A_1294 = arith.constant 7 : i32
    %and3A_1295 = vector.broadcast %and3A_1294 : i32 to vector<16xi32>
    %and3A_1296 = arith.andi %add3A_1276, %and3A_1295 : vector<16xi32>
    %add3A_1297 = arith.addi %mul3A_1293, %and3A_1296 : vector<16xi32>
    %mul3A_1298 = arith.constant 8 : i32
    %mul3A_1299 = vector.broadcast %mul3A_1298 : i32 to vector<16xi32>
    %mul3A_1300 = arith.muli %add3A_1297, %mul3A_1299 : vector<16xi32>
    %shift_right_arithmetic3A_1301 = arith.constant 4 : i32
    %shift_right_arithmetic3A_1302 = vector.broadcast %shift_right_arithmetic3A_1301 : i32 to vector<16xi32>
    %shift_right_arithmetic3A_1303 = arith.shrsi %get3A_1280, %shift_right_arithmetic3A_1302 : vector<16xi32>
    %and3A_1304 = arith.constant 7 : i32
    %and3A_1305 = vector.broadcast %and3A_1304 : i32 to vector<16xi32>
    %and3A_1306 = arith.andi %shift_right_arithmetic3A_1303, %and3A_1305 : vector<16xi32>
    %add3A_1307 = arith.addi %mul3A_1300, %and3A_1306 : vector<16xi32>
    %swap3A_1308 = arith.constant 6 : i32
    %swap3A_1309 = arith.index_cast %swap3A_1308 : i32 to index
    %swap3A_1310 = arith.constant 32 : index
    %swap3A_1311 = tpu.vector_load %arg6[%swap3A_1309, %swap3A_1310] {strides = array<i32>} : memref<8x64xi32, #tpu.memory_space<vmem>>, vector<16xi32>,
    tpu.vector_store %arg6[%swap3A_1309, %swap3A_1310], %add3A_1307 {strides = array<i32>} : memref<8x64xi32, #tpu.memory_space<vmem>>, vector<16xi32>,
    %add3A_1312 = arith.constant 384 : i32
    %add3A_1313 = arith.addi %mul3A_0, %add3A_1312 : i32
    %add3A_1314 = arith.constant 48 : i32
    %add3A_1315 = arith.addi %add3A_1313, %add3A_1314 : i32
    %add3A_1316 = vector.broadcast %add3A_1315 : i32 to vector<16xi32>
    %add3A_1317 = arith.addi %add3A_1316, %iota3A : vector<16xi32>
    %get3A_1318 = arith.constant 6 : i32
    %get3A_1319 = arith.index_cast %get3A_1318 : i32 to index
    %get3A_1320 = arith.constant 48 : index
    %get3A_1321 = tpu.vector_load %arg5[%get3A_1319, %get3A_1320] {strides = array<i32>} : memref<8x64xi32, #tpu.memory_space<vmem>>, vector<16xi32>,
    %shift_right_arithmetic3A_1322 = arith.constant 3 : i32
    %shift_right_arithmetic3A_1323 = vector.broadcast %shift_right_arithmetic3A_1322 : i32 to vector<16xi32>
    %shift_right_arithmetic3A_1324 = arith.shrsi %add3A_1317, %shift_right_arithmetic3A_1323 : vector<16xi32>
    %mul3A_1325 = arith.constant 64 : i32
    %mul3A_1326 = vector.broadcast %mul3A_1325 : i32 to vector<16xi32>
    %mul3A_1327 = arith.muli %shift_right_arithmetic3A_1324, %mul3A_1326 : vector<16xi32>
    %shift_right_arithmetic3A_1328 = arith.constant 7 : i32
    %shift_right_arithmetic3A_1329 = vector.broadcast %shift_right_arithmetic3A_1328 : i32 to vector<16xi32>
    %shift_right_arithmetic3A_1330 = arith.shrsi %get3A_1321, %shift_right_arithmetic3A_1329 : vector<16xi32>
    %add3A_1331 = arith.addi %mul3A_1327, %shift_right_arithmetic3A_1330 : vector<16xi32>
    %mul3A_1332 = arith.constant 8 : i32
    %mul3A_1333 = vector.broadcast %mul3A_1332 : i32 to vector<16xi32>
    %mul3A_1334 = arith.muli %add3A_1331, %mul3A_1333 : vector<16xi32>
    %and3A_1335 = arith.constant 7 : i32
    %and3A_1336 = vector.broadcast %and3A_1335 : i32 to vector<16xi32>
    %and3A_1337 = arith.andi %add3A_1317, %and3A_1336 : vector<16xi32>
    %add3A_1338 = arith.addi %mul3A_1334, %and3A_1337 : vector<16xi32>
    %mul3A_1339 = arith.constant 8 : i32
    %mul3A_1340 = vector.broadcast %mul3A_1339 : i32 to vector<16xi32>
    %mul3A_1341 = arith.muli %add3A_1338, %mul3A_1340 : vector<16xi32>
    %shift_right_arithmetic3A_1342 = arith.constant 4 : i32
    %shift_right_arithmetic3A_1343 = vector.broadcast %shift_right_arithmetic3A_1342 : i32 to vector<16xi32>
    %shift_right_arithmetic3A_1344 = arith.shrsi %get3A_1321, %shift_right_arithmetic3A_1343 : vector<16xi32>
    %and3A_1345 = arith.constant 7 : i32
    %and3A_1346 = vector.broadcast %and3A_1345 : i32 to vector<16xi32>
    %and3A_1347 = arith.andi %shift_right_arithmetic3A_1344, %and3A_1346 : vector<16xi32>
    %add3A_1348 = arith.addi %mul3A_1341, %and3A_1347 : vector<16xi32>
    %swap3A_1349 = arith.constant 6 : i32
    %swap3A_1350 = arith.index_cast %swap3A_1349 : i32 to index
    %swap3A_1351 = arith.constant 48 : index
    %swap3A_1352 = tpu.vector_load %arg6[%swap3A_1350, %swap3A_1351] {strides = array<i32>} : memref<8x64xi32, #tpu.memory_space<vmem>>, vector<16xi32>,
    tpu.vector_store %arg6[%swap3A_1350, %swap3A_1351], %add3A_1348 {strides = array<i32>} : memref<8x64xi32, #tpu.memory_space<vmem>>, vector<16xi32>,
    %dma_start3A_1353 = arith.constant 6 : i32
    %dma_start3A_1354 = arith.constant 384 : i32
    %dma_start3A_1355 = arith.constant 0 : i32
    %dma_start3A_1356 = tpu.memref_slice %arg7[%dma_start3A_1354, %dma_start3A_1355] : memref<512x16xf32, #tpu.memory_space<vmem>> -> memref<64x16xf32, #tpu.memory_space<vmem>>
    %dma_start3A_1357 = arith.constant 0 : i32
    %dma_start3A_1358 = tpu.memref_slice %arg6[%dma_start3A_1353, %dma_start3A_1357] : memref<8x64xi32, #tpu.memory_space<vmem>> -> memref<1x64xi32, #tpu.memory_space<vmem>>
    %dma_start3A_1359 = tpu.memref_squeeze %dma_start3A_1358 : memref<1x64xi32, #tpu.memory_space<vmem>> -> memref<64xi32, #tpu.memory_space<vmem>>
    %dma_start3A_1360 = arith.constant 0 : i32
    %dma_start3A_1361 = arith.constant 0 : i32
    %dma_start3A_1362 = tpu.memref_slice %arg2[%dma_start3A_1360, %dma_start3A_1361] : memref<4194304x16xf32, #tpu.memory_space<hbm>> -> memref<4194304x16xf32, #tpu.memory_space<hbm>>
    tpu.enqueue_indirect_dma source(%dma_start3A_1362 : memref<4194304x16xf32, #tpu.memory_space<hbm>>) target(%dma_start3A_1356 : memref<64x16xf32, #tpu.memory_space<vmem>>) offsets(%dma_start3A_1359 : memref<64xi32, #tpu.memory_space<vmem>>) semaphore(%arg11 : memref<!tpu.dma_semaphore, #tpu.memory_space<semaphore_mem>>)
    %dma_wait3A_1363 = arith.constant 7 : i32
    %dma_wait3A_1364 = arith.constant 0 : i32
    %dma_wait3A_1365 = tpu.memref_slice %arg5[%dma_wait3A_1363, %dma_wait3A_1364] : memref<8x64xi32, #tpu.memory_space<vmem>> -> memref<1x64xi32, #tpu.memory_space<vmem>>
    %dma_wait3A_1366 = tpu.memref_squeeze %dma_wait3A_1365 : memref<1x64xi32, #tpu.memory_space<vmem>> -> memref<64xi32, #tpu.memory_space<vmem>>
    %dma_wait3A_1367 = tpu.memref_slice %arg3[%add3A_77] : memref<8192xi32, #tpu.memory_space<hbm>> -> memref<64xi32, #tpu.memory_space<hbm>>
    %dma_wait3A_1368 = arith.constant 0 : i32
    %dma_wait3A_1369 = tpu.memref_slice %arg5[%dma_wait3A_1363, %dma_wait3A_1368] : memref<8x64xi32, #tpu.memory_space<vmem>> -> memref<1x64xi32, #tpu.memory_space<vmem>>
    %dma_wait3A_1370 = tpu.memref_squeeze %dma_wait3A_1369 : memref<1x64xi32, #tpu.memory_space<vmem>> -> memref<64xi32, #tpu.memory_space<vmem>>
    %dma_wait3A_1371 = tpu.memref_slice %arg3[%add3A_77] : memref<8192xi32, #tpu.memory_space<hbm>> -> memref<64xi32, #tpu.memory_space<hbm>>
    tpu.wait_dma2 semaphore(%arg12 : memref<!tpu.dma_semaphore, #tpu.memory_space<semaphore_mem>>) src(%dma_wait3A_1371 : memref<64xi32, #tpu.memory_space<hbm>>) dst(%dma_wait3A_1370 : memref<64xi32, #tpu.memory_space<vmem>>)
    %add3A_1372 = arith.constant 448 : i32
    %add3A_1373 = arith.addi %mul3A_0, %add3A_1372 : i32
    %add3A_1374 = arith.constant 0 : i32
    %add3A_1375 = arith.addi %add3A_1373, %add3A_1374 : i32
    %add3A_1376 = vector.broadcast %add3A_1375 : i32 to vector<16xi32>
    %add3A_1377 = arith.addi %add3A_1376, %iota3A : vector<16xi32>
    %get3A_1378 = arith.constant 7 : i32
    %get3A_1379 = arith.index_cast %get3A_1378 : i32 to index
    %get3A_1380 = arith.constant 0 : index
    %get3A_1381 = tpu.vector_load %arg5[%get3A_1379, %get3A_1380] {strides = array<i32>} : memref<8x64xi32, #tpu.memory_space<vmem>>, vector<16xi32>,
    %shift_right_arithmetic3A_1382 = arith.constant 3 : i32
    %shift_right_arithmetic3A_1383 = vector.broadcast %shift_right_arithmetic3A_1382 : i32 to vector<16xi32>
    %shift_right_arithmetic3A_1384 = arith.shrsi %add3A_1377, %shift_right_arithmetic3A_1383 : vector<16xi32>
    %mul3A_1385 = arith.constant 64 : i32
    %mul3A_1386 = vector.broadcast %mul3A_1385 : i32 to vector<16xi32>
    %mul3A_1387 = arith.muli %shift_right_arithmetic3A_1384, %mul3A_1386 : vector<16xi32>
    %shift_right_arithmetic3A_1388 = arith.constant 7 : i32
    %shift_right_arithmetic3A_1389 = vector.broadcast %shift_right_arithmetic3A_1388 : i32 to vector<16xi32>
    %shift_right_arithmetic3A_1390 = arith.shrsi %get3A_1381, %shift_right_arithmetic3A_1389 : vector<16xi32>
    %add3A_1391 = arith.addi %mul3A_1387, %shift_right_arithmetic3A_1390 : vector<16xi32>
    %mul3A_1392 = arith.constant 8 : i32
    %mul3A_1393 = vector.broadcast %mul3A_1392 : i32 to vector<16xi32>
    %mul3A_1394 = arith.muli %add3A_1391, %mul3A_1393 : vector<16xi32>
    %and3A_1395 = arith.constant 7 : i32
    %and3A_1396 = vector.broadcast %and3A_1395 : i32 to vector<16xi32>
    %and3A_1397 = arith.andi %add3A_1377, %and3A_1396 : vector<16xi32>
    %add3A_1398 = arith.addi %mul3A_1394, %and3A_1397 : vector<16xi32>
    %mul3A_1399 = arith.constant 8 : i32
    %mul3A_1400 = vector.broadcast %mul3A_1399 : i32 to vector<16xi32>
    %mul3A_1401 = arith.muli %add3A_1398, %mul3A_1400 : vector<16xi32>
    %shift_right_arithmetic3A_1402 = arith.constant 4 : i32
    %shift_right_arithmetic3A_1403 = vector.broadcast %shift_right_arithmetic3A_1402 : i32 to vector<16xi32>
    %shift_right_arithmetic3A_1404 = arith.shrsi %get3A_1381, %shift_right_arithmetic3A_1403 : vector<16xi32>
    %and3A_1405 = arith.constant 7 : i32
    %and3A_1406 = vector.broadcast %and3A_1405 : i32 to vector<16xi32>
    %and3A_1407 = arith.andi %shift_right_arithmetic3A_1404, %and3A_1406 : vector<16xi32>
    %add3A_1408 = arith.addi %mul3A_1401, %and3A_1407 : vector<16xi32>
    %swap3A_1409 = arith.constant 7 : i32
    %swap3A_1410 = arith.index_cast %swap3A_1409 : i32 to index
    %swap3A_1411 = arith.constant 0 : index
    %swap3A_1412 = tpu.vector_load %arg6[%swap3A_1410, %swap3A_1411] {strides = array<i32>} : memref<8x64xi32, #tpu.memory_space<vmem>>, vector<16xi32>,
    tpu.vector_store %arg6[%swap3A_1410, %swap3A_1411], %add3A_1408 {strides = array<i32>} : memref<8x64xi32, #tpu.memory_space<vmem>>, vector<16xi32>,
    %add3A_1413 = arith.constant 448 : i32
    %add3A_1414 = arith.addi %mul3A_0, %add3A_1413 : i32
    %add3A_1415 = arith.constant 16 : i32
    %add3A_1416 = arith.addi %add3A_1414, %add3A_1415 : i32
    %add3A_1417 = vector.broadcast %add3A_1416 : i32 to vector<16xi32>
    %add3A_1418 = arith.addi %add3A_1417, %iota3A : vector<16xi32>
    %get3A_1419 = arith.constant 7 : i32
    %get3A_1420 = arith.index_cast %get3A_1419 : i32 to index
    %get3A_1421 = arith.constant 16 : index
    %get3A_1422 = tpu.vector_load %arg5[%get3A_1420, %get3A_1421] {strides = array<i32>} : memref<8x64xi32, #tpu.memory_space<vmem>>, vector<16xi32>,
    %shift_right_arithmetic3A_1423 = arith.constant 3 : i32
    %shift_right_arithmetic3A_1424 = vector.broadcast %shift_right_arithmetic3A_1423 : i32 to vector<16xi32>
    %shift_right_arithmetic3A_1425 = arith.shrsi %add3A_1418, %shift_right_arithmetic3A_1424 : vector<16xi32>
    %mul3A_1426 = arith.constant 64 : i32
    %mul3A_1427 = vector.broadcast %mul3A_1426 : i32 to vector<16xi32>
    %mul3A_1428 = arith.muli %shift_right_arithmetic3A_1425, %mul3A_1427 : vector<16xi32>
    %shift_right_arithmetic3A_1429 = arith.constant 7 : i32
    %shift_right_arithmetic3A_1430 = vector.broadcast %shift_right_arithmetic3A_1429 : i32 to vector<16xi32>
    %shift_right_arithmetic3A_1431 = arith.shrsi %get3A_1422, %shift_right_arithmetic3A_1430 : vector<16xi32>
    %add3A_1432 = arith.addi %mul3A_1428, %shift_right_arithmetic3A_1431 : vector<16xi32>
    %mul3A_1433 = arith.constant 8 : i32
    %mul3A_1434 = vector.broadcast %mul3A_1433 : i32 to vector<16xi32>
    %mul3A_1435 = arith.muli %add3A_1432, %mul3A_1434 : vector<16xi32>
    %and3A_1436 = arith.constant 7 : i32
    %and3A_1437 = vector.broadcast %and3A_1436 : i32 to vector<16xi32>
    %and3A_1438 = arith.andi %add3A_1418, %and3A_1437 : vector<16xi32>
    %add3A_1439 = arith.addi %mul3A_1435, %and3A_1438 : vector<16xi32>
    %mul3A_1440 = arith.constant 8 : i32
    %mul3A_1441 = vector.broadcast %mul3A_1440 : i32 to vector<16xi32>
    %mul3A_1442 = arith.muli %add3A_1439, %mul3A_1441 : vector<16xi32>
    %shift_right_arithmetic3A_1443 = arith.constant 4 : i32
    %shift_right_arithmetic3A_1444 = vector.broadcast %shift_right_arithmetic3A_1443 : i32 to vector<16xi32>
    %shift_right_arithmetic3A_1445 = arith.shrsi %get3A_1422, %shift_right_arithmetic3A_1444 : vector<16xi32>
    %and3A_1446 = arith.constant 7 : i32
    %and3A_1447 = vector.broadcast %and3A_1446 : i32 to vector<16xi32>
    %and3A_1448 = arith.andi %shift_right_arithmetic3A_1445, %and3A_1447 : vector<16xi32>
    %add3A_1449 = arith.addi %mul3A_1442, %and3A_1448 : vector<16xi32>
    %swap3A_1450 = arith.constant 7 : i32
    %swap3A_1451 = arith.index_cast %swap3A_1450 : i32 to index
    %swap3A_1452 = arith.constant 16 : index
    %swap3A_1453 = tpu.vector_load %arg6[%swap3A_1451, %swap3A_1452] {strides = array<i32>} : memref<8x64xi32, #tpu.memory_space<vmem>>, vector<16xi32>,
    tpu.vector_store %arg6[%swap3A_1451, %swap3A_1452], %add3A_1449 {strides = array<i32>} : memref<8x64xi32, #tpu.memory_space<vmem>>, vector<16xi32>,
    %add3A_1454 = arith.constant 448 : i32
    %add3A_1455 = arith.addi %mul3A_0, %add3A_1454 : i32
    %add3A_1456 = arith.constant 32 : i32
    %add3A_1457 = arith.addi %add3A_1455, %add3A_1456 : i32
    %add3A_1458 = vector.broadcast %add3A_1457 : i32 to vector<16xi32>
    %add3A_1459 = arith.addi %add3A_1458, %iota3A : vector<16xi32>
    %get3A_1460 = arith.constant 7 : i32
    %get3A_1461 = arith.index_cast %get3A_1460 : i32 to index
    %get3A_1462 = arith.constant 32 : index
    %get3A_1463 = tpu.vector_load %arg5[%get3A_1461, %get3A_1462] {strides = array<i32>} : memref<8x64xi32, #tpu.memory_space<vmem>>, vector<16xi32>,
    %shift_right_arithmetic3A_1464 = arith.constant 3 : i32
    %shift_right_arithmetic3A_1465 = vector.broadcast %shift_right_arithmetic3A_1464 : i32 to vector<16xi32>
    %shift_right_arithmetic3A_1466 = arith.shrsi %add3A_1459, %shift_right_arithmetic3A_1465 : vector<16xi32>
    %mul3A_1467 = arith.constant 64 : i32
    %mul3A_1468 = vector.broadcast %mul3A_1467 : i32 to vector<16xi32>
    %mul3A_1469 = arith.muli %shift_right_arithmetic3A_1466, %mul3A_1468 : vector<16xi32>
    %shift_right_arithmetic3A_1470 = arith.constant 7 : i32
    %shift_right_arithmetic3A_1471 = vector.broadcast %shift_right_arithmetic3A_1470 : i32 to vector<16xi32>
    %shift_right_arithmetic3A_1472 = arith.shrsi %get3A_1463, %shift_right_arithmetic3A_1471 : vector<16xi32>
    %add3A_1473 = arith.addi %mul3A_1469, %shift_right_arithmetic3A_1472 : vector<16xi32>
    %mul3A_1474 = arith.constant 8 : i32
    %mul3A_1475 = vector.broadcast %mul3A_1474 : i32 to vector<16xi32>
    %mul3A_1476 = arith.muli %add3A_1473, %mul3A_1475 : vector<16xi32>
    %and3A_1477 = arith.constant 7 : i32
    %and3A_1478 = vector.broadcast %and3A_1477 : i32 to vector<16xi32>
    %and3A_1479 = arith.andi %add3A_1459, %and3A_1478 : vector<16xi32>
    %add3A_1480 = arith.addi %mul3A_1476, %and3A_1479 : vector<16xi32>
    %mul3A_1481 = arith.constant 8 : i32
    %mul3A_1482 = vector.broadcast %mul3A_1481 : i32 to vector<16xi32>
    %mul3A_1483 = arith.muli %add3A_1480, %mul3A_1482 : vector<16xi32>
    %shift_right_arithmetic3A_1484 = arith.constant 4 : i32
    %shift_right_arithmetic3A_1485 = vector.broadcast %shift_right_arithmetic3A_1484 : i32 to vector<16xi32>
    %shift_right_arithmetic3A_1486 = arith.shrsi %get3A_1463, %shift_right_arithmetic3A_1485 : vector<16xi32>
    %and3A_1487 = arith.constant 7 : i32
    %and3A_1488 = vector.broadcast %and3A_1487 : i32 to vector<16xi32>
    %and3A_1489 = arith.andi %shift_right_arithmetic3A_1486, %and3A_1488 : vector<16xi32>
    %add3A_1490 = arith.addi %mul3A_1483, %and3A_1489 : vector<16xi32>
    %swap3A_1491 = arith.constant 7 : i32
    %swap3A_1492 = arith.index_cast %swap3A_1491 : i32 to index
    %swap3A_1493 = arith.constant 32 : index
    %swap3A_1494 = tpu.vector_load %arg6[%swap3A_1492, %swap3A_1493] {strides = array<i32>} : memref<8x64xi32, #tpu.memory_space<vmem>>, vector<16xi32>,
    tpu.vector_store %arg6[%swap3A_1492, %swap3A_1493], %add3A_1490 {strides = array<i32>} : memref<8x64xi32, #tpu.memory_space<vmem>>, vector<16xi32>,
    %add3A_1495 = arith.constant 448 : i32
    %add3A_1496 = arith.addi %mul3A_0, %add3A_1495 : i32
    %add3A_1497 = arith.constant 48 : i32
    %add3A_1498 = arith.addi %add3A_1496, %add3A_1497 : i32
    %add3A_1499 = vector.broadcast %add3A_1498 : i32 to vector<16xi32>
    %add3A_1500 = arith.addi %add3A_1499, %iota3A : vector<16xi32>
    %get3A_1501 = arith.constant 7 : i32
    %get3A_1502 = arith.index_cast %get3A_1501 : i32 to index
    %get3A_1503 = arith.constant 48 : index
    %get3A_1504 = tpu.vector_load %arg5[%get3A_1502, %get3A_1503] {strides = array<i32>} : memref<8x64xi32, #tpu.memory_space<vmem>>, vector<16xi32>,
    %shift_right_arithmetic3A_1505 = arith.constant 3 : i32
    %shift_right_arithmetic3A_1506 = vector.broadcast %shift_right_arithmetic3A_1505 : i32 to vector<16xi32>
    %shift_right_arithmetic3A_1507 = arith.shrsi %add3A_1500, %shift_right_arithmetic3A_1506 : vector<16xi32>
    %mul3A_1508 = arith.constant 64 : i32
    %mul3A_1509 = vector.broadcast %mul3A_1508 : i32 to vector<16xi32>
    %mul3A_1510 = arith.muli %shift_right_arithmetic3A_1507, %mul3A_1509 : vector<16xi32>
    %shift_right_arithmetic3A_1511 = arith.constant 7 : i32
    %shift_right_arithmetic3A_1512 = vector.broadcast %shift_right_arithmetic3A_1511 : i32 to vector<16xi32>
    %shift_right_arithmetic3A_1513 = arith.shrsi %get3A_1504, %shift_right_arithmetic3A_1512 : vector<16xi32>
    %add3A_1514 = arith.addi %mul3A_1510, %shift_right_arithmetic3A_1513 : vector<16xi32>
    %mul3A_1515 = arith.constant 8 : i32
    %mul3A_1516 = vector.broadcast %mul3A_1515 : i32 to vector<16xi32>
    %mul3A_1517 = arith.muli %add3A_1514, %mul3A_1516 : vector<16xi32>
    %and3A_1518 = arith.constant 7 : i32
    %and3A_1519 = vector.broadcast %and3A_1518 : i32 to vector<16xi32>
    %and3A_1520 = arith.andi %add3A_1500, %and3A_1519 : vector<16xi32>
    %add3A_1521 = arith.addi %mul3A_1517, %and3A_1520 : vector<16xi32>
    %mul3A_1522 = arith.constant 8 : i32
    %mul3A_1523 = vector.broadcast %mul3A_1522 : i32 to vector<16xi32>
    %mul3A_1524 = arith.muli %add3A_1521, %mul3A_1523 : vector<16xi32>
    %shift_right_arithmetic3A_1525 = arith.constant 4 : i32
    %shift_right_arithmetic3A_1526 = vector.broadcast %shift_right_arithmetic3A_1525 : i32 to vector<16xi32>
    %shift_right_arithmetic3A_1527 = arith.shrsi %get3A_1504, %shift_right_arithmetic3A_1526 : vector<16xi32>
    %and3A_1528 = arith.constant 7 : i32
    %and3A_1529 = vector.broadcast %and3A_1528 : i32 to vector<16xi32>
    %and3A_1530 = arith.andi %shift_right_arithmetic3A_1527, %and3A_1529 : vector<16xi32>
    %add3A_1531 = arith.addi %mul3A_1524, %and3A_1530 : vector<16xi32>
    %swap3A_1532 = arith.constant 7 : i32
    %swap3A_1533 = arith.index_cast %swap3A_1532 : i32 to index
    %swap3A_1534 = arith.constant 48 : index
    %swap3A_1535 = tpu.vector_load %arg6[%swap3A_1533, %swap3A_1534] {strides = array<i32>} : memref<8x64xi32, #tpu.memory_space<vmem>>, vector<16xi32>,
    tpu.vector_store %arg6[%swap3A_1533, %swap3A_1534], %add3A_1531 {strides = array<i32>} : memref<8x64xi32, #tpu.memory_space<vmem>>, vector<16xi32>,
    %dma_start3A_1536 = arith.constant 7 : i32
    %dma_start3A_1537 = arith.constant 448 : i32
    %dma_start3A_1538 = arith.constant 0 : i32
    %dma_start3A_1539 = tpu.memref_slice %arg7[%dma_start3A_1537, %dma_start3A_1538] : memref<512x16xf32, #tpu.memory_space<vmem>> -> memref<64x16xf32, #tpu.memory_space<vmem>>
    %dma_start3A_1540 = arith.constant 0 : i32
    %dma_start3A_1541 = tpu.memref_slice %arg6[%dma_start3A_1536, %dma_start3A_1540] : memref<8x64xi32, #tpu.memory_space<vmem>> -> memref<1x64xi32, #tpu.memory_space<vmem>>
    %dma_start3A_1542 = tpu.memref_squeeze %dma_start3A_1541 : memref<1x64xi32, #tpu.memory_space<vmem>> -> memref<64xi32, #tpu.memory_space<vmem>>
    %dma_start3A_1543 = arith.constant 0 : i32
    %dma_start3A_1544 = arith.constant 0 : i32
    %dma_start3A_1545 = tpu.memref_slice %arg2[%dma_start3A_1543, %dma_start3A_1544] : memref<4194304x16xf32, #tpu.memory_space<hbm>> -> memref<4194304x16xf32, #tpu.memory_space<hbm>>
    tpu.enqueue_indirect_dma source(%dma_start3A_1545 : memref<4194304x16xf32, #tpu.memory_space<hbm>>) target(%dma_start3A_1539 : memref<64x16xf32, #tpu.memory_space<vmem>>) offsets(%dma_start3A_1542 : memref<64xi32, #tpu.memory_space<vmem>>) semaphore(%arg11 : memref<!tpu.dma_semaphore, #tpu.memory_space<semaphore_mem>>)
    %broadcast_in_dim3A = arith.constant 0.000000e+00 : f32
    %broadcast_in_dim3A_1546 = vector.broadcast %broadcast_in_dim3A : f32 to vector<16xf32>
    %broadcast_in_dim3A_1547 = arith.constant 0.000000e+00 : f32
    %broadcast_in_dim3A_1548 = vector.broadcast %broadcast_in_dim3A_1547 : f32 to vector<16xf32>
    %dma_wait3A_1549 = arith.constant 0 : i32
    %dma_wait3A_1550 = arith.constant 0 : i32
    %dma_wait3A_1551 = arith.constant 0 : i32
    %dma_wait3A_1552 = tpu.memref_slice %arg7[%dma_wait3A_1550, %dma_wait3A_1551] : memref<512x16xf32, #tpu.memory_space<vmem>> -> memref<64x16xf32, #tpu.memory_space<vmem>>
    %dma_wait3A_1553 = arith.constant 0 : i32
    %dma_wait3A_1554 = tpu.memref_slice %arg6[%dma_wait3A_1549, %dma_wait3A_1553] : memref<8x64xi32, #tpu.memory_space<vmem>> -> memref<1x64xi32, #tpu.memory_space<vmem>>
    %dma_wait3A_1555 = tpu.memref_squeeze %dma_wait3A_1554 : memref<1x64xi32, #tpu.memory_space<vmem>> -> memref<64xi32, #tpu.memory_space<vmem>>
    %dma_wait3A_1556 = arith.constant 0 : i32
    %dma_wait3A_1557 = arith.constant 0 : i32
    %dma_wait3A_1558 = tpu.memref_slice %arg2[%dma_wait3A_1556, %dma_wait3A_1557] : memref<4194304x16xf32, #tpu.memory_space<hbm>> -> memref<4194304x16xf32, #tpu.memory_space<hbm>>
    tpu.wait_indirect_dma semaphore(%arg11 : memref<!tpu.dma_semaphore, #tpu.memory_space<semaphore_mem>>) src(%dma_wait3A_1558 : memref<4194304x16xf32, #tpu.memory_space<hbm>>) dst(%dma_wait3A_1552 : memref<64x16xf32, #tpu.memory_space<vmem>>)
    %get3A_1559 = arith.constant 0 : i32
    %get3A_1560 = arith.index_cast %get3A_1559 : i32 to index
    %get3A_1561 = arith.constant 0 : index
    %get3A_1562 = tpu.vector_load %arg5[%get3A_1560, %get3A_1561] {strides = array<i32>} : memref<8x64xi32, #tpu.memory_space<vmem>>, vector<16xi32>,
    %add3A_1563 = arith.constant 0 : i32
    %add3A_1564 = vector.broadcast %add3A_1563 : i32 to vector<16xi32>
    %add3A_1565 = arith.addi %add3A_1564, %iota3A : vector<16xi32>
    %and3A_1566 = arith.constant 15 : i32
    %and3A_1567 = vector.broadcast %and3A_1566 : i32 to vector<16xi32>
    %and3A_1568 = arith.andi %get3A_1562, %and3A_1567 : vector<16xi32>
    %gather3A = tpu.vector_load_idx %arg7[%add3A_1565, %and3A_1568] : memref<512x16xf32, #tpu.memory_space<vmem>>[vector<16xi32>, vector<16xi32>], vector<16xf32>,
    %gt3A = arith.constant 1 : i32
    %gt3A_1569 = vector.broadcast %gt3A : i32 to vector<16xi32>
    %gt3A_1570 = arith.cmpi sgt, %get3A_1562, %gt3A_1569 : vector<16xi32>
    %neg3A = arith.constant 0.000000e+00 : f32
    %neg3A_1571 = vector.broadcast %neg3A : f32 to vector<16xf32>
    %neg3A_1572 = arith.subf %neg3A_1571, %gather3A : vector<16xf32>
    %jit3A = arith.constant 0.000000e+00 : f32
    %broadcast_in_dim3A_1573 = vector.broadcast %jit3A : f32 to vector<16xf32>
    %select_n3A = arith.select %gt3A_1570, %neg3A_1572, %broadcast_in_dim3A_1573 : vector<16xi1>, vector<16xf32>
    %add3A_1574 = arith.addf %broadcast_in_dim3A_1546, %select_n3A : vector<16xf32>
    %jit3A_1575 = arith.constant 1.000000e+00 : f32
    %jit3A_1576 = arith.constant 0.000000e+00 : f32
    %broadcast_in_dim3A_1577 = vector.broadcast %jit3A_1575 : f32 to vector<16xf32>
    %broadcast_in_dim3A_1578 = vector.broadcast %jit3A_1576 : f32 to vector<16xf32>
    %select_n3A_1579 = arith.select %gt3A_1570, %broadcast_in_dim3A_1577, %broadcast_in_dim3A_1578 : vector<16xi1>, vector<16xf32>
    %add3A_1580 = arith.addf %broadcast_in_dim3A_1548, %select_n3A_1579 : vector<16xf32>
    %get3A_1581 = arith.constant 0 : i32
    %get3A_1582 = arith.index_cast %get3A_1581 : i32 to index
    %get3A_1583 = arith.constant 16 : index
    %get3A_1584 = tpu.vector_load %arg5[%get3A_1582, %get3A_1583] {strides = array<i32>} : memref<8x64xi32, #tpu.memory_space<vmem>>, vector<16xi32>,
    %add3A_1585 = arith.constant 16 : i32
    %add3A_1586 = vector.broadcast %add3A_1585 : i32 to vector<16xi32>
    %add3A_1587 = arith.addi %add3A_1586, %iota3A : vector<16xi32>
    %and3A_1588 = arith.constant 15 : i32
    %and3A_1589 = vector.broadcast %and3A_1588 : i32 to vector<16xi32>
    %and3A_1590 = arith.andi %get3A_1584, %and3A_1589 : vector<16xi32>
    %gather3A_1591 = tpu.vector_load_idx %arg7[%add3A_1587, %and3A_1590] : memref<512x16xf32, #tpu.memory_space<vmem>>[vector<16xi32>, vector<16xi32>], vector<16xf32>,
    %gt3A_1592 = arith.constant 1 : i32
    %gt3A_1593 = vector.broadcast %gt3A_1592 : i32 to vector<16xi32>
    %gt3A_1594 = arith.cmpi sgt, %get3A_1584, %gt3A_1593 : vector<16xi32>
    %neg3A_1595 = arith.constant 0.000000e+00 : f32
    %neg3A_1596 = vector.broadcast %neg3A_1595 : f32 to vector<16xf32>
    %neg3A_1597 = arith.subf %neg3A_1596, %gather3A_1591 : vector<16xf32>
    %jit3A_1598 = arith.constant 0.000000e+00 : f32
    %broadcast_in_dim3A_1599 = vector.broadcast %jit3A_1598 : f32 to vector<16xf32>
    %select_n3A_1600 = arith.select %gt3A_1594, %neg3A_1597, %broadcast_in_dim3A_1599 : vector<16xi1>, vector<16xf32>
    %add3A_1601 = arith.addf %add3A_1574, %select_n3A_1600 : vector<16xf32>
    %jit3A_1602 = arith.constant 1.000000e+00 : f32
    %jit3A_1603 = arith.constant 0.000000e+00 : f32
    %broadcast_in_dim3A_1604 = vector.broadcast %jit3A_1602 : f32 to vector<16xf32>
    %broadcast_in_dim3A_1605 = vector.broadcast %jit3A_1603 : f32 to vector<16xf32>
    %select_n3A_1606 = arith.select %gt3A_1594, %broadcast_in_dim3A_1604, %broadcast_in_dim3A_1605 : vector<16xi1>, vector<16xf32>
    %add3A_1607 = arith.addf %add3A_1580, %select_n3A_1606 : vector<16xf32>
    %get3A_1608 = arith.constant 0 : i32
    %get3A_1609 = arith.index_cast %get3A_1608 : i32 to index
    %get3A_1610 = arith.constant 32 : index
    %get3A_1611 = tpu.vector_load %arg5[%get3A_1609, %get3A_1610] {strides = array<i32>} : memref<8x64xi32, #tpu.memory_space<vmem>>, vector<16xi32>,
    %add3A_1612 = arith.constant 32 : i32
    %add3A_1613 = vector.broadcast %add3A_1612 : i32 to vector<16xi32>
    %add3A_1614 = arith.addi %add3A_1613, %iota3A : vector<16xi32>
    %and3A_1615 = arith.constant 15 : i32
    %and3A_1616 = vector.broadcast %and3A_1615 : i32 to vector<16xi32>
    %and3A_1617 = arith.andi %get3A_1611, %and3A_1616 : vector<16xi32>
    %gather3A_1618 = tpu.vector_load_idx %arg7[%add3A_1614, %and3A_1617] : memref<512x16xf32, #tpu.memory_space<vmem>>[vector<16xi32>, vector<16xi32>], vector<16xf32>,
    %gt3A_1619 = arith.constant 1 : i32
    %gt3A_1620 = vector.broadcast %gt3A_1619 : i32 to vector<16xi32>
    %gt3A_1621 = arith.cmpi sgt, %get3A_1611, %gt3A_1620 : vector<16xi32>
    %neg3A_1622 = arith.constant 0.000000e+00 : f32
    %neg3A_1623 = vector.broadcast %neg3A_1622 : f32 to vector<16xf32>
    %neg3A_1624 = arith.subf %neg3A_1623, %gather3A_1618 : vector<16xf32>
    %jit3A_1625 = arith.constant 0.000000e+00 : f32
    %broadcast_in_dim3A_1626 = vector.broadcast %jit3A_1625 : f32 to vector<16xf32>
    %select_n3A_1627 = arith.select %gt3A_1621, %neg3A_1624, %broadcast_in_dim3A_1626 : vector<16xi1>, vector<16xf32>
    %add3A_1628 = arith.addf %add3A_1601, %select_n3A_1627 : vector<16xf32>
    %jit3A_1629 = arith.constant 1.000000e+00 : f32
    %jit3A_1630 = arith.constant 0.000000e+00 : f32
    %broadcast_in_dim3A_1631 = vector.broadcast %jit3A_1629 : f32 to vector<16xf32>
    %broadcast_in_dim3A_1632 = vector.broadcast %jit3A_1630 : f32 to vector<16xf32>
    %select_n3A_1633 = arith.select %gt3A_1621, %broadcast_in_dim3A_1631, %broadcast_in_dim3A_1632 : vector<16xi1>, vector<16xf32>
    %add3A_1634 = arith.addf %add3A_1607, %select_n3A_1633 : vector<16xf32>
    %get3A_1635 = arith.constant 0 : i32
    %get3A_1636 = arith.index_cast %get3A_1635 : i32 to index
    %get3A_1637 = arith.constant 48 : index
    %get3A_1638 = tpu.vector_load %arg5[%get3A_1636, %get3A_1637] {strides = array<i32>} : memref<8x64xi32, #tpu.memory_space<vmem>>, vector<16xi32>,
    %add3A_1639 = arith.constant 48 : i32
    %add3A_1640 = vector.broadcast %add3A_1639 : i32 to vector<16xi32>
    %add3A_1641 = arith.addi %add3A_1640, %iota3A : vector<16xi32>
    %and3A_1642 = arith.constant 15 : i32
    %and3A_1643 = vector.broadcast %and3A_1642 : i32 to vector<16xi32>
    %and3A_1644 = arith.andi %get3A_1638, %and3A_1643 : vector<16xi32>
    %gather3A_1645 = tpu.vector_load_idx %arg7[%add3A_1641, %and3A_1644] : memref<512x16xf32, #tpu.memory_space<vmem>>[vector<16xi32>, vector<16xi32>], vector<16xf32>,
    %gt3A_1646 = arith.constant 1 : i32
    %gt3A_1647 = vector.broadcast %gt3A_1646 : i32 to vector<16xi32>
    %gt3A_1648 = arith.cmpi sgt, %get3A_1638, %gt3A_1647 : vector<16xi32>
    %neg3A_1649 = arith.constant 0.000000e+00 : f32
    %neg3A_1650 = vector.broadcast %neg3A_1649 : f32 to vector<16xf32>
    %neg3A_1651 = arith.subf %neg3A_1650, %gather3A_1645 : vector<16xf32>
    %jit3A_1652 = arith.constant 0.000000e+00 : f32
    %broadcast_in_dim3A_1653 = vector.broadcast %jit3A_1652 : f32 to vector<16xf32>
    %select_n3A_1654 = arith.select %gt3A_1648, %neg3A_1651, %broadcast_in_dim3A_1653 : vector<16xi1>, vector<16xf32>
    %add3A_1655 = arith.addf %add3A_1628, %select_n3A_1654 : vector<16xf32>
    %jit3A_1656 = arith.constant 1.000000e+00 : f32
    %jit3A_1657 = arith.constant 0.000000e+00 : f32
    %broadcast_in_dim3A_1658 = vector.broadcast %jit3A_1656 : f32 to vector<16xf32>
    %broadcast_in_dim3A_1659 = vector.broadcast %jit3A_1657 : f32 to vector<16xf32>
    %select_n3A_1660 = arith.select %gt3A_1648, %broadcast_in_dim3A_1658, %broadcast_in_dim3A_1659 : vector<16xi1>, vector<16xf32>
    %add3A_1661 = arith.addf %add3A_1634, %select_n3A_1660 : vector<16xf32>
    %dma_wait3A_1662 = arith.constant 1 : i32
    %dma_wait3A_1663 = arith.constant 64 : i32
    %dma_wait3A_1664 = arith.constant 0 : i32
    %dma_wait3A_1665 = tpu.memref_slice %arg7[%dma_wait3A_1663, %dma_wait3A_1664] : memref<512x16xf32, #tpu.memory_space<vmem>> -> memref<64x16xf32, #tpu.memory_space<vmem>>
    %dma_wait3A_1666 = arith.constant 0 : i32
    %dma_wait3A_1667 = tpu.memref_slice %arg6[%dma_wait3A_1662, %dma_wait3A_1666] : memref<8x64xi32, #tpu.memory_space<vmem>> -> memref<1x64xi32, #tpu.memory_space<vmem>>
    %dma_wait3A_1668 = tpu.memref_squeeze %dma_wait3A_1667 : memref<1x64xi32, #tpu.memory_space<vmem>> -> memref<64xi32, #tpu.memory_space<vmem>>
    %dma_wait3A_1669 = arith.constant 0 : i32
    %dma_wait3A_1670 = arith.constant 0 : i32
    %dma_wait3A_1671 = tpu.memref_slice %arg2[%dma_wait3A_1669, %dma_wait3A_1670] : memref<4194304x16xf32, #tpu.memory_space<hbm>> -> memref<4194304x16xf32, #tpu.memory_space<hbm>>
    tpu.wait_indirect_dma semaphore(%arg11 : memref<!tpu.dma_semaphore, #tpu.memory_space<semaphore_mem>>) src(%dma_wait3A_1671 : memref<4194304x16xf32, #tpu.memory_space<hbm>>) dst(%dma_wait3A_1665 : memref<64x16xf32, #tpu.memory_space<vmem>>)
    %get3A_1672 = arith.constant 1 : i32
    %get3A_1673 = arith.index_cast %get3A_1672 : i32 to index
    %get3A_1674 = arith.constant 0 : index
    %get3A_1675 = tpu.vector_load %arg5[%get3A_1673, %get3A_1674] {strides = array<i32>} : memref<8x64xi32, #tpu.memory_space<vmem>>, vector<16xi32>,
    %add3A_1676 = arith.constant 64 : i32
    %add3A_1677 = vector.broadcast %add3A_1676 : i32 to vector<16xi32>
    %add3A_1678 = arith.addi %add3A_1677, %iota3A : vector<16xi32>
    %and3A_1679 = arith.constant 15 : i32
    %and3A_1680 = vector.broadcast %and3A_1679 : i32 to vector<16xi32>
    %and3A_1681 = arith.andi %get3A_1675, %and3A_1680 : vector<16xi32>
    %gather3A_1682 = tpu.vector_load_idx %arg7[%add3A_1678, %and3A_1681] : memref<512x16xf32, #tpu.memory_space<vmem>>[vector<16xi32>, vector<16xi32>], vector<16xf32>,
    %gt3A_1683 = arith.constant 1 : i32
    %gt3A_1684 = vector.broadcast %gt3A_1683 : i32 to vector<16xi32>
    %gt3A_1685 = arith.cmpi sgt, %get3A_1675, %gt3A_1684 : vector<16xi32>
    %neg3A_1686 = arith.constant 0.000000e+00 : f32
    %neg3A_1687 = vector.broadcast %neg3A_1686 : f32 to vector<16xf32>
    %neg3A_1688 = arith.subf %neg3A_1687, %gather3A_1682 : vector<16xf32>
    %jit3A_1689 = arith.constant 0.000000e+00 : f32
    %broadcast_in_dim3A_1690 = vector.broadcast %jit3A_1689 : f32 to vector<16xf32>
    %select_n3A_1691 = arith.select %gt3A_1685, %neg3A_1688, %broadcast_in_dim3A_1690 : vector<16xi1>, vector<16xf32>
    %add3A_1692 = arith.addf %add3A_1655, %select_n3A_1691 : vector<16xf32>
    %jit3A_1693 = arith.constant 1.000000e+00 : f32
    %jit3A_1694 = arith.constant 0.000000e+00 : f32
    %broadcast_in_dim3A_1695 = vector.broadcast %jit3A_1693 : f32 to vector<16xf32>
    %broadcast_in_dim3A_1696 = vector.broadcast %jit3A_1694 : f32 to vector<16xf32>
    %select_n3A_1697 = arith.select %gt3A_1685, %broadcast_in_dim3A_1695, %broadcast_in_dim3A_1696 : vector<16xi1>, vector<16xf32>
    %add3A_1698 = arith.addf %add3A_1661, %select_n3A_1697 : vector<16xf32>
    %get3A_1699 = arith.constant 1 : i32
    %get3A_1700 = arith.index_cast %get3A_1699 : i32 to index
    %get3A_1701 = arith.constant 16 : index
    %get3A_1702 = tpu.vector_load %arg5[%get3A_1700, %get3A_1701] {strides = array<i32>} : memref<8x64xi32, #tpu.memory_space<vmem>>, vector<16xi32>,
    %add3A_1703 = arith.constant 80 : i32
    %add3A_1704 = vector.broadcast %add3A_1703 : i32 to vector<16xi32>
    %add3A_1705 = arith.addi %add3A_1704, %iota3A : vector<16xi32>
    %and3A_1706 = arith.constant 15 : i32
    %and3A_1707 = vector.broadcast %and3A_1706 : i32 to vector<16xi32>
    %and3A_1708 = arith.andi %get3A_1702, %and3A_1707 : vector<16xi32>
    %gather3A_1709 = tpu.vector_load_idx %arg7[%add3A_1705, %and3A_1708] : memref<512x16xf32, #tpu.memory_space<vmem>>[vector<16xi32>, vector<16xi32>], vector<16xf32>,
    %gt3A_1710 = arith.constant 1 : i32
    %gt3A_1711 = vector.broadcast %gt3A_1710 : i32 to vector<16xi32>
    %gt3A_1712 = arith.cmpi sgt, %get3A_1702, %gt3A_1711 : vector<16xi32>
    %neg3A_1713 = arith.constant 0.000000e+00 : f32
    %neg3A_1714 = vector.broadcast %neg3A_1713 : f32 to vector<16xf32>
    %neg3A_1715 = arith.subf %neg3A_1714, %gather3A_1709 : vector<16xf32>
    %jit3A_1716 = arith.constant 0.000000e+00 : f32
    %broadcast_in_dim3A_1717 = vector.broadcast %jit3A_1716 : f32 to vector<16xf32>
    %select_n3A_1718 = arith.select %gt3A_1712, %neg3A_1715, %broadcast_in_dim3A_1717 : vector<16xi1>, vector<16xf32>
    %add3A_1719 = arith.addf %add3A_1692, %select_n3A_1718 : vector<16xf32>
    %jit3A_1720 = arith.constant 1.000000e+00 : f32
    %jit3A_1721 = arith.constant 0.000000e+00 : f32
    %broadcast_in_dim3A_1722 = vector.broadcast %jit3A_1720 : f32 to vector<16xf32>
    %broadcast_in_dim3A_1723 = vector.broadcast %jit3A_1721 : f32 to vector<16xf32>
    %select_n3A_1724 = arith.select %gt3A_1712, %broadcast_in_dim3A_1722, %broadcast_in_dim3A_1723 : vector<16xi1>, vector<16xf32>
    %add3A_1725 = arith.addf %add3A_1698, %select_n3A_1724 : vector<16xf32>
    %get3A_1726 = arith.constant 1 : i32
    %get3A_1727 = arith.index_cast %get3A_1726 : i32 to index
    %get3A_1728 = arith.constant 32 : index
    %get3A_1729 = tpu.vector_load %arg5[%get3A_1727, %get3A_1728] {strides = array<i32>} : memref<8x64xi32, #tpu.memory_space<vmem>>, vector<16xi32>,
    %add3A_1730 = arith.constant 96 : i32
    %add3A_1731 = vector.broadcast %add3A_1730 : i32 to vector<16xi32>
    %add3A_1732 = arith.addi %add3A_1731, %iota3A : vector<16xi32>
    %and3A_1733 = arith.constant 15 : i32
    %and3A_1734 = vector.broadcast %and3A_1733 : i32 to vector<16xi32>
    %and3A_1735 = arith.andi %get3A_1729, %and3A_1734 : vector<16xi32>
    %gather3A_1736 = tpu.vector_load_idx %arg7[%add3A_1732, %and3A_1735] : memref<512x16xf32, #tpu.memory_space<vmem>>[vector<16xi32>, vector<16xi32>], vector<16xf32>,
    %gt3A_1737 = arith.constant 1 : i32
    %gt3A_1738 = vector.broadcast %gt3A_1737 : i32 to vector<16xi32>
    %gt3A_1739 = arith.cmpi sgt, %get3A_1729, %gt3A_1738 : vector<16xi32>
    %neg3A_1740 = arith.constant 0.000000e+00 : f32
    %neg3A_1741 = vector.broadcast %neg3A_1740 : f32 to vector<16xf32>
    %neg3A_1742 = arith.subf %neg3A_1741, %gather3A_1736 : vector<16xf32>
    %jit3A_1743 = arith.constant 0.000000e+00 : f32
    %broadcast_in_dim3A_1744 = vector.broadcast %jit3A_1743 : f32 to vector<16xf32>
    %select_n3A_1745 = arith.select %gt3A_1739, %neg3A_1742, %broadcast_in_dim3A_1744 : vector<16xi1>, vector<16xf32>
    %add3A_1746 = arith.addf %add3A_1719, %select_n3A_1745 : vector<16xf32>
    %jit3A_1747 = arith.constant 1.000000e+00 : f32
    %jit3A_1748 = arith.constant 0.000000e+00 : f32
    %broadcast_in_dim3A_1749 = vector.broadcast %jit3A_1747 : f32 to vector<16xf32>
    %broadcast_in_dim3A_1750 = vector.broadcast %jit3A_1748 : f32 to vector<16xf32>
    %select_n3A_1751 = arith.select %gt3A_1739, %broadcast_in_dim3A_1749, %broadcast_in_dim3A_1750 : vector<16xi1>, vector<16xf32>
    %add3A_1752 = arith.addf %add3A_1725, %select_n3A_1751 : vector<16xf32>
    %get3A_1753 = arith.constant 1 : i32
    %get3A_1754 = arith.index_cast %get3A_1753 : i32 to index
    %get3A_1755 = arith.constant 48 : index
    %get3A_1756 = tpu.vector_load %arg5[%get3A_1754, %get3A_1755] {strides = array<i32>} : memref<8x64xi32, #tpu.memory_space<vmem>>, vector<16xi32>,
    %add3A_1757 = arith.constant 112 : i32
    %add3A_1758 = vector.broadcast %add3A_1757 : i32 to vector<16xi32>
    %add3A_1759 = arith.addi %add3A_1758, %iota3A : vector<16xi32>
    %and3A_1760 = arith.constant 15 : i32
    %and3A_1761 = vector.broadcast %and3A_1760 : i32 to vector<16xi32>
    %and3A_1762 = arith.andi %get3A_1756, %and3A_1761 : vector<16xi32>
    %gather3A_1763 = tpu.vector_load_idx %arg7[%add3A_1759, %and3A_1762] : memref<512x16xf32, #tpu.memory_space<vmem>>[vector<16xi32>, vector<16xi32>], vector<16xf32>,
    %gt3A_1764 = arith.constant 1 : i32
    %gt3A_1765 = vector.broadcast %gt3A_1764 : i32 to vector<16xi32>
    %gt3A_1766 = arith.cmpi sgt, %get3A_1756, %gt3A_1765 : vector<16xi32>
    %neg3A_1767 = arith.constant 0.000000e+00 : f32
    %neg3A_1768 = vector.broadcast %neg3A_1767 : f32 to vector<16xf32>
    %neg3A_1769 = arith.subf %neg3A_1768, %gather3A_1763 : vector<16xf32>
    %jit3A_1770 = arith.constant 0.000000e+00 : f32
    %broadcast_in_dim3A_1771 = vector.broadcast %jit3A_1770 : f32 to vector<16xf32>
    %select_n3A_1772 = arith.select %gt3A_1766, %neg3A_1769, %broadcast_in_dim3A_1771 : vector<16xi1>, vector<16xf32>
    %add3A_1773 = arith.addf %add3A_1746, %select_n3A_1772 : vector<16xf32>
    %jit3A_1774 = arith.constant 1.000000e+00 : f32
    %jit3A_1775 = arith.constant 0.000000e+00 : f32
    %broadcast_in_dim3A_1776 = vector.broadcast %jit3A_1774 : f32 to vector<16xf32>
    %broadcast_in_dim3A_1777 = vector.broadcast %jit3A_1775 : f32 to vector<16xf32>
    %select_n3A_1778 = arith.select %gt3A_1766, %broadcast_in_dim3A_1776, %broadcast_in_dim3A_1777 : vector<16xi1>, vector<16xf32>
    %add3A_1779 = arith.addf %add3A_1752, %select_n3A_1778 : vector<16xf32>
    %dma_wait3A_1780 = arith.constant 2 : i32
    %dma_wait3A_1781 = arith.constant 128 : i32
    %dma_wait3A_1782 = arith.constant 0 : i32
    %dma_wait3A_1783 = tpu.memref_slice %arg7[%dma_wait3A_1781, %dma_wait3A_1782] : memref<512x16xf32, #tpu.memory_space<vmem>> -> memref<64x16xf32, #tpu.memory_space<vmem>>
    %dma_wait3A_1784 = arith.constant 0 : i32
    %dma_wait3A_1785 = tpu.memref_slice %arg6[%dma_wait3A_1780, %dma_wait3A_1784] : memref<8x64xi32, #tpu.memory_space<vmem>> -> memref<1x64xi32, #tpu.memory_space<vmem>>
    %dma_wait3A_1786 = tpu.memref_squeeze %dma_wait3A_1785 : memref<1x64xi32, #tpu.memory_space<vmem>> -> memref<64xi32, #tpu.memory_space<vmem>>
    %dma_wait3A_1787 = arith.constant 0 : i32
    %dma_wait3A_1788 = arith.constant 0 : i32
    %dma_wait3A_1789 = tpu.memref_slice %arg2[%dma_wait3A_1787, %dma_wait3A_1788] : memref<4194304x16xf32, #tpu.memory_space<hbm>> -> memref<4194304x16xf32, #tpu.memory_space<hbm>>
    tpu.wait_indirect_dma semaphore(%arg11 : memref<!tpu.dma_semaphore, #tpu.memory_space<semaphore_mem>>) src(%dma_wait3A_1789 : memref<4194304x16xf32, #tpu.memory_space<hbm>>) dst(%dma_wait3A_1783 : memref<64x16xf32, #tpu.memory_space<vmem>>)
    %get3A_1790 = arith.constant 2 : i32
    %get3A_1791 = arith.index_cast %get3A_1790 : i32 to index
    %get3A_1792 = arith.constant 0 : index
    %get3A_1793 = tpu.vector_load %arg5[%get3A_1791, %get3A_1792] {strides = array<i32>} : memref<8x64xi32, #tpu.memory_space<vmem>>, vector<16xi32>,
    %add3A_1794 = arith.constant 128 : i32
    %add3A_1795 = vector.broadcast %add3A_1794 : i32 to vector<16xi32>
    %add3A_1796 = arith.addi %add3A_1795, %iota3A : vector<16xi32>
    %and3A_1797 = arith.constant 15 : i32
    %and3A_1798 = vector.broadcast %and3A_1797 : i32 to vector<16xi32>
    %and3A_1799 = arith.andi %get3A_1793, %and3A_1798 : vector<16xi32>
    %gather3A_1800 = tpu.vector_load_idx %arg7[%add3A_1796, %and3A_1799] : memref<512x16xf32, #tpu.memory_space<vmem>>[vector<16xi32>, vector<16xi32>], vector<16xf32>,
    %gt3A_1801 = arith.constant 1 : i32
    %gt3A_1802 = vector.broadcast %gt3A_1801 : i32 to vector<16xi32>
    %gt3A_1803 = arith.cmpi sgt, %get3A_1793, %gt3A_1802 : vector<16xi32>
    %neg3A_1804 = arith.constant 0.000000e+00 : f32
    %neg3A_1805 = vector.broadcast %neg3A_1804 : f32 to vector<16xf32>
    %neg3A_1806 = arith.subf %neg3A_1805, %gather3A_1800 : vector<16xf32>
    %jit3A_1807 = arith.constant 0.000000e+00 : f32
    %broadcast_in_dim3A_1808 = vector.broadcast %jit3A_1807 : f32 to vector<16xf32>
    %select_n3A_1809 = arith.select %gt3A_1803, %neg3A_1806, %broadcast_in_dim3A_1808 : vector<16xi1>, vector<16xf32>
    %add3A_1810 = arith.addf %add3A_1773, %select_n3A_1809 : vector<16xf32>
    %jit3A_1811 = arith.constant 1.000000e+00 : f32
    %jit3A_1812 = arith.constant 0.000000e+00 : f32
    %broadcast_in_dim3A_1813 = vector.broadcast %jit3A_1811 : f32 to vector<16xf32>
    %broadcast_in_dim3A_1814 = vector.broadcast %jit3A_1812 : f32 to vector<16xf32>
    %select_n3A_1815 = arith.select %gt3A_1803, %broadcast_in_dim3A_1813, %broadcast_in_dim3A_1814 : vector<16xi1>, vector<16xf32>
    %add3A_1816 = arith.addf %add3A_1779, %select_n3A_1815 : vector<16xf32>
    %get3A_1817 = arith.constant 2 : i32
    %get3A_1818 = arith.index_cast %get3A_1817 : i32 to index
    %get3A_1819 = arith.constant 16 : index
    %get3A_1820 = tpu.vector_load %arg5[%get3A_1818, %get3A_1819] {strides = array<i32>} : memref<8x64xi32, #tpu.memory_space<vmem>>, vector<16xi32>,
    %add3A_1821 = arith.constant 144 : i32
    %add3A_1822 = vector.broadcast %add3A_1821 : i32 to vector<16xi32>
    %add3A_1823 = arith.addi %add3A_1822, %iota3A : vector<16xi32>
    %and3A_1824 = arith.constant 15 : i32
    %and3A_1825 = vector.broadcast %and3A_1824 : i32 to vector<16xi32>
    %and3A_1826 = arith.andi %get3A_1820, %and3A_1825 : vector<16xi32>
    %gather3A_1827 = tpu.vector_load_idx %arg7[%add3A_1823, %and3A_1826] : memref<512x16xf32, #tpu.memory_space<vmem>>[vector<16xi32>, vector<16xi32>], vector<16xf32>,
    %gt3A_1828 = arith.constant 1 : i32
    %gt3A_1829 = vector.broadcast %gt3A_1828 : i32 to vector<16xi32>
    %gt3A_1830 = arith.cmpi sgt, %get3A_1820, %gt3A_1829 : vector<16xi32>
    %neg3A_1831 = arith.constant 0.000000e+00 : f32
    %neg3A_1832 = vector.broadcast %neg3A_1831 : f32 to vector<16xf32>
    %neg3A_1833 = arith.subf %neg3A_1832, %gather3A_1827 : vector<16xf32>
    %jit3A_1834 = arith.constant 0.000000e+00 : f32
    %broadcast_in_dim3A_1835 = vector.broadcast %jit3A_1834 : f32 to vector<16xf32>
    %select_n3A_1836 = arith.select %gt3A_1830, %neg3A_1833, %broadcast_in_dim3A_1835 : vector<16xi1>, vector<16xf32>
    %add3A_1837 = arith.addf %add3A_1810, %select_n3A_1836 : vector<16xf32>
    %jit3A_1838 = arith.constant 1.000000e+00 : f32
    %jit3A_1839 = arith.constant 0.000000e+00 : f32
    %broadcast_in_dim3A_1840 = vector.broadcast %jit3A_1838 : f32 to vector<16xf32>
    %broadcast_in_dim3A_1841 = vector.broadcast %jit3A_1839 : f32 to vector<16xf32>
    %select_n3A_1842 = arith.select %gt3A_1830, %broadcast_in_dim3A_1840, %broadcast_in_dim3A_1841 : vector<16xi1>, vector<16xf32>
    %add3A_1843 = arith.addf %add3A_1816, %select_n3A_1842 : vector<16xf32>
    %get3A_1844 = arith.constant 2 : i32
    %get3A_1845 = arith.index_cast %get3A_1844 : i32 to index
    %get3A_1846 = arith.constant 32 : index
    %get3A_1847 = tpu.vector_load %arg5[%get3A_1845, %get3A_1846] {strides = array<i32>} : memref<8x64xi32, #tpu.memory_space<vmem>>, vector<16xi32>,
    %add3A_1848 = arith.constant 160 : i32
    %add3A_1849 = vector.broadcast %add3A_1848 : i32 to vector<16xi32>
    %add3A_1850 = arith.addi %add3A_1849, %iota3A : vector<16xi32>
    %and3A_1851 = arith.constant 15 : i32
    %and3A_1852 = vector.broadcast %and3A_1851 : i32 to vector<16xi32>
    %and3A_1853 = arith.andi %get3A_1847, %and3A_1852 : vector<16xi32>
    %gather3A_1854 = tpu.vector_load_idx %arg7[%add3A_1850, %and3A_1853] : memref<512x16xf32, #tpu.memory_space<vmem>>[vector<16xi32>, vector<16xi32>], vector<16xf32>,
    %gt3A_1855 = arith.constant 1 : i32
    %gt3A_1856 = vector.broadcast %gt3A_1855 : i32 to vector<16xi32>
    %gt3A_1857 = arith.cmpi sgt, %get3A_1847, %gt3A_1856 : vector<16xi32>
    %neg3A_1858 = arith.constant 0.000000e+00 : f32
    %neg3A_1859 = vector.broadcast %neg3A_1858 : f32 to vector<16xf32>
    %neg3A_1860 = arith.subf %neg3A_1859, %gather3A_1854 : vector<16xf32>
    %jit3A_1861 = arith.constant 0.000000e+00 : f32
    %broadcast_in_dim3A_1862 = vector.broadcast %jit3A_1861 : f32 to vector<16xf32>
    %select_n3A_1863 = arith.select %gt3A_1857, %neg3A_1860, %broadcast_in_dim3A_1862 : vector<16xi1>, vector<16xf32>
    %add3A_1864 = arith.addf %add3A_1837, %select_n3A_1863 : vector<16xf32>
    %jit3A_1865 = arith.constant 1.000000e+00 : f32
    %jit3A_1866 = arith.constant 0.000000e+00 : f32
    %broadcast_in_dim3A_1867 = vector.broadcast %jit3A_1865 : f32 to vector<16xf32>
    %broadcast_in_dim3A_1868 = vector.broadcast %jit3A_1866 : f32 to vector<16xf32>
    %select_n3A_1869 = arith.select %gt3A_1857, %broadcast_in_dim3A_1867, %broadcast_in_dim3A_1868 : vector<16xi1>, vector<16xf32>
    %add3A_1870 = arith.addf %add3A_1843, %select_n3A_1869 : vector<16xf32>
    %get3A_1871 = arith.constant 2 : i32
    %get3A_1872 = arith.index_cast %get3A_1871 : i32 to index
    %get3A_1873 = arith.constant 48 : index
    %get3A_1874 = tpu.vector_load %arg5[%get3A_1872, %get3A_1873] {strides = array<i32>} : memref<8x64xi32, #tpu.memory_space<vmem>>, vector<16xi32>,
    %add3A_1875 = arith.constant 176 : i32
    %add3A_1876 = vector.broadcast %add3A_1875 : i32 to vector<16xi32>
    %add3A_1877 = arith.addi %add3A_1876, %iota3A : vector<16xi32>
    %and3A_1878 = arith.constant 15 : i32
    %and3A_1879 = vector.broadcast %and3A_1878 : i32 to vector<16xi32>
    %and3A_1880 = arith.andi %get3A_1874, %and3A_1879 : vector<16xi32>
    %gather3A_1881 = tpu.vector_load_idx %arg7[%add3A_1877, %and3A_1880] : memref<512x16xf32, #tpu.memory_space<vmem>>[vector<16xi32>, vector<16xi32>], vector<16xf32>,
    %gt3A_1882 = arith.constant 1 : i32
    %gt3A_1883 = vector.broadcast %gt3A_1882 : i32 to vector<16xi32>
    %gt3A_1884 = arith.cmpi sgt, %get3A_1874, %gt3A_1883 : vector<16xi32>
    %neg3A_1885 = arith.constant 0.000000e+00 : f32
    %neg3A_1886 = vector.broadcast %neg3A_1885 : f32 to vector<16xf32>
    %neg3A_1887 = arith.subf %neg3A_1886, %gather3A_1881 : vector<16xf32>
    %jit3A_1888 = arith.constant 0.000000e+00 : f32
    %broadcast_in_dim3A_1889 = vector.broadcast %jit3A_1888 : f32 to vector<16xf32>
    %select_n3A_1890 = arith.select %gt3A_1884, %neg3A_1887, %broadcast_in_dim3A_1889 : vector<16xi1>, vector<16xf32>
    %add3A_1891 = arith.addf %add3A_1864, %select_n3A_1890 : vector<16xf32>
    %jit3A_1892 = arith.constant 1.000000e+00 : f32
    %jit3A_1893 = arith.constant 0.000000e+00 : f32
    %broadcast_in_dim3A_1894 = vector.broadcast %jit3A_1892 : f32 to vector<16xf32>
    %broadcast_in_dim3A_1895 = vector.broadcast %jit3A_1893 : f32 to vector<16xf32>
    %select_n3A_1896 = arith.select %gt3A_1884, %broadcast_in_dim3A_1894, %broadcast_in_dim3A_1895 : vector<16xi1>, vector<16xf32>
    %add3A_1897 = arith.addf %add3A_1870, %select_n3A_1896 : vector<16xf32>
    %dma_wait3A_1898 = arith.constant 3 : i32
    %dma_wait3A_1899 = arith.constant 192 : i32
    %dma_wait3A_1900 = arith.constant 0 : i32
    %dma_wait3A_1901 = tpu.memref_slice %arg7[%dma_wait3A_1899, %dma_wait3A_1900] : memref<512x16xf32, #tpu.memory_space<vmem>> -> memref<64x16xf32, #tpu.memory_space<vmem>>
    %dma_wait3A_1902 = arith.constant 0 : i32
    %dma_wait3A_1903 = tpu.memref_slice %arg6[%dma_wait3A_1898, %dma_wait3A_1902] : memref<8x64xi32, #tpu.memory_space<vmem>> -> memref<1x64xi32, #tpu.memory_space<vmem>>
    %dma_wait3A_1904 = tpu.memref_squeeze %dma_wait3A_1903 : memref<1x64xi32, #tpu.memory_space<vmem>> -> memref<64xi32, #tpu.memory_space<vmem>>
    %dma_wait3A_1905 = arith.constant 0 : i32
    %dma_wait3A_1906 = arith.constant 0 : i32
    %dma_wait3A_1907 = tpu.memref_slice %arg2[%dma_wait3A_1905, %dma_wait3A_1906] : memref<4194304x16xf32, #tpu.memory_space<hbm>> -> memref<4194304x16xf32, #tpu.memory_space<hbm>>
    tpu.wait_indirect_dma semaphore(%arg11 : memref<!tpu.dma_semaphore, #tpu.memory_space<semaphore_mem>>) src(%dma_wait3A_1907 : memref<4194304x16xf32, #tpu.memory_space<hbm>>) dst(%dma_wait3A_1901 : memref<64x16xf32, #tpu.memory_space<vmem>>)
    %get3A_1908 = arith.constant 3 : i32
    %get3A_1909 = arith.index_cast %get3A_1908 : i32 to index
    %get3A_1910 = arith.constant 0 : index
    %get3A_1911 = tpu.vector_load %arg5[%get3A_1909, %get3A_1910] {strides = array<i32>} : memref<8x64xi32, #tpu.memory_space<vmem>>, vector<16xi32>,
    %add3A_1912 = arith.constant 192 : i32
    %add3A_1913 = vector.broadcast %add3A_1912 : i32 to vector<16xi32>
    %add3A_1914 = arith.addi %add3A_1913, %iota3A : vector<16xi32>
    %and3A_1915 = arith.constant 15 : i32
    %and3A_1916 = vector.broadcast %and3A_1915 : i32 to vector<16xi32>
    %and3A_1917 = arith.andi %get3A_1911, %and3A_1916 : vector<16xi32>
    %gather3A_1918 = tpu.vector_load_idx %arg7[%add3A_1914, %and3A_1917] : memref<512x16xf32, #tpu.memory_space<vmem>>[vector<16xi32>, vector<16xi32>], vector<16xf32>,
    %gt3A_1919 = arith.constant 1 : i32
    %gt3A_1920 = vector.broadcast %gt3A_1919 : i32 to vector<16xi32>
    %gt3A_1921 = arith.cmpi sgt, %get3A_1911, %gt3A_1920 : vector<16xi32>
    %neg3A_1922 = arith.constant 0.000000e+00 : f32
    %neg3A_1923 = vector.broadcast %neg3A_1922 : f32 to vector<16xf32>
    %neg3A_1924 = arith.subf %neg3A_1923, %gather3A_1918 : vector<16xf32>
    %jit3A_1925 = arith.constant 0.000000e+00 : f32
    %broadcast_in_dim3A_1926 = vector.broadcast %jit3A_1925 : f32 to vector<16xf32>
    %select_n3A_1927 = arith.select %gt3A_1921, %neg3A_1924, %broadcast_in_dim3A_1926 : vector<16xi1>, vector<16xf32>
    %add3A_1928 = arith.addf %add3A_1891, %select_n3A_1927 : vector<16xf32>
    %jit3A_1929 = arith.constant 1.000000e+00 : f32
    %jit3A_1930 = arith.constant 0.000000e+00 : f32
    %broadcast_in_dim3A_1931 = vector.broadcast %jit3A_1929 : f32 to vector<16xf32>
    %broadcast_in_dim3A_1932 = vector.broadcast %jit3A_1930 : f32 to vector<16xf32>
    %select_n3A_1933 = arith.select %gt3A_1921, %broadcast_in_dim3A_1931, %broadcast_in_dim3A_1932 : vector<16xi1>, vector<16xf32>
    %add3A_1934 = arith.addf %add3A_1897, %select_n3A_1933 : vector<16xf32>
    %get3A_1935 = arith.constant 3 : i32
    %get3A_1936 = arith.index_cast %get3A_1935 : i32 to index
    %get3A_1937 = arith.constant 16 : index
    %get3A_1938 = tpu.vector_load %arg5[%get3A_1936, %get3A_1937] {strides = array<i32>} : memref<8x64xi32, #tpu.memory_space<vmem>>, vector<16xi32>,
    %add3A_1939 = arith.constant 208 : i32
    %add3A_1940 = vector.broadcast %add3A_1939 : i32 to vector<16xi32>
    %add3A_1941 = arith.addi %add3A_1940, %iota3A : vector<16xi32>
    %and3A_1942 = arith.constant 15 : i32
    %and3A_1943 = vector.broadcast %and3A_1942 : i32 to vector<16xi32>
    %and3A_1944 = arith.andi %get3A_1938, %and3A_1943 : vector<16xi32>
    %gather3A_1945 = tpu.vector_load_idx %arg7[%add3A_1941, %and3A_1944] : memref<512x16xf32, #tpu.memory_space<vmem>>[vector<16xi32>, vector<16xi32>], vector<16xf32>,
    %gt3A_1946 = arith.constant 1 : i32
    %gt3A_1947 = vector.broadcast %gt3A_1946 : i32 to vector<16xi32>
    %gt3A_1948 = arith.cmpi sgt, %get3A_1938, %gt3A_1947 : vector<16xi32>
    %neg3A_1949 = arith.constant 0.000000e+00 : f32
    %neg3A_1950 = vector.broadcast %neg3A_1949 : f32 to vector<16xf32>
    %neg3A_1951 = arith.subf %neg3A_1950, %gather3A_1945 : vector<16xf32>
    %jit3A_1952 = arith.constant 0.000000e+00 : f32
    %broadcast_in_dim3A_1953 = vector.broadcast %jit3A_1952 : f32 to vector<16xf32>
    %select_n3A_1954 = arith.select %gt3A_1948, %neg3A_1951, %broadcast_in_dim3A_1953 : vector<16xi1>, vector<16xf32>
    %add3A_1955 = arith.addf %add3A_1928, %select_n3A_1954 : vector<16xf32>
    %jit3A_1956 = arith.constant 1.000000e+00 : f32
    %jit3A_1957 = arith.constant 0.000000e+00 : f32
    %broadcast_in_dim3A_1958 = vector.broadcast %jit3A_1956 : f32 to vector<16xf32>
    %broadcast_in_dim3A_1959 = vector.broadcast %jit3A_1957 : f32 to vector<16xf32>
    %select_n3A_1960 = arith.select %gt3A_1948, %broadcast_in_dim3A_1958, %broadcast_in_dim3A_1959 : vector<16xi1>, vector<16xf32>
    %add3A_1961 = arith.addf %add3A_1934, %select_n3A_1960 : vector<16xf32>
    %get3A_1962 = arith.constant 3 : i32
    %get3A_1963 = arith.index_cast %get3A_1962 : i32 to index
    %get3A_1964 = arith.constant 32 : index
    %get3A_1965 = tpu.vector_load %arg5[%get3A_1963, %get3A_1964] {strides = array<i32>} : memref<8x64xi32, #tpu.memory_space<vmem>>, vector<16xi32>,
    %add3A_1966 = arith.constant 224 : i32
    %add3A_1967 = vector.broadcast %add3A_1966 : i32 to vector<16xi32>
    %add3A_1968 = arith.addi %add3A_1967, %iota3A : vector<16xi32>
    %and3A_1969 = arith.constant 15 : i32
    %and3A_1970 = vector.broadcast %and3A_1969 : i32 to vector<16xi32>
    %and3A_1971 = arith.andi %get3A_1965, %and3A_1970 : vector<16xi32>
    %gather3A_1972 = tpu.vector_load_idx %arg7[%add3A_1968, %and3A_1971] : memref<512x16xf32, #tpu.memory_space<vmem>>[vector<16xi32>, vector<16xi32>], vector<16xf32>,
    %gt3A_1973 = arith.constant 1 : i32
    %gt3A_1974 = vector.broadcast %gt3A_1973 : i32 to vector<16xi32>
    %gt3A_1975 = arith.cmpi sgt, %get3A_1965, %gt3A_1974 : vector<16xi32>
    %neg3A_1976 = arith.constant 0.000000e+00 : f32
    %neg3A_1977 = vector.broadcast %neg3A_1976 : f32 to vector<16xf32>
    %neg3A_1978 = arith.subf %neg3A_1977, %gather3A_1972 : vector<16xf32>
    %jit3A_1979 = arith.constant 0.000000e+00 : f32
    %broadcast_in_dim3A_1980 = vector.broadcast %jit3A_1979 : f32 to vector<16xf32>
    %select_n3A_1981 = arith.select %gt3A_1975, %neg3A_1978, %broadcast_in_dim3A_1980 : vector<16xi1>, vector<16xf32>
    %add3A_1982 = arith.addf %add3A_1955, %select_n3A_1981 : vector<16xf32>
    %jit3A_1983 = arith.constant 1.000000e+00 : f32
    %jit3A_1984 = arith.constant 0.000000e+00 : f32
    %broadcast_in_dim3A_1985 = vector.broadcast %jit3A_1983 : f32 to vector<16xf32>
    %broadcast_in_dim3A_1986 = vector.broadcast %jit3A_1984 : f32 to vector<16xf32>
    %select_n3A_1987 = arith.select %gt3A_1975, %broadcast_in_dim3A_1985, %broadcast_in_dim3A_1986 : vector<16xi1>, vector<16xf32>
    %add3A_1988 = arith.addf %add3A_1961, %select_n3A_1987 : vector<16xf32>
    %get3A_1989 = arith.constant 3 : i32
    %get3A_1990 = arith.index_cast %get3A_1989 : i32 to index
    %get3A_1991 = arith.constant 48 : index
    %get3A_1992 = tpu.vector_load %arg5[%get3A_1990, %get3A_1991] {strides = array<i32>} : memref<8x64xi32, #tpu.memory_space<vmem>>, vector<16xi32>,
    %add3A_1993 = arith.constant 240 : i32
    %add3A_1994 = vector.broadcast %add3A_1993 : i32 to vector<16xi32>
    %add3A_1995 = arith.addi %add3A_1994, %iota3A : vector<16xi32>
    %and3A_1996 = arith.constant 15 : i32
    %and3A_1997 = vector.broadcast %and3A_1996 : i32 to vector<16xi32>
    %and3A_1998 = arith.andi %get3A_1992, %and3A_1997 : vector<16xi32>
    %gather3A_1999 = tpu.vector_load_idx %arg7[%add3A_1995, %and3A_1998] : memref<512x16xf32, #tpu.memory_space<vmem>>[vector<16xi32>, vector<16xi32>], vector<16xf32>,
    %gt3A_2000 = arith.constant 1 : i32
    %gt3A_2001 = vector.broadcast %gt3A_2000 : i32 to vector<16xi32>
    %gt3A_2002 = arith.cmpi sgt, %get3A_1992, %gt3A_2001 : vector<16xi32>
    %neg3A_2003 = arith.constant 0.000000e+00 : f32
    %neg3A_2004 = vector.broadcast %neg3A_2003 : f32 to vector<16xf32>
    %neg3A_2005 = arith.subf %neg3A_2004, %gather3A_1999 : vector<16xf32>
    %jit3A_2006 = arith.constant 0.000000e+00 : f32
    %broadcast_in_dim3A_2007 = vector.broadcast %jit3A_2006 : f32 to vector<16xf32>
    %select_n3A_2008 = arith.select %gt3A_2002, %neg3A_2005, %broadcast_in_dim3A_2007 : vector<16xi1>, vector<16xf32>
    %add3A_2009 = arith.addf %add3A_1982, %select_n3A_2008 : vector<16xf32>
    %jit3A_2010 = arith.constant 1.000000e+00 : f32
    %jit3A_2011 = arith.constant 0.000000e+00 : f32
    %broadcast_in_dim3A_2012 = vector.broadcast %jit3A_2010 : f32 to vector<16xf32>
    %broadcast_in_dim3A_2013 = vector.broadcast %jit3A_2011 : f32 to vector<16xf32>
    %select_n3A_2014 = arith.select %gt3A_2002, %broadcast_in_dim3A_2012, %broadcast_in_dim3A_2013 : vector<16xi1>, vector<16xf32>
    %add3A_2015 = arith.addf %add3A_1988, %select_n3A_2014 : vector<16xf32>
    %dma_wait3A_2016 = arith.constant 4 : i32
    %dma_wait3A_2017 = arith.constant 256 : i32
    %dma_wait3A_2018 = arith.constant 0 : i32
    %dma_wait3A_2019 = tpu.memref_slice %arg7[%dma_wait3A_2017, %dma_wait3A_2018] : memref<512x16xf32, #tpu.memory_space<vmem>> -> memref<64x16xf32, #tpu.memory_space<vmem>>
    %dma_wait3A_2020 = arith.constant 0 : i32
    %dma_wait3A_2021 = tpu.memref_slice %arg6[%dma_wait3A_2016, %dma_wait3A_2020] : memref<8x64xi32, #tpu.memory_space<vmem>> -> memref<1x64xi32, #tpu.memory_space<vmem>>
    %dma_wait3A_2022 = tpu.memref_squeeze %dma_wait3A_2021 : memref<1x64xi32, #tpu.memory_space<vmem>> -> memref<64xi32, #tpu.memory_space<vmem>>
    %dma_wait3A_2023 = arith.constant 0 : i32
    %dma_wait3A_2024 = arith.constant 0 : i32
    %dma_wait3A_2025 = tpu.memref_slice %arg2[%dma_wait3A_2023, %dma_wait3A_2024] : memref<4194304x16xf32, #tpu.memory_space<hbm>> -> memref<4194304x16xf32, #tpu.memory_space<hbm>>
    tpu.wait_indirect_dma semaphore(%arg11 : memref<!tpu.dma_semaphore, #tpu.memory_space<semaphore_mem>>) src(%dma_wait3A_2025 : memref<4194304x16xf32, #tpu.memory_space<hbm>>) dst(%dma_wait3A_2019 : memref<64x16xf32, #tpu.memory_space<vmem>>)
    %get3A_2026 = arith.constant 4 : i32
    %get3A_2027 = arith.index_cast %get3A_2026 : i32 to index
    %get3A_2028 = arith.constant 0 : index
    %get3A_2029 = tpu.vector_load %arg5[%get3A_2027, %get3A_2028] {strides = array<i32>} : memref<8x64xi32, #tpu.memory_space<vmem>>, vector<16xi32>,
    %add3A_2030 = arith.constant 256 : i32
    %add3A_2031 = vector.broadcast %add3A_2030 : i32 to vector<16xi32>
    %add3A_2032 = arith.addi %add3A_2031, %iota3A : vector<16xi32>
    %and3A_2033 = arith.constant 15 : i32
    %and3A_2034 = vector.broadcast %and3A_2033 : i32 to vector<16xi32>
    %and3A_2035 = arith.andi %get3A_2029, %and3A_2034 : vector<16xi32>
    %gather3A_2036 = tpu.vector_load_idx %arg7[%add3A_2032, %and3A_2035] : memref<512x16xf32, #tpu.memory_space<vmem>>[vector<16xi32>, vector<16xi32>], vector<16xf32>,
    %gt3A_2037 = arith.constant 1 : i32
    %gt3A_2038 = vector.broadcast %gt3A_2037 : i32 to vector<16xi32>
    %gt3A_2039 = arith.cmpi sgt, %get3A_2029, %gt3A_2038 : vector<16xi32>
    %neg3A_2040 = arith.constant 0.000000e+00 : f32
    %neg3A_2041 = vector.broadcast %neg3A_2040 : f32 to vector<16xf32>
    %neg3A_2042 = arith.subf %neg3A_2041, %gather3A_2036 : vector<16xf32>
    %jit3A_2043 = arith.constant 0.000000e+00 : f32
    %broadcast_in_dim3A_2044 = vector.broadcast %jit3A_2043 : f32 to vector<16xf32>
    %select_n3A_2045 = arith.select %gt3A_2039, %neg3A_2042, %broadcast_in_dim3A_2044 : vector<16xi1>, vector<16xf32>
    %add3A_2046 = arith.addf %add3A_2009, %select_n3A_2045 : vector<16xf32>
    %jit3A_2047 = arith.constant 1.000000e+00 : f32
    %jit3A_2048 = arith.constant 0.000000e+00 : f32
    %broadcast_in_dim3A_2049 = vector.broadcast %jit3A_2047 : f32 to vector<16xf32>
    %broadcast_in_dim3A_2050 = vector.broadcast %jit3A_2048 : f32 to vector<16xf32>
    %select_n3A_2051 = arith.select %gt3A_2039, %broadcast_in_dim3A_2049, %broadcast_in_dim3A_2050 : vector<16xi1>, vector<16xf32>
    %add3A_2052 = arith.addf %add3A_2015, %select_n3A_2051 : vector<16xf32>
    %get3A_2053 = arith.constant 4 : i32
    %get3A_2054 = arith.index_cast %get3A_2053 : i32 to index
    %get3A_2055 = arith.constant 16 : index
    %get3A_2056 = tpu.vector_load %arg5[%get3A_2054, %get3A_2055] {strides = array<i32>} : memref<8x64xi32, #tpu.memory_space<vmem>>, vector<16xi32>,
    %add3A_2057 = arith.constant 272 : i32
    %add3A_2058 = vector.broadcast %add3A_2057 : i32 to vector<16xi32>
    %add3A_2059 = arith.addi %add3A_2058, %iota3A : vector<16xi32>
    %and3A_2060 = arith.constant 15 : i32
    %and3A_2061 = vector.broadcast %and3A_2060 : i32 to vector<16xi32>
    %and3A_2062 = arith.andi %get3A_2056, %and3A_2061 : vector<16xi32>
    %gather3A_2063 = tpu.vector_load_idx %arg7[%add3A_2059, %and3A_2062] : memref<512x16xf32, #tpu.memory_space<vmem>>[vector<16xi32>, vector<16xi32>], vector<16xf32>,
    %gt3A_2064 = arith.constant 1 : i32
    %gt3A_2065 = vector.broadcast %gt3A_2064 : i32 to vector<16xi32>
    %gt3A_2066 = arith.cmpi sgt, %get3A_2056, %gt3A_2065 : vector<16xi32>
    %neg3A_2067 = arith.constant 0.000000e+00 : f32
    %neg3A_2068 = vector.broadcast %neg3A_2067 : f32 to vector<16xf32>
    %neg3A_2069 = arith.subf %neg3A_2068, %gather3A_2063 : vector<16xf32>
    %jit3A_2070 = arith.constant 0.000000e+00 : f32
    %broadcast_in_dim3A_2071 = vector.broadcast %jit3A_2070 : f32 to vector<16xf32>
    %select_n3A_2072 = arith.select %gt3A_2066, %neg3A_2069, %broadcast_in_dim3A_2071 : vector<16xi1>, vector<16xf32>
    %add3A_2073 = arith.addf %add3A_2046, %select_n3A_2072 : vector<16xf32>
    %jit3A_2074 = arith.constant 1.000000e+00 : f32
    %jit3A_2075 = arith.constant 0.000000e+00 : f32
    %broadcast_in_dim3A_2076 = vector.broadcast %jit3A_2074 : f32 to vector<16xf32>
    %broadcast_in_dim3A_2077 = vector.broadcast %jit3A_2075 : f32 to vector<16xf32>
    %select_n3A_2078 = arith.select %gt3A_2066, %broadcast_in_dim3A_2076, %broadcast_in_dim3A_2077 : vector<16xi1>, vector<16xf32>
    %add3A_2079 = arith.addf %add3A_2052, %select_n3A_2078 : vector<16xf32>
    %get3A_2080 = arith.constant 4 : i32
    %get3A_2081 = arith.index_cast %get3A_2080 : i32 to index
    %get3A_2082 = arith.constant 32 : index
    %get3A_2083 = tpu.vector_load %arg5[%get3A_2081, %get3A_2082] {strides = array<i32>} : memref<8x64xi32, #tpu.memory_space<vmem>>, vector<16xi32>,
    %add3A_2084 = arith.constant 288 : i32
    %add3A_2085 = vector.broadcast %add3A_2084 : i32 to vector<16xi32>
    %add3A_2086 = arith.addi %add3A_2085, %iota3A : vector<16xi32>
    %and3A_2087 = arith.constant 15 : i32
    %and3A_2088 = vector.broadcast %and3A_2087 : i32 to vector<16xi32>
    %and3A_2089 = arith.andi %get3A_2083, %and3A_2088 : vector<16xi32>
    %gather3A_2090 = tpu.vector_load_idx %arg7[%add3A_2086, %and3A_2089] : memref<512x16xf32, #tpu.memory_space<vmem>>[vector<16xi32>, vector<16xi32>], vector<16xf32>,
    %gt3A_2091 = arith.constant 1 : i32
    %gt3A_2092 = vector.broadcast %gt3A_2091 : i32 to vector<16xi32>
    %gt3A_2093 = arith.cmpi sgt, %get3A_2083, %gt3A_2092 : vector<16xi32>
    %neg3A_2094 = arith.constant 0.000000e+00 : f32
    %neg3A_2095 = vector.broadcast %neg3A_2094 : f32 to vector<16xf32>
    %neg3A_2096 = arith.subf %neg3A_2095, %gather3A_2090 : vector<16xf32>
    %jit3A_2097 = arith.constant 0.000000e+00 : f32
    %broadcast_in_dim3A_2098 = vector.broadcast %jit3A_2097 : f32 to vector<16xf32>
    %select_n3A_2099 = arith.select %gt3A_2093, %neg3A_2096, %broadcast_in_dim3A_2098 : vector<16xi1>, vector<16xf32>
    %add3A_2100 = arith.addf %add3A_2073, %select_n3A_2099 : vector<16xf32>
    %jit3A_2101 = arith.constant 1.000000e+00 : f32
    %jit3A_2102 = arith.constant 0.000000e+00 : f32
    %broadcast_in_dim3A_2103 = vector.broadcast %jit3A_2101 : f32 to vector<16xf32>
    %broadcast_in_dim3A_2104 = vector.broadcast %jit3A_2102 : f32 to vector<16xf32>
    %select_n3A_2105 = arith.select %gt3A_2093, %broadcast_in_dim3A_2103, %broadcast_in_dim3A_2104 : vector<16xi1>, vector<16xf32>
    %add3A_2106 = arith.addf %add3A_2079, %select_n3A_2105 : vector<16xf32>
    %get3A_2107 = arith.constant 4 : i32
    %get3A_2108 = arith.index_cast %get3A_2107 : i32 to index
    %get3A_2109 = arith.constant 48 : index
    %get3A_2110 = tpu.vector_load %arg5[%get3A_2108, %get3A_2109] {strides = array<i32>} : memref<8x64xi32, #tpu.memory_space<vmem>>, vector<16xi32>,
    %add3A_2111 = arith.constant 304 : i32
    %add3A_2112 = vector.broadcast %add3A_2111 : i32 to vector<16xi32>
    %add3A_2113 = arith.addi %add3A_2112, %iota3A : vector<16xi32>
    %and3A_2114 = arith.constant 15 : i32
    %and3A_2115 = vector.broadcast %and3A_2114 : i32 to vector<16xi32>
    %and3A_2116 = arith.andi %get3A_2110, %and3A_2115 : vector<16xi32>
    %gather3A_2117 = tpu.vector_load_idx %arg7[%add3A_2113, %and3A_2116] : memref<512x16xf32, #tpu.memory_space<vmem>>[vector<16xi32>, vector<16xi32>], vector<16xf32>,
    %gt3A_2118 = arith.constant 1 : i32
    %gt3A_2119 = vector.broadcast %gt3A_2118 : i32 to vector<16xi32>
    %gt3A_2120 = arith.cmpi sgt, %get3A_2110, %gt3A_2119 : vector<16xi32>
    %neg3A_2121 = arith.constant 0.000000e+00 : f32
    %neg3A_2122 = vector.broadcast %neg3A_2121 : f32 to vector<16xf32>
    %neg3A_2123 = arith.subf %neg3A_2122, %gather3A_2117 : vector<16xf32>
    %jit3A_2124 = arith.constant 0.000000e+00 : f32
    %broadcast_in_dim3A_2125 = vector.broadcast %jit3A_2124 : f32 to vector<16xf32>
    %select_n3A_2126 = arith.select %gt3A_2120, %neg3A_2123, %broadcast_in_dim3A_2125 : vector<16xi1>, vector<16xf32>
    %add3A_2127 = arith.addf %add3A_2100, %select_n3A_2126 : vector<16xf32>
    %jit3A_2128 = arith.constant 1.000000e+00 : f32
    %jit3A_2129 = arith.constant 0.000000e+00 : f32
    %broadcast_in_dim3A_2130 = vector.broadcast %jit3A_2128 : f32 to vector<16xf32>
    %broadcast_in_dim3A_2131 = vector.broadcast %jit3A_2129 : f32 to vector<16xf32>
    %select_n3A_2132 = arith.select %gt3A_2120, %broadcast_in_dim3A_2130, %broadcast_in_dim3A_2131 : vector<16xi1>, vector<16xf32>
    %add3A_2133 = arith.addf %add3A_2106, %select_n3A_2132 : vector<16xf32>
    %dma_wait3A_2134 = arith.constant 5 : i32
    %dma_wait3A_2135 = arith.constant 320 : i32
    %dma_wait3A_2136 = arith.constant 0 : i32
    %dma_wait3A_2137 = tpu.memref_slice %arg7[%dma_wait3A_2135, %dma_wait3A_2136] : memref<512x16xf32, #tpu.memory_space<vmem>> -> memref<64x16xf32, #tpu.memory_space<vmem>>
    %dma_wait3A_2138 = arith.constant 0 : i32
    %dma_wait3A_2139 = tpu.memref_slice %arg6[%dma_wait3A_2134, %dma_wait3A_2138] : memref<8x64xi32, #tpu.memory_space<vmem>> -> memref<1x64xi32, #tpu.memory_space<vmem>>
    %dma_wait3A_2140 = tpu.memref_squeeze %dma_wait3A_2139 : memref<1x64xi32, #tpu.memory_space<vmem>> -> memref<64xi32, #tpu.memory_space<vmem>>
    %dma_wait3A_2141 = arith.constant 0 : i32
    %dma_wait3A_2142 = arith.constant 0 : i32
    %dma_wait3A_2143 = tpu.memref_slice %arg2[%dma_wait3A_2141, %dma_wait3A_2142] : memref<4194304x16xf32, #tpu.memory_space<hbm>> -> memref<4194304x16xf32, #tpu.memory_space<hbm>>
    tpu.wait_indirect_dma semaphore(%arg11 : memref<!tpu.dma_semaphore, #tpu.memory_space<semaphore_mem>>) src(%dma_wait3A_2143 : memref<4194304x16xf32, #tpu.memory_space<hbm>>) dst(%dma_wait3A_2137 : memref<64x16xf32, #tpu.memory_space<vmem>>)
    %get3A_2144 = arith.constant 5 : i32
    %get3A_2145 = arith.index_cast %get3A_2144 : i32 to index
    %get3A_2146 = arith.constant 0 : index
    %get3A_2147 = tpu.vector_load %arg5[%get3A_2145, %get3A_2146] {strides = array<i32>} : memref<8x64xi32, #tpu.memory_space<vmem>>, vector<16xi32>,
    %add3A_2148 = arith.constant 320 : i32
    %add3A_2149 = vector.broadcast %add3A_2148 : i32 to vector<16xi32>
    %add3A_2150 = arith.addi %add3A_2149, %iota3A : vector<16xi32>
    %and3A_2151 = arith.constant 15 : i32
    %and3A_2152 = vector.broadcast %and3A_2151 : i32 to vector<16xi32>
    %and3A_2153 = arith.andi %get3A_2147, %and3A_2152 : vector<16xi32>
    %gather3A_2154 = tpu.vector_load_idx %arg7[%add3A_2150, %and3A_2153] : memref<512x16xf32, #tpu.memory_space<vmem>>[vector<16xi32>, vector<16xi32>], vector<16xf32>,
    %gt3A_2155 = arith.constant 1 : i32
    %gt3A_2156 = vector.broadcast %gt3A_2155 : i32 to vector<16xi32>
    %gt3A_2157 = arith.cmpi sgt, %get3A_2147, %gt3A_2156 : vector<16xi32>
    %neg3A_2158 = arith.constant 0.000000e+00 : f32
    %neg3A_2159 = vector.broadcast %neg3A_2158 : f32 to vector<16xf32>
    %neg3A_2160 = arith.subf %neg3A_2159, %gather3A_2154 : vector<16xf32>
    %jit3A_2161 = arith.constant 0.000000e+00 : f32
    %broadcast_in_dim3A_2162 = vector.broadcast %jit3A_2161 : f32 to vector<16xf32>
    %select_n3A_2163 = arith.select %gt3A_2157, %neg3A_2160, %broadcast_in_dim3A_2162 : vector<16xi1>, vector<16xf32>
    %add3A_2164 = arith.addf %add3A_2127, %select_n3A_2163 : vector<16xf32>
    %jit3A_2165 = arith.constant 1.000000e+00 : f32
    %jit3A_2166 = arith.constant 0.000000e+00 : f32
    %broadcast_in_dim3A_2167 = vector.broadcast %jit3A_2165 : f32 to vector<16xf32>
    %broadcast_in_dim3A_2168 = vector.broadcast %jit3A_2166 : f32 to vector<16xf32>
    %select_n3A_2169 = arith.select %gt3A_2157, %broadcast_in_dim3A_2167, %broadcast_in_dim3A_2168 : vector<16xi1>, vector<16xf32>
    %add3A_2170 = arith.addf %add3A_2133, %select_n3A_2169 : vector<16xf32>
    %get3A_2171 = arith.constant 5 : i32
    %get3A_2172 = arith.index_cast %get3A_2171 : i32 to index
    %get3A_2173 = arith.constant 16 : index
    %get3A_2174 = tpu.vector_load %arg5[%get3A_2172, %get3A_2173] {strides = array<i32>} : memref<8x64xi32, #tpu.memory_space<vmem>>, vector<16xi32>,
    %add3A_2175 = arith.constant 336 : i32
    %add3A_2176 = vector.broadcast %add3A_2175 : i32 to vector<16xi32>
    %add3A_2177 = arith.addi %add3A_2176, %iota3A : vector<16xi32>
    %and3A_2178 = arith.constant 15 : i32
    %and3A_2179 = vector.broadcast %and3A_2178 : i32 to vector<16xi32>
    %and3A_2180 = arith.andi %get3A_2174, %and3A_2179 : vector<16xi32>
    %gather3A_2181 = tpu.vector_load_idx %arg7[%add3A_2177, %and3A_2180] : memref<512x16xf32, #tpu.memory_space<vmem>>[vector<16xi32>, vector<16xi32>], vector<16xf32>,
    %gt3A_2182 = arith.constant 1 : i32
    %gt3A_2183 = vector.broadcast %gt3A_2182 : i32 to vector<16xi32>
    %gt3A_2184 = arith.cmpi sgt, %get3A_2174, %gt3A_2183 : vector<16xi32>
    %neg3A_2185 = arith.constant 0.000000e+00 : f32
    %neg3A_2186 = vector.broadcast %neg3A_2185 : f32 to vector<16xf32>
    %neg3A_2187 = arith.subf %neg3A_2186, %gather3A_2181 : vector<16xf32>
    %jit3A_2188 = arith.constant 0.000000e+00 : f32
    %broadcast_in_dim3A_2189 = vector.broadcast %jit3A_2188 : f32 to vector<16xf32>
    %select_n3A_2190 = arith.select %gt3A_2184, %neg3A_2187, %broadcast_in_dim3A_2189 : vector<16xi1>, vector<16xf32>
    %add3A_2191 = arith.addf %add3A_2164, %select_n3A_2190 : vector<16xf32>
    %jit3A_2192 = arith.constant 1.000000e+00 : f32
    %jit3A_2193 = arith.constant 0.000000e+00 : f32
    %broadcast_in_dim3A_2194 = vector.broadcast %jit3A_2192 : f32 to vector<16xf32>
    %broadcast_in_dim3A_2195 = vector.broadcast %jit3A_2193 : f32 to vector<16xf32>
    %select_n3A_2196 = arith.select %gt3A_2184, %broadcast_in_dim3A_2194, %broadcast_in_dim3A_2195 : vector<16xi1>, vector<16xf32>
    %add3A_2197 = arith.addf %add3A_2170, %select_n3A_2196 : vector<16xf32>
    %get3A_2198 = arith.constant 5 : i32
    %get3A_2199 = arith.index_cast %get3A_2198 : i32 to index
    %get3A_2200 = arith.constant 32 : index
    %get3A_2201 = tpu.vector_load %arg5[%get3A_2199, %get3A_2200] {strides = array<i32>} : memref<8x64xi32, #tpu.memory_space<vmem>>, vector<16xi32>,
    %add3A_2202 = arith.constant 352 : i32
    %add3A_2203 = vector.broadcast %add3A_2202 : i32 to vector<16xi32>
    %add3A_2204 = arith.addi %add3A_2203, %iota3A : vector<16xi32>
    %and3A_2205 = arith.constant 15 : i32
    %and3A_2206 = vector.broadcast %and3A_2205 : i32 to vector<16xi32>
    %and3A_2207 = arith.andi %get3A_2201, %and3A_2206 : vector<16xi32>
    %gather3A_2208 = tpu.vector_load_idx %arg7[%add3A_2204, %and3A_2207] : memref<512x16xf32, #tpu.memory_space<vmem>>[vector<16xi32>, vector<16xi32>], vector<16xf32>,
    %gt3A_2209 = arith.constant 1 : i32
    %gt3A_2210 = vector.broadcast %gt3A_2209 : i32 to vector<16xi32>
    %gt3A_2211 = arith.cmpi sgt, %get3A_2201, %gt3A_2210 : vector<16xi32>
    %neg3A_2212 = arith.constant 0.000000e+00 : f32
    %neg3A_2213 = vector.broadcast %neg3A_2212 : f32 to vector<16xf32>
    %neg3A_2214 = arith.subf %neg3A_2213, %gather3A_2208 : vector<16xf32>
    %jit3A_2215 = arith.constant 0.000000e+00 : f32
    %broadcast_in_dim3A_2216 = vector.broadcast %jit3A_2215 : f32 to vector<16xf32>
    %select_n3A_2217 = arith.select %gt3A_2211, %neg3A_2214, %broadcast_in_dim3A_2216 : vector<16xi1>, vector<16xf32>
    %add3A_2218 = arith.addf %add3A_2191, %select_n3A_2217 : vector<16xf32>
    %jit3A_2219 = arith.constant 1.000000e+00 : f32
    %jit3A_2220 = arith.constant 0.000000e+00 : f32
    %broadcast_in_dim3A_2221 = vector.broadcast %jit3A_2219 : f32 to vector<16xf32>
    %broadcast_in_dim3A_2222 = vector.broadcast %jit3A_2220 : f32 to vector<16xf32>
    %select_n3A_2223 = arith.select %gt3A_2211, %broadcast_in_dim3A_2221, %broadcast_in_dim3A_2222 : vector<16xi1>, vector<16xf32>
    %add3A_2224 = arith.addf %add3A_2197, %select_n3A_2223 : vector<16xf32>
    %get3A_2225 = arith.constant 5 : i32
    %get3A_2226 = arith.index_cast %get3A_2225 : i32 to index
    %get3A_2227 = arith.constant 48 : index
    %get3A_2228 = tpu.vector_load %arg5[%get3A_2226, %get3A_2227] {strides = array<i32>} : memref<8x64xi32, #tpu.memory_space<vmem>>, vector<16xi32>,
    %add3A_2229 = arith.constant 368 : i32
    %add3A_2230 = vector.broadcast %add3A_2229 : i32 to vector<16xi32>
    %add3A_2231 = arith.addi %add3A_2230, %iota3A : vector<16xi32>
    %and3A_2232 = arith.constant 15 : i32
    %and3A_2233 = vector.broadcast %and3A_2232 : i32 to vector<16xi32>
    %and3A_2234 = arith.andi %get3A_2228, %and3A_2233 : vector<16xi32>
    %gather3A_2235 = tpu.vector_load_idx %arg7[%add3A_2231, %and3A_2234] : memref<512x16xf32, #tpu.memory_space<vmem>>[vector<16xi32>, vector<16xi32>], vector<16xf32>,
    %gt3A_2236 = arith.constant 1 : i32
    %gt3A_2237 = vector.broadcast %gt3A_2236 : i32 to vector<16xi32>
    %gt3A_2238 = arith.cmpi sgt, %get3A_2228, %gt3A_2237 : vector<16xi32>
    %neg3A_2239 = arith.constant 0.000000e+00 : f32
    %neg3A_2240 = vector.broadcast %neg3A_2239 : f32 to vector<16xf32>
    %neg3A_2241 = arith.subf %neg3A_2240, %gather3A_2235 : vector<16xf32>
    %jit3A_2242 = arith.constant 0.000000e+00 : f32
    %broadcast_in_dim3A_2243 = vector.broadcast %jit3A_2242 : f32 to vector<16xf32>
    %select_n3A_2244 = arith.select %gt3A_2238, %neg3A_2241, %broadcast_in_dim3A_2243 : vector<16xi1>, vector<16xf32>
    %add3A_2245 = arith.addf %add3A_2218, %select_n3A_2244 : vector<16xf32>
    %jit3A_2246 = arith.constant 1.000000e+00 : f32
    %jit3A_2247 = arith.constant 0.000000e+00 : f32
    %broadcast_in_dim3A_2248 = vector.broadcast %jit3A_2246 : f32 to vector<16xf32>
    %broadcast_in_dim3A_2249 = vector.broadcast %jit3A_2247 : f32 to vector<16xf32>
    %select_n3A_2250 = arith.select %gt3A_2238, %broadcast_in_dim3A_2248, %broadcast_in_dim3A_2249 : vector<16xi1>, vector<16xf32>
    %add3A_2251 = arith.addf %add3A_2224, %select_n3A_2250 : vector<16xf32>
    %dma_wait3A_2252 = arith.constant 6 : i32
    %dma_wait3A_2253 = arith.constant 384 : i32
    %dma_wait3A_2254 = arith.constant 0 : i32
    %dma_wait3A_2255 = tpu.memref_slice %arg7[%dma_wait3A_2253, %dma_wait3A_2254] : memref<512x16xf32, #tpu.memory_space<vmem>> -> memref<64x16xf32, #tpu.memory_space<vmem>>
    %dma_wait3A_2256 = arith.constant 0 : i32
    %dma_wait3A_2257 = tpu.memref_slice %arg6[%dma_wait3A_2252, %dma_wait3A_2256] : memref<8x64xi32, #tpu.memory_space<vmem>> -> memref<1x64xi32, #tpu.memory_space<vmem>>
    %dma_wait3A_2258 = tpu.memref_squeeze %dma_wait3A_2257 : memref<1x64xi32, #tpu.memory_space<vmem>> -> memref<64xi32, #tpu.memory_space<vmem>>
    %dma_wait3A_2259 = arith.constant 0 : i32
    %dma_wait3A_2260 = arith.constant 0 : i32
    %dma_wait3A_2261 = tpu.memref_slice %arg2[%dma_wait3A_2259, %dma_wait3A_2260] : memref<4194304x16xf32, #tpu.memory_space<hbm>> -> memref<4194304x16xf32, #tpu.memory_space<hbm>>
    tpu.wait_indirect_dma semaphore(%arg11 : memref<!tpu.dma_semaphore, #tpu.memory_space<semaphore_mem>>) src(%dma_wait3A_2261 : memref<4194304x16xf32, #tpu.memory_space<hbm>>) dst(%dma_wait3A_2255 : memref<64x16xf32, #tpu.memory_space<vmem>>)
    %get3A_2262 = arith.constant 6 : i32
    %get3A_2263 = arith.index_cast %get3A_2262 : i32 to index
    %get3A_2264 = arith.constant 0 : index
    %get3A_2265 = tpu.vector_load %arg5[%get3A_2263, %get3A_2264] {strides = array<i32>} : memref<8x64xi32, #tpu.memory_space<vmem>>, vector<16xi32>,
    %add3A_2266 = arith.constant 384 : i32
    %add3A_2267 = vector.broadcast %add3A_2266 : i32 to vector<16xi32>
    %add3A_2268 = arith.addi %add3A_2267, %iota3A : vector<16xi32>
    %and3A_2269 = arith.constant 15 : i32
    %and3A_2270 = vector.broadcast %and3A_2269 : i32 to vector<16xi32>
    %and3A_2271 = arith.andi %get3A_2265, %and3A_2270 : vector<16xi32>
    %gather3A_2272 = tpu.vector_load_idx %arg7[%add3A_2268, %and3A_2271] : memref<512x16xf32, #tpu.memory_space<vmem>>[vector<16xi32>, vector<16xi32>], vector<16xf32>,
    %gt3A_2273 = arith.constant 1 : i32
    %gt3A_2274 = vector.broadcast %gt3A_2273 : i32 to vector<16xi32>
    %gt3A_2275 = arith.cmpi sgt, %get3A_2265, %gt3A_2274 : vector<16xi32>
    %neg3A_2276 = arith.constant 0.000000e+00 : f32
    %neg3A_2277 = vector.broadcast %neg3A_2276 : f32 to vector<16xf32>
    %neg3A_2278 = arith.subf %neg3A_2277, %gather3A_2272 : vector<16xf32>
    %jit3A_2279 = arith.constant 0.000000e+00 : f32
    %broadcast_in_dim3A_2280 = vector.broadcast %jit3A_2279 : f32 to vector<16xf32>
    %select_n3A_2281 = arith.select %gt3A_2275, %neg3A_2278, %broadcast_in_dim3A_2280 : vector<16xi1>, vector<16xf32>
    %add3A_2282 = arith.addf %add3A_2245, %select_n3A_2281 : vector<16xf32>
    %jit3A_2283 = arith.constant 1.000000e+00 : f32
    %jit3A_2284 = arith.constant 0.000000e+00 : f32
    %broadcast_in_dim3A_2285 = vector.broadcast %jit3A_2283 : f32 to vector<16xf32>
    %broadcast_in_dim3A_2286 = vector.broadcast %jit3A_2284 : f32 to vector<16xf32>
    %select_n3A_2287 = arith.select %gt3A_2275, %broadcast_in_dim3A_2285, %broadcast_in_dim3A_2286 : vector<16xi1>, vector<16xf32>
    %add3A_2288 = arith.addf %add3A_2251, %select_n3A_2287 : vector<16xf32>
    %get3A_2289 = arith.constant 6 : i32
    %get3A_2290 = arith.index_cast %get3A_2289 : i32 to index
    %get3A_2291 = arith.constant 16 : index
    %get3A_2292 = tpu.vector_load %arg5[%get3A_2290, %get3A_2291] {strides = array<i32>} : memref<8x64xi32, #tpu.memory_space<vmem>>, vector<16xi32>,
    %add3A_2293 = arith.constant 400 : i32
    %add3A_2294 = vector.broadcast %add3A_2293 : i32 to vector<16xi32>
    %add3A_2295 = arith.addi %add3A_2294, %iota3A : vector<16xi32>
    %and3A_2296 = arith.constant 15 : i32
    %and3A_2297 = vector.broadcast %and3A_2296 : i32 to vector<16xi32>
    %and3A_2298 = arith.andi %get3A_2292, %and3A_2297 : vector<16xi32>
    %gather3A_2299 = tpu.vector_load_idx %arg7[%add3A_2295, %and3A_2298] : memref<512x16xf32, #tpu.memory_space<vmem>>[vector<16xi32>, vector<16xi32>], vector<16xf32>,
    %gt3A_2300 = arith.constant 1 : i32
    %gt3A_2301 = vector.broadcast %gt3A_2300 : i32 to vector<16xi32>
    %gt3A_2302 = arith.cmpi sgt, %get3A_2292, %gt3A_2301 : vector<16xi32>
    %neg3A_2303 = arith.constant 0.000000e+00 : f32
    %neg3A_2304 = vector.broadcast %neg3A_2303 : f32 to vector<16xf32>
    %neg3A_2305 = arith.subf %neg3A_2304, %gather3A_2299 : vector<16xf32>
    %jit3A_2306 = arith.constant 0.000000e+00 : f32
    %broadcast_in_dim3A_2307 = vector.broadcast %jit3A_2306 : f32 to vector<16xf32>
    %select_n3A_2308 = arith.select %gt3A_2302, %neg3A_2305, %broadcast_in_dim3A_2307 : vector<16xi1>, vector<16xf32>
    %add3A_2309 = arith.addf %add3A_2282, %select_n3A_2308 : vector<16xf32>
    %jit3A_2310 = arith.constant 1.000000e+00 : f32
    %jit3A_2311 = arith.constant 0.000000e+00 : f32
    %broadcast_in_dim3A_2312 = vector.broadcast %jit3A_2310 : f32 to vector<16xf32>
    %broadcast_in_dim3A_2313 = vector.broadcast %jit3A_2311 : f32 to vector<16xf32>
    %select_n3A_2314 = arith.select %gt3A_2302, %broadcast_in_dim3A_2312, %broadcast_in_dim3A_2313 : vector<16xi1>, vector<16xf32>
    %add3A_2315 = arith.addf %add3A_2288, %select_n3A_2314 : vector<16xf32>
    %get3A_2316 = arith.constant 6 : i32
    %get3A_2317 = arith.index_cast %get3A_2316 : i32 to index
    %get3A_2318 = arith.constant 32 : index
    %get3A_2319 = tpu.vector_load %arg5[%get3A_2317, %get3A_2318] {strides = array<i32>} : memref<8x64xi32, #tpu.memory_space<vmem>>, vector<16xi32>,
    %add3A_2320 = arith.constant 416 : i32
    %add3A_2321 = vector.broadcast %add3A_2320 : i32 to vector<16xi32>
    %add3A_2322 = arith.addi %add3A_2321, %iota3A : vector<16xi32>
    %and3A_2323 = arith.constant 15 : i32
    %and3A_2324 = vector.broadcast %and3A_2323 : i32 to vector<16xi32>
    %and3A_2325 = arith.andi %get3A_2319, %and3A_2324 : vector<16xi32>
    %gather3A_2326 = tpu.vector_load_idx %arg7[%add3A_2322, %and3A_2325] : memref<512x16xf32, #tpu.memory_space<vmem>>[vector<16xi32>, vector<16xi32>], vector<16xf32>,
    %gt3A_2327 = arith.constant 1 : i32
    %gt3A_2328 = vector.broadcast %gt3A_2327 : i32 to vector<16xi32>
    %gt3A_2329 = arith.cmpi sgt, %get3A_2319, %gt3A_2328 : vector<16xi32>
    %neg3A_2330 = arith.constant 0.000000e+00 : f32
    %neg3A_2331 = vector.broadcast %neg3A_2330 : f32 to vector<16xf32>
    %neg3A_2332 = arith.subf %neg3A_2331, %gather3A_2326 : vector<16xf32>
    %jit3A_2333 = arith.constant 0.000000e+00 : f32
    %broadcast_in_dim3A_2334 = vector.broadcast %jit3A_2333 : f32 to vector<16xf32>
    %select_n3A_2335 = arith.select %gt3A_2329, %neg3A_2332, %broadcast_in_dim3A_2334 : vector<16xi1>, vector<16xf32>
    %add3A_2336 = arith.addf %add3A_2309, %select_n3A_2335 : vector<16xf32>
    %jit3A_2337 = arith.constant 1.000000e+00 : f32
    %jit3A_2338 = arith.constant 0.000000e+00 : f32
    %broadcast_in_dim3A_2339 = vector.broadcast %jit3A_2337 : f32 to vector<16xf32>
    %broadcast_in_dim3A_2340 = vector.broadcast %jit3A_2338 : f32 to vector<16xf32>
    %select_n3A_2341 = arith.select %gt3A_2329, %broadcast_in_dim3A_2339, %broadcast_in_dim3A_2340 : vector<16xi1>, vector<16xf32>
    %add3A_2342 = arith.addf %add3A_2315, %select_n3A_2341 : vector<16xf32>
    %get3A_2343 = arith.constant 6 : i32
    %get3A_2344 = arith.index_cast %get3A_2343 : i32 to index
    %get3A_2345 = arith.constant 48 : index
    %get3A_2346 = tpu.vector_load %arg5[%get3A_2344, %get3A_2345] {strides = array<i32>} : memref<8x64xi32, #tpu.memory_space<vmem>>, vector<16xi32>,
    %add3A_2347 = arith.constant 432 : i32
    %add3A_2348 = vector.broadcast %add3A_2347 : i32 to vector<16xi32>
    %add3A_2349 = arith.addi %add3A_2348, %iota3A : vector<16xi32>
    %and3A_2350 = arith.constant 15 : i32
    %and3A_2351 = vector.broadcast %and3A_2350 : i32 to vector<16xi32>
    %and3A_2352 = arith.andi %get3A_2346, %and3A_2351 : vector<16xi32>
    %gather3A_2353 = tpu.vector_load_idx %arg7[%add3A_2349, %and3A_2352] : memref<512x16xf32, #tpu.memory_space<vmem>>[vector<16xi32>, vector<16xi32>], vector<16xf32>,
    %gt3A_2354 = arith.constant 1 : i32
    %gt3A_2355 = vector.broadcast %gt3A_2354 : i32 to vector<16xi32>
    %gt3A_2356 = arith.cmpi sgt, %get3A_2346, %gt3A_2355 : vector<16xi32>
    %neg3A_2357 = arith.constant 0.000000e+00 : f32
    %neg3A_2358 = vector.broadcast %neg3A_2357 : f32 to vector<16xf32>
    %neg3A_2359 = arith.subf %neg3A_2358, %gather3A_2353 : vector<16xf32>
    %jit3A_2360 = arith.constant 0.000000e+00 : f32
    %broadcast_in_dim3A_2361 = vector.broadcast %jit3A_2360 : f32 to vector<16xf32>
    %select_n3A_2362 = arith.select %gt3A_2356, %neg3A_2359, %broadcast_in_dim3A_2361 : vector<16xi1>, vector<16xf32>
    %add3A_2363 = arith.addf %add3A_2336, %select_n3A_2362 : vector<16xf32>
    %jit3A_2364 = arith.constant 1.000000e+00 : f32
    %jit3A_2365 = arith.constant 0.000000e+00 : f32
    %broadcast_in_dim3A_2366 = vector.broadcast %jit3A_2364 : f32 to vector<16xf32>
    %broadcast_in_dim3A_2367 = vector.broadcast %jit3A_2365 : f32 to vector<16xf32>
    %select_n3A_2368 = arith.select %gt3A_2356, %broadcast_in_dim3A_2366, %broadcast_in_dim3A_2367 : vector<16xi1>, vector<16xf32>
    %add3A_2369 = arith.addf %add3A_2342, %select_n3A_2368 : vector<16xf32>
    %dma_wait3A_2370 = arith.constant 7 : i32
    %dma_wait3A_2371 = arith.constant 448 : i32
    %dma_wait3A_2372 = arith.constant 0 : i32
    %dma_wait3A_2373 = tpu.memref_slice %arg7[%dma_wait3A_2371, %dma_wait3A_2372] : memref<512x16xf32, #tpu.memory_space<vmem>> -> memref<64x16xf32, #tpu.memory_space<vmem>>
    %dma_wait3A_2374 = arith.constant 0 : i32
    %dma_wait3A_2375 = tpu.memref_slice %arg6[%dma_wait3A_2370, %dma_wait3A_2374] : memref<8x64xi32, #tpu.memory_space<vmem>> -> memref<1x64xi32, #tpu.memory_space<vmem>>
    %dma_wait3A_2376 = tpu.memref_squeeze %dma_wait3A_2375 : memref<1x64xi32, #tpu.memory_space<vmem>> -> memref<64xi32, #tpu.memory_space<vmem>>
    %dma_wait3A_2377 = arith.constant 0 : i32
    %dma_wait3A_2378 = arith.constant 0 : i32
    %dma_wait3A_2379 = tpu.memref_slice %arg2[%dma_wait3A_2377, %dma_wait3A_2378] : memref<4194304x16xf32, #tpu.memory_space<hbm>> -> memref<4194304x16xf32, #tpu.memory_space<hbm>>
    tpu.wait_indirect_dma semaphore(%arg11 : memref<!tpu.dma_semaphore, #tpu.memory_space<semaphore_mem>>) src(%dma_wait3A_2379 : memref<4194304x16xf32, #tpu.memory_space<hbm>>) dst(%dma_wait3A_2373 : memref<64x16xf32, #tpu.memory_space<vmem>>)
    %get3A_2380 = arith.constant 7 : i32
    %get3A_2381 = arith.index_cast %get3A_2380 : i32 to index
    %get3A_2382 = arith.constant 0 : index
    %get3A_2383 = tpu.vector_load %arg5[%get3A_2381, %get3A_2382] {strides = array<i32>} : memref<8x64xi32, #tpu.memory_space<vmem>>, vector<16xi32>,
    %add3A_2384 = arith.constant 448 : i32
    %add3A_2385 = vector.broadcast %add3A_2384 : i32 to vector<16xi32>
    %add3A_2386 = arith.addi %add3A_2385, %iota3A : vector<16xi32>
    %and3A_2387 = arith.constant 15 : i32
    %and3A_2388 = vector.broadcast %and3A_2387 : i32 to vector<16xi32>
    %and3A_2389 = arith.andi %get3A_2383, %and3A_2388 : vector<16xi32>
    %gather3A_2390 = tpu.vector_load_idx %arg7[%add3A_2386, %and3A_2389] : memref<512x16xf32, #tpu.memory_space<vmem>>[vector<16xi32>, vector<16xi32>], vector<16xf32>,
    %gt3A_2391 = arith.constant 1 : i32
    %gt3A_2392 = vector.broadcast %gt3A_2391 : i32 to vector<16xi32>
    %gt3A_2393 = arith.cmpi sgt, %get3A_2383, %gt3A_2392 : vector<16xi32>
    %neg3A_2394 = arith.constant 0.000000e+00 : f32
    %neg3A_2395 = vector.broadcast %neg3A_2394 : f32 to vector<16xf32>
    %neg3A_2396 = arith.subf %neg3A_2395, %gather3A_2390 : vector<16xf32>
    %jit3A_2397 = arith.constant 0.000000e+00 : f32
    %broadcast_in_dim3A_2398 = vector.broadcast %jit3A_2397 : f32 to vector<16xf32>
    %select_n3A_2399 = arith.select %gt3A_2393, %neg3A_2396, %broadcast_in_dim3A_2398 : vector<16xi1>, vector<16xf32>
    %add3A_2400 = arith.addf %add3A_2363, %select_n3A_2399 : vector<16xf32>
    %jit3A_2401 = arith.constant 1.000000e+00 : f32
    %jit3A_2402 = arith.constant 0.000000e+00 : f32
    %broadcast_in_dim3A_2403 = vector.broadcast %jit3A_2401 : f32 to vector<16xf32>
    %broadcast_in_dim3A_2404 = vector.broadcast %jit3A_2402 : f32 to vector<16xf32>
    %select_n3A_2405 = arith.select %gt3A_2393, %broadcast_in_dim3A_2403, %broadcast_in_dim3A_2404 : vector<16xi1>, vector<16xf32>
    %add3A_2406 = arith.addf %add3A_2369, %select_n3A_2405 : vector<16xf32>
    %get3A_2407 = arith.constant 7 : i32
    %get3A_2408 = arith.index_cast %get3A_2407 : i32 to index
    %get3A_2409 = arith.constant 16 : index
    %get3A_2410 = tpu.vector_load %arg5[%get3A_2408, %get3A_2409] {strides = array<i32>} : memref<8x64xi32, #tpu.memory_space<vmem>>, vector<16xi32>,
    %add3A_2411 = arith.constant 464 : i32
    %add3A_2412 = vector.broadcast %add3A_2411 : i32 to vector<16xi32>
    %add3A_2413 = arith.addi %add3A_2412, %iota3A : vector<16xi32>
    %and3A_2414 = arith.constant 15 : i32
    %and3A_2415 = vector.broadcast %and3A_2414 : i32 to vector<16xi32>
    %and3A_2416 = arith.andi %get3A_2410, %and3A_2415 : vector<16xi32>
    %gather3A_2417 = tpu.vector_load_idx %arg7[%add3A_2413, %and3A_2416] : memref<512x16xf32, #tpu.memory_space<vmem>>[vector<16xi32>, vector<16xi32>], vector<16xf32>,
    %gt3A_2418 = arith.constant 1 : i32
    %gt3A_2419 = vector.broadcast %gt3A_2418 : i32 to vector<16xi32>
    %gt3A_2420 = arith.cmpi sgt, %get3A_2410, %gt3A_2419 : vector<16xi32>
    %neg3A_2421 = arith.constant 0.000000e+00 : f32
    %neg3A_2422 = vector.broadcast %neg3A_2421 : f32 to vector<16xf32>
    %neg3A_2423 = arith.subf %neg3A_2422, %gather3A_2417 : vector<16xf32>
    %jit3A_2424 = arith.constant 0.000000e+00 : f32
    %broadcast_in_dim3A_2425 = vector.broadcast %jit3A_2424 : f32 to vector<16xf32>
    %select_n3A_2426 = arith.select %gt3A_2420, %neg3A_2423, %broadcast_in_dim3A_2425 : vector<16xi1>, vector<16xf32>
    %add3A_2427 = arith.addf %add3A_2400, %select_n3A_2426 : vector<16xf32>
    %jit3A_2428 = arith.constant 1.000000e+00 : f32
    %jit3A_2429 = arith.constant 0.000000e+00 : f32
    %broadcast_in_dim3A_2430 = vector.broadcast %jit3A_2428 : f32 to vector<16xf32>
    %broadcast_in_dim3A_2431 = vector.broadcast %jit3A_2429 : f32 to vector<16xf32>
    %select_n3A_2432 = arith.select %gt3A_2420, %broadcast_in_dim3A_2430, %broadcast_in_dim3A_2431 : vector<16xi1>, vector<16xf32>
    %add3A_2433 = arith.addf %add3A_2406, %select_n3A_2432 : vector<16xf32>
    %get3A_2434 = arith.constant 7 : i32
    %get3A_2435 = arith.index_cast %get3A_2434 : i32 to index
    %get3A_2436 = arith.constant 32 : index
    %get3A_2437 = tpu.vector_load %arg5[%get3A_2435, %get3A_2436] {strides = array<i32>} : memref<8x64xi32, #tpu.memory_space<vmem>>, vector<16xi32>,
    %add3A_2438 = arith.constant 480 : i32
    %add3A_2439 = vector.broadcast %add3A_2438 : i32 to vector<16xi32>
    %add3A_2440 = arith.addi %add3A_2439, %iota3A : vector<16xi32>
    %and3A_2441 = arith.constant 15 : i32
    %and3A_2442 = vector.broadcast %and3A_2441 : i32 to vector<16xi32>
    %and3A_2443 = arith.andi %get3A_2437, %and3A_2442 : vector<16xi32>
    %gather3A_2444 = tpu.vector_load_idx %arg7[%add3A_2440, %and3A_2443] : memref<512x16xf32, #tpu.memory_space<vmem>>[vector<16xi32>, vector<16xi32>], vector<16xf32>,
    %gt3A_2445 = arith.constant 1 : i32
    %gt3A_2446 = vector.broadcast %gt3A_2445 : i32 to vector<16xi32>
    %gt3A_2447 = arith.cmpi sgt, %get3A_2437, %gt3A_2446 : vector<16xi32>
    %neg3A_2448 = arith.constant 0.000000e+00 : f32
    %neg3A_2449 = vector.broadcast %neg3A_2448 : f32 to vector<16xf32>
    %neg3A_2450 = arith.subf %neg3A_2449, %gather3A_2444 : vector<16xf32>
    %jit3A_2451 = arith.constant 0.000000e+00 : f32
    %broadcast_in_dim3A_2452 = vector.broadcast %jit3A_2451 : f32 to vector<16xf32>
    %select_n3A_2453 = arith.select %gt3A_2447, %neg3A_2450, %broadcast_in_dim3A_2452 : vector<16xi1>, vector<16xf32>
    %add3A_2454 = arith.addf %add3A_2427, %select_n3A_2453 : vector<16xf32>
    %jit3A_2455 = arith.constant 1.000000e+00 : f32
    %jit3A_2456 = arith.constant 0.000000e+00 : f32
    %broadcast_in_dim3A_2457 = vector.broadcast %jit3A_2455 : f32 to vector<16xf32>
    %broadcast_in_dim3A_2458 = vector.broadcast %jit3A_2456 : f32 to vector<16xf32>
    %select_n3A_2459 = arith.select %gt3A_2447, %broadcast_in_dim3A_2457, %broadcast_in_dim3A_2458 : vector<16xi1>, vector<16xf32>
    %add3A_2460 = arith.addf %add3A_2433, %select_n3A_2459 : vector<16xf32>
    %get3A_2461 = arith.constant 7 : i32
    %get3A_2462 = arith.index_cast %get3A_2461 : i32 to index
    %get3A_2463 = arith.constant 48 : index
    %get3A_2464 = tpu.vector_load %arg5[%get3A_2462, %get3A_2463] {strides = array<i32>} : memref<8x64xi32, #tpu.memory_space<vmem>>, vector<16xi32>,
    %add3A_2465 = arith.constant 496 : i32
    %add3A_2466 = vector.broadcast %add3A_2465 : i32 to vector<16xi32>
    %add3A_2467 = arith.addi %add3A_2466, %iota3A : vector<16xi32>
    %and3A_2468 = arith.constant 15 : i32
    %and3A_2469 = vector.broadcast %and3A_2468 : i32 to vector<16xi32>
    %and3A_2470 = arith.andi %get3A_2464, %and3A_2469 : vector<16xi32>
    %gather3A_2471 = tpu.vector_load_idx %arg7[%add3A_2467, %and3A_2470] : memref<512x16xf32, #tpu.memory_space<vmem>>[vector<16xi32>, vector<16xi32>], vector<16xf32>,
    %gt3A_2472 = arith.constant 1 : i32
    %gt3A_2473 = vector.broadcast %gt3A_2472 : i32 to vector<16xi32>
    %gt3A_2474 = arith.cmpi sgt, %get3A_2464, %gt3A_2473 : vector<16xi32>
    %neg3A_2475 = arith.constant 0.000000e+00 : f32
    %neg3A_2476 = vector.broadcast %neg3A_2475 : f32 to vector<16xf32>
    %neg3A_2477 = arith.subf %neg3A_2476, %gather3A_2471 : vector<16xf32>
    %jit3A_2478 = arith.constant 0.000000e+00 : f32
    %broadcast_in_dim3A_2479 = vector.broadcast %jit3A_2478 : f32 to vector<16xf32>
    %select_n3A_2480 = arith.select %gt3A_2474, %neg3A_2477, %broadcast_in_dim3A_2479 : vector<16xi1>, vector<16xf32>
    %add3A_2481 = arith.addf %add3A_2454, %select_n3A_2480 : vector<16xf32>
    %jit3A_2482 = arith.constant 1.000000e+00 : f32
    %jit3A_2483 = arith.constant 0.000000e+00 : f32
    %broadcast_in_dim3A_2484 = vector.broadcast %jit3A_2482 : f32 to vector<16xf32>
    %broadcast_in_dim3A_2485 = vector.broadcast %jit3A_2483 : f32 to vector<16xf32>
    %select_n3A_2486 = arith.select %gt3A_2474, %broadcast_in_dim3A_2484, %broadcast_in_dim3A_2485 : vector<16xi1>, vector<16xf32>
    %add3A_2487 = arith.addf %add3A_2460, %select_n3A_2486 : vector<16xf32>
    %swap3A_2488 = arith.constant 0 : i32
    %swap3A_2489 = arith.index_cast %swap3A_2488 : i32 to index
    %swap3A_2490 = arith.constant 0 : index
    %swap3A_2491 = tpu.vector_load %arg8[%swap3A_2489, %swap3A_2490] {strides = array<i32>} : memref<2x16xf32, #tpu.memory_space<vmem>>, vector<16xf32>,
    tpu.vector_store %arg8[%swap3A_2489, %swap3A_2490], %add3A_2481 {strides = array<i32>} : memref<2x16xf32, #tpu.memory_space<vmem>>, vector<16xf32>,
    %swap3A_2492 = arith.constant 1 : i32
    %swap3A_2493 = arith.index_cast %swap3A_2492 : i32 to index
    %swap3A_2494 = arith.constant 0 : index
    %swap3A_2495 = tpu.vector_load %arg8[%swap3A_2493, %swap3A_2494] {strides = array<i32>} : memref<2x16xf32, #tpu.memory_space<vmem>>, vector<16xf32>,
    tpu.vector_store %arg8[%swap3A_2493, %swap3A_2494], %add3A_2487 {strides = array<i32>} : memref<2x16xf32, #tpu.memory_space<vmem>>, vector<16xf32>,
    "tpu.region"() ({
      %run_scoped3A = tpu.sem_alloc : memref<!tpu.dma_semaphore, #tpu.memory_space<semaphore_mem>>
      %dma_start3A_2498 = arith.constant 0 : i32
      %dma_start3A_2499 = arith.constant 0 : i32
      %dma_start3A_2500 = tpu.memref_slice %arg10[%arg1, %dma_start3A_2498, %dma_start3A_2499] : memref<16x2x16xf32, #tpu.memory_space<vmem_shared>> -> memref<1x2x16xf32, #tpu.memory_space<vmem_shared>>
      %dma_start3A_2501 = tpu.memref_squeeze %dma_start3A_2500 : memref<1x2x16xf32, #tpu.memory_space<vmem_shared>> -> memref<2x16xf32, #tpu.memory_space<vmem_shared>>
      %dma_start3A_2502 = arith.constant 0 : i32
      %dma_start3A_2503 = arith.constant 0 : i32
      %dma_start3A_2504 = tpu.memref_slice %arg10[%arg1, %dma_start3A_2502, %dma_start3A_2503] : memref<16x2x16xf32, #tpu.memory_space<vmem_shared>> -> memref<1x2x16xf32, #tpu.memory_space<vmem_shared>>
      %dma_start3A_2505 = tpu.memref_squeeze %dma_start3A_2504 : memref<1x2x16xf32, #tpu.memory_space<vmem_shared>> -> memref<2x16xf32, #tpu.memory_space<vmem_shared>>
      tpu.enqueue_dma source(%arg8 : memref<2x16xf32, #tpu.memory_space<vmem>>) target(%dma_start3A_2505 : memref<2x16xf32, #tpu.memory_space<vmem_shared>>) target_semaphore(%run_scoped3A : memref<!tpu.dma_semaphore, #tpu.memory_space<semaphore_mem>>)
      %dma_wait3A_2506 = arith.constant 0 : i32
      %dma_wait3A_2507 = arith.constant 0 : i32
      %dma_wait3A_2508 = tpu.memref_slice %arg10[%arg1, %dma_wait3A_2506, %dma_wait3A_2507] : memref<16x2x16xf32, #tpu.memory_space<vmem_shared>> -> memref<1x2x16xf32, #tpu.memory_space<vmem_shared>>
      %dma_wait3A_2509 = tpu.memref_squeeze %dma_wait3A_2508 : memref<1x2x16xf32, #tpu.memory_space<vmem_shared>> -> memref<2x16xf32, #tpu.memory_space<vmem_shared>>
      %dma_wait3A_2510 = arith.constant 0 : i32
      %dma_wait3A_2511 = arith.constant 0 : i32
      %dma_wait3A_2512 = tpu.memref_slice %arg10[%arg1, %dma_wait3A_2510, %dma_wait3A_2511] : memref<16x2x16xf32, #tpu.memory_space<vmem_shared>> -> memref<1x2x16xf32, #tpu.memory_space<vmem_shared>>
      %dma_wait3A_2513 = tpu.memref_squeeze %dma_wait3A_2512 : memref<1x2x16xf32, #tpu.memory_space<vmem_shared>> -> memref<2x16xf32, #tpu.memory_space<vmem_shared>>
      tpu.wait_dma2 semaphore(%run_scoped3A : memref<!tpu.dma_semaphore, #tpu.memory_space<semaphore_mem>>) src(%arg8 : memref<2x16xf32, #tpu.memory_space<vmem>>) dst(%dma_wait3A_2513 : memref<2x16xf32, #tpu.memory_space<vmem_shared>>)
      tpu.yield
    }) : () -> ()
    %barrier3A = arith.constant 0 : index
    tpu.barrier barrier_id(%barrier3A)
    %eq3A = arith.constant 0 : i32
    %eq3A_2496 = arith.cmpi eq, %arg1, %eq3A : i32
    %convert_element_type3A = arith.extui %eq3A_2496 : i1 to i32
    %cond3A = arith.constant 0 : i32
    %cond3A_2497 = arith.cmpi ne, %convert_element_type3A, %cond3A : i32
    scf.if %cond3A_2497 {
      "tpu.region"() ({
        %run_scoped3A_2840 = tpu.sem_alloc : memref<!tpu.dma_semaphore, #tpu.memory_space<semaphore_mem>>
        tpu.enqueue_dma source(%arg10 : memref<16x2x16xf32, #tpu.memory_space<vmem_shared>>) target(%arg9 : memref<16x2x16xf32, #tpu.memory_space<vmem>>) target_semaphore(%run_scoped3A_2840 : memref<!tpu.dma_semaphore, #tpu.memory_space<semaphore_mem>>)
        tpu.wait_dma2 semaphore(%run_scoped3A_2840 : memref<!tpu.dma_semaphore, #tpu.memory_space<semaphore_mem>>) src(%arg10 : memref<16x2x16xf32, #tpu.memory_space<vmem_shared>>) dst(%arg9 : memref<16x2x16xf32, #tpu.memory_space<vmem>>)
        tpu.yield
      }) : () -> ()
      %broadcast_in_dim3A_2498 = arith.constant 0.000000e+00 : f32
      %broadcast_in_dim3A_2499 = vector.broadcast %broadcast_in_dim3A_2498 : f32 to vector<16xf32>
      %broadcast_in_dim3A_2500 = arith.constant 0.000000e+00 : f32
      %broadcast_in_dim3A_2501 = vector.broadcast %broadcast_in_dim3A_2500 : f32 to vector<16xf32>
      %get3A_2502 = arith.constant 0 : i32
      %get3A_2503 = arith.constant 0 : i32
      %get3A_2504 = arith.index_cast %get3A_2502 : i32 to index
      %get3A_2505 = arith.index_cast %get3A_2503 : i32 to index
      %get3A_2506 = arith.constant 0 : index
      %get3A_2507 = tpu.vector_load %arg9[%get3A_2504, %get3A_2505, %get3A_2506] {strides = array<i32>} : memref<16x2x16xf32, #tpu.memory_space<vmem>>, vector<16xf32>,
      %add3A_2508 = arith.addf %broadcast_in_dim3A_2499, %get3A_2507 : vector<16xf32>
      %get3A_2509 = arith.constant 0 : i32
      %get3A_2510 = arith.constant 1 : i32
      %get3A_2511 = arith.index_cast %get3A_2509 : i32 to index
      %get3A_2512 = arith.index_cast %get3A_2510 : i32 to index
      %get3A_2513 = arith.constant 0 : index
      %get3A_2514 = tpu.vector_load %arg9[%get3A_2511, %get3A_2512, %get3A_2513] {strides = array<i32>} : memref<16x2x16xf32, #tpu.memory_space<vmem>>, vector<16xf32>,
      %add3A_2515 = arith.addf %broadcast_in_dim3A_2501, %get3A_2514 : vector<16xf32>
      %get3A_2516 = arith.constant 1 : i32
      %get3A_2517 = arith.constant 0 : i32
      %get3A_2518 = arith.index_cast %get3A_2516 : i32 to index
      %get3A_2519 = arith.index_cast %get3A_2517 : i32 to index
      %get3A_2520 = arith.constant 0 : index
      %get3A_2521 = tpu.vector_load %arg9[%get3A_2518, %get3A_2519, %get3A_2520] {strides = array<i32>} : memref<16x2x16xf32, #tpu.memory_space<vmem>>, vector<16xf32>,
      %add3A_2522 = arith.addf %add3A_2508, %get3A_2521 : vector<16xf32>
      %get3A_2523 = arith.constant 1 : i32
      %get3A_2524 = arith.constant 1 : i32
      %get3A_2525 = arith.index_cast %get3A_2523 : i32 to index
      %get3A_2526 = arith.index_cast %get3A_2524 : i32 to index
      %get3A_2527 = arith.constant 0 : index
      %get3A_2528 = tpu.vector_load %arg9[%get3A_2525, %get3A_2526, %get3A_2527] {strides = array<i32>} : memref<16x2x16xf32, #tpu.memory_space<vmem>>, vector<16xf32>,
      %add3A_2529 = arith.addf %add3A_2515, %get3A_2528 : vector<16xf32>
      %get3A_2530 = arith.constant 2 : i32
      %get3A_2531 = arith.constant 0 : i32
      %get3A_2532 = arith.index_cast %get3A_2530 : i32 to index
      %get3A_2533 = arith.index_cast %get3A_2531 : i32 to index
      %get3A_2534 = arith.constant 0 : index
      %get3A_2535 = tpu.vector_load %arg9[%get3A_2532, %get3A_2533, %get3A_2534] {strides = array<i32>} : memref<16x2x16xf32, #tpu.memory_space<vmem>>, vector<16xf32>,
      %add3A_2536 = arith.addf %add3A_2522, %get3A_2535 : vector<16xf32>
      %get3A_2537 = arith.constant 2 : i32
      %get3A_2538 = arith.constant 1 : i32
      %get3A_2539 = arith.index_cast %get3A_2537 : i32 to index
      %get3A_2540 = arith.index_cast %get3A_2538 : i32 to index
      %get3A_2541 = arith.constant 0 : index
      %get3A_2542 = tpu.vector_load %arg9[%get3A_2539, %get3A_2540, %get3A_2541] {strides = array<i32>} : memref<16x2x16xf32, #tpu.memory_space<vmem>>, vector<16xf32>,
      %add3A_2543 = arith.addf %add3A_2529, %get3A_2542 : vector<16xf32>
      %get3A_2544 = arith.constant 3 : i32
      %get3A_2545 = arith.constant 0 : i32
      %get3A_2546 = arith.index_cast %get3A_2544 : i32 to index
      %get3A_2547 = arith.index_cast %get3A_2545 : i32 to index
      %get3A_2548 = arith.constant 0 : index
      %get3A_2549 = tpu.vector_load %arg9[%get3A_2546, %get3A_2547, %get3A_2548] {strides = array<i32>} : memref<16x2x16xf32, #tpu.memory_space<vmem>>, vector<16xf32>,
      %add3A_2550 = arith.addf %add3A_2536, %get3A_2549 : vector<16xf32>
      %get3A_2551 = arith.constant 3 : i32
      %get3A_2552 = arith.constant 1 : i32
      %get3A_2553 = arith.index_cast %get3A_2551 : i32 to index
      %get3A_2554 = arith.index_cast %get3A_2552 : i32 to index
      %get3A_2555 = arith.constant 0 : index
      %get3A_2556 = tpu.vector_load %arg9[%get3A_2553, %get3A_2554, %get3A_2555] {strides = array<i32>} : memref<16x2x16xf32, #tpu.memory_space<vmem>>, vector<16xf32>,
      %add3A_2557 = arith.addf %add3A_2543, %get3A_2556 : vector<16xf32>
      %get3A_2558 = arith.constant 4 : i32
      %get3A_2559 = arith.constant 0 : i32
      %get3A_2560 = arith.index_cast %get3A_2558 : i32 to index
      %get3A_2561 = arith.index_cast %get3A_2559 : i32 to index
      %get3A_2562 = arith.constant 0 : index
      %get3A_2563 = tpu.vector_load %arg9[%get3A_2560, %get3A_2561, %get3A_2562] {strides = array<i32>} : memref<16x2x16xf32, #tpu.memory_space<vmem>>, vector<16xf32>,
      %add3A_2564 = arith.addf %add3A_2550, %get3A_2563 : vector<16xf32>
      %get3A_2565 = arith.constant 4 : i32
      %get3A_2566 = arith.constant 1 : i32
      %get3A_2567 = arith.index_cast %get3A_2565 : i32 to index
      %get3A_2568 = arith.index_cast %get3A_2566 : i32 to index
      %get3A_2569 = arith.constant 0 : index
      %get3A_2570 = tpu.vector_load %arg9[%get3A_2567, %get3A_2568, %get3A_2569] {strides = array<i32>} : memref<16x2x16xf32, #tpu.memory_space<vmem>>, vector<16xf32>,
      %add3A_2571 = arith.addf %add3A_2557, %get3A_2570 : vector<16xf32>
      %get3A_2572 = arith.constant 5 : i32
      %get3A_2573 = arith.constant 0 : i32
      %get3A_2574 = arith.index_cast %get3A_2572 : i32 to index
      %get3A_2575 = arith.index_cast %get3A_2573 : i32 to index
      %get3A_2576 = arith.constant 0 : index
      %get3A_2577 = tpu.vector_load %arg9[%get3A_2574, %get3A_2575, %get3A_2576] {strides = array<i32>} : memref<16x2x16xf32, #tpu.memory_space<vmem>>, vector<16xf32>,
      %add3A_2578 = arith.addf %add3A_2564, %get3A_2577 : vector<16xf32>
      %get3A_2579 = arith.constant 5 : i32
      %get3A_2580 = arith.constant 1 : i32
      %get3A_2581 = arith.index_cast %get3A_2579 : i32 to index
      %get3A_2582 = arith.index_cast %get3A_2580 : i32 to index
      %get3A_2583 = arith.constant 0 : index
      %get3A_2584 = tpu.vector_load %arg9[%get3A_2581, %get3A_2582, %get3A_2583] {strides = array<i32>} : memref<16x2x16xf32, #tpu.memory_space<vmem>>, vector<16xf32>,
      %add3A_2585 = arith.addf %add3A_2571, %get3A_2584 : vector<16xf32>
      %get3A_2586 = arith.constant 6 : i32
      %get3A_2587 = arith.constant 0 : i32
      %get3A_2588 = arith.index_cast %get3A_2586 : i32 to index
      %get3A_2589 = arith.index_cast %get3A_2587 : i32 to index
      %get3A_2590 = arith.constant 0 : index
      %get3A_2591 = tpu.vector_load %arg9[%get3A_2588, %get3A_2589, %get3A_2590] {strides = array<i32>} : memref<16x2x16xf32, #tpu.memory_space<vmem>>, vector<16xf32>,
      %add3A_2592 = arith.addf %add3A_2578, %get3A_2591 : vector<16xf32>
      %get3A_2593 = arith.constant 6 : i32
      %get3A_2594 = arith.constant 1 : i32
      %get3A_2595 = arith.index_cast %get3A_2593 : i32 to index
      %get3A_2596 = arith.index_cast %get3A_2594 : i32 to index
      %get3A_2597 = arith.constant 0 : index
      %get3A_2598 = tpu.vector_load %arg9[%get3A_2595, %get3A_2596, %get3A_2597] {strides = array<i32>} : memref<16x2x16xf32, #tpu.memory_space<vmem>>, vector<16xf32>,
      %add3A_2599 = arith.addf %add3A_2585, %get3A_2598 : vector<16xf32>
      %get3A_2600 = arith.constant 7 : i32
      %get3A_2601 = arith.constant 0 : i32
      %get3A_2602 = arith.index_cast %get3A_2600 : i32 to index
      %get3A_2603 = arith.index_cast %get3A_2601 : i32 to index
      %get3A_2604 = arith.constant 0 : index
      %get3A_2605 = tpu.vector_load %arg9[%get3A_2602, %get3A_2603, %get3A_2604] {strides = array<i32>} : memref<16x2x16xf32, #tpu.memory_space<vmem>>, vector<16xf32>,
      %add3A_2606 = arith.addf %add3A_2592, %get3A_2605 : vector<16xf32>
      %get3A_2607 = arith.constant 7 : i32
      %get3A_2608 = arith.constant 1 : i32
      %get3A_2609 = arith.index_cast %get3A_2607 : i32 to index
      %get3A_2610 = arith.index_cast %get3A_2608 : i32 to index
      %get3A_2611 = arith.constant 0 : index
      %get3A_2612 = tpu.vector_load %arg9[%get3A_2609, %get3A_2610, %get3A_2611] {strides = array<i32>} : memref<16x2x16xf32, #tpu.memory_space<vmem>>, vector<16xf32>,
      %add3A_2613 = arith.addf %add3A_2599, %get3A_2612 : vector<16xf32>
      %get3A_2614 = arith.constant 8 : i32
      %get3A_2615 = arith.constant 0 : i32
      %get3A_2616 = arith.index_cast %get3A_2614 : i32 to index
      %get3A_2617 = arith.index_cast %get3A_2615 : i32 to index
      %get3A_2618 = arith.constant 0 : index
      %get3A_2619 = tpu.vector_load %arg9[%get3A_2616, %get3A_2617, %get3A_2618] {strides = array<i32>} : memref<16x2x16xf32, #tpu.memory_space<vmem>>, vector<16xf32>,
      %add3A_2620 = arith.addf %add3A_2606, %get3A_2619 : vector<16xf32>
      %get3A_2621 = arith.constant 8 : i32
      %get3A_2622 = arith.constant 1 : i32
      %get3A_2623 = arith.index_cast %get3A_2621 : i32 to index
      %get3A_2624 = arith.index_cast %get3A_2622 : i32 to index
      %get3A_2625 = arith.constant 0 : index
      %get3A_2626 = tpu.vector_load %arg9[%get3A_2623, %get3A_2624, %get3A_2625] {strides = array<i32>} : memref<16x2x16xf32, #tpu.memory_space<vmem>>, vector<16xf32>,
      %add3A_2627 = arith.addf %add3A_2613, %get3A_2626 : vector<16xf32>
      %get3A_2628 = arith.constant 9 : i32
      %get3A_2629 = arith.constant 0 : i32
      %get3A_2630 = arith.index_cast %get3A_2628 : i32 to index
      %get3A_2631 = arith.index_cast %get3A_2629 : i32 to index
      %get3A_2632 = arith.constant 0 : index
      %get3A_2633 = tpu.vector_load %arg9[%get3A_2630, %get3A_2631, %get3A_2632] {strides = array<i32>} : memref<16x2x16xf32, #tpu.memory_space<vmem>>, vector<16xf32>,
      %add3A_2634 = arith.addf %add3A_2620, %get3A_2633 : vector<16xf32>
      %get3A_2635 = arith.constant 9 : i32
      %get3A_2636 = arith.constant 1 : i32
      %get3A_2637 = arith.index_cast %get3A_2635 : i32 to index
      %get3A_2638 = arith.index_cast %get3A_2636 : i32 to index
      %get3A_2639 = arith.constant 0 : index
      %get3A_2640 = tpu.vector_load %arg9[%get3A_2637, %get3A_2638, %get3A_2639] {strides = array<i32>} : memref<16x2x16xf32, #tpu.memory_space<vmem>>, vector<16xf32>,
      %add3A_2641 = arith.addf %add3A_2627, %get3A_2640 : vector<16xf32>
      %get3A_2642 = arith.constant 10 : i32
      %get3A_2643 = arith.constant 0 : i32
      %get3A_2644 = arith.index_cast %get3A_2642 : i32 to index
      %get3A_2645 = arith.index_cast %get3A_2643 : i32 to index
      %get3A_2646 = arith.constant 0 : index
      %get3A_2647 = tpu.vector_load %arg9[%get3A_2644, %get3A_2645, %get3A_2646] {strides = array<i32>} : memref<16x2x16xf32, #tpu.memory_space<vmem>>, vector<16xf32>,
      %add3A_2648 = arith.addf %add3A_2634, %get3A_2647 : vector<16xf32>
      %get3A_2649 = arith.constant 10 : i32
      %get3A_2650 = arith.constant 1 : i32
      %get3A_2651 = arith.index_cast %get3A_2649 : i32 to index
      %get3A_2652 = arith.index_cast %get3A_2650 : i32 to index
      %get3A_2653 = arith.constant 0 : index
      %get3A_2654 = tpu.vector_load %arg9[%get3A_2651, %get3A_2652, %get3A_2653] {strides = array<i32>} : memref<16x2x16xf32, #tpu.memory_space<vmem>>, vector<16xf32>,
      %add3A_2655 = arith.addf %add3A_2641, %get3A_2654 : vector<16xf32>
      %get3A_2656 = arith.constant 11 : i32
      %get3A_2657 = arith.constant 0 : i32
      %get3A_2658 = arith.index_cast %get3A_2656 : i32 to index
      %get3A_2659 = arith.index_cast %get3A_2657 : i32 to index
      %get3A_2660 = arith.constant 0 : index
      %get3A_2661 = tpu.vector_load %arg9[%get3A_2658, %get3A_2659, %get3A_2660] {strides = array<i32>} : memref<16x2x16xf32, #tpu.memory_space<vmem>>, vector<16xf32>,
      %add3A_2662 = arith.addf %add3A_2648, %get3A_2661 : vector<16xf32>
      %get3A_2663 = arith.constant 11 : i32
      %get3A_2664 = arith.constant 1 : i32
      %get3A_2665 = arith.index_cast %get3A_2663 : i32 to index
      %get3A_2666 = arith.index_cast %get3A_2664 : i32 to index
      %get3A_2667 = arith.constant 0 : index
      %get3A_2668 = tpu.vector_load %arg9[%get3A_2665, %get3A_2666, %get3A_2667] {strides = array<i32>} : memref<16x2x16xf32, #tpu.memory_space<vmem>>, vector<16xf32>,
      %add3A_2669 = arith.addf %add3A_2655, %get3A_2668 : vector<16xf32>
      %get3A_2670 = arith.constant 12 : i32
      %get3A_2671 = arith.constant 0 : i32
      %get3A_2672 = arith.index_cast %get3A_2670 : i32 to index
      %get3A_2673 = arith.index_cast %get3A_2671 : i32 to index
      %get3A_2674 = arith.constant 0 : index
      %get3A_2675 = tpu.vector_load %arg9[%get3A_2672, %get3A_2673, %get3A_2674] {strides = array<i32>} : memref<16x2x16xf32, #tpu.memory_space<vmem>>, vector<16xf32>,
      %add3A_2676 = arith.addf %add3A_2662, %get3A_2675 : vector<16xf32>
      %get3A_2677 = arith.constant 12 : i32
      %get3A_2678 = arith.constant 1 : i32
      %get3A_2679 = arith.index_cast %get3A_2677 : i32 to index
      %get3A_2680 = arith.index_cast %get3A_2678 : i32 to index
      %get3A_2681 = arith.constant 0 : index
      %get3A_2682 = tpu.vector_load %arg9[%get3A_2679, %get3A_2680, %get3A_2681] {strides = array<i32>} : memref<16x2x16xf32, #tpu.memory_space<vmem>>, vector<16xf32>,
      %add3A_2683 = arith.addf %add3A_2669, %get3A_2682 : vector<16xf32>
      %get3A_2684 = arith.constant 13 : i32
      %get3A_2685 = arith.constant 0 : i32
      %get3A_2686 = arith.index_cast %get3A_2684 : i32 to index
      %get3A_2687 = arith.index_cast %get3A_2685 : i32 to index
      %get3A_2688 = arith.constant 0 : index
      %get3A_2689 = tpu.vector_load %arg9[%get3A_2686, %get3A_2687, %get3A_2688] {strides = array<i32>} : memref<16x2x16xf32, #tpu.memory_space<vmem>>, vector<16xf32>,
      %add3A_2690 = arith.addf %add3A_2676, %get3A_2689 : vector<16xf32>
      %get3A_2691 = arith.constant 13 : i32
      %get3A_2692 = arith.constant 1 : i32
      %get3A_2693 = arith.index_cast %get3A_2691 : i32 to index
      %get3A_2694 = arith.index_cast %get3A_2692 : i32 to index
      %get3A_2695 = arith.constant 0 : index
      %get3A_2696 = tpu.vector_load %arg9[%get3A_2693, %get3A_2694, %get3A_2695] {strides = array<i32>} : memref<16x2x16xf32, #tpu.memory_space<vmem>>, vector<16xf32>,
      %add3A_2697 = arith.addf %add3A_2683, %get3A_2696 : vector<16xf32>
      %get3A_2698 = arith.constant 14 : i32
      %get3A_2699 = arith.constant 0 : i32
      %get3A_2700 = arith.index_cast %get3A_2698 : i32 to index
      %get3A_2701 = arith.index_cast %get3A_2699 : i32 to index
      %get3A_2702 = arith.constant 0 : index
      %get3A_2703 = tpu.vector_load %arg9[%get3A_2700, %get3A_2701, %get3A_2702] {strides = array<i32>} : memref<16x2x16xf32, #tpu.memory_space<vmem>>, vector<16xf32>,
      %add3A_2704 = arith.addf %add3A_2690, %get3A_2703 : vector<16xf32>
      %get3A_2705 = arith.constant 14 : i32
      %get3A_2706 = arith.constant 1 : i32
      %get3A_2707 = arith.index_cast %get3A_2705 : i32 to index
      %get3A_2708 = arith.index_cast %get3A_2706 : i32 to index
      %get3A_2709 = arith.constant 0 : index
      %get3A_2710 = tpu.vector_load %arg9[%get3A_2707, %get3A_2708, %get3A_2709] {strides = array<i32>} : memref<16x2x16xf32, #tpu.memory_space<vmem>>, vector<16xf32>,
      %add3A_2711 = arith.addf %add3A_2697, %get3A_2710 : vector<16xf32>
      %get3A_2712 = arith.constant 15 : i32
      %get3A_2713 = arith.constant 0 : i32
      %get3A_2714 = arith.index_cast %get3A_2712 : i32 to index
      %get3A_2715 = arith.index_cast %get3A_2713 : i32 to index
      %get3A_2716 = arith.constant 0 : index
      %get3A_2717 = tpu.vector_load %arg9[%get3A_2714, %get3A_2715, %get3A_2716] {strides = array<i32>} : memref<16x2x16xf32, #tpu.memory_space<vmem>>, vector<16xf32>,
      %add3A_2718 = arith.addf %add3A_2704, %get3A_2717 : vector<16xf32>
      %get3A_2719 = arith.constant 15 : i32
      %get3A_2720 = arith.constant 1 : i32
      %get3A_2721 = arith.index_cast %get3A_2719 : i32 to index
      %get3A_2722 = arith.index_cast %get3A_2720 : i32 to index
      %get3A_2723 = arith.constant 0 : index
      %get3A_2724 = tpu.vector_load %arg9[%get3A_2721, %get3A_2722, %get3A_2723] {strides = array<i32>} : memref<16x2x16xf32, #tpu.memory_space<vmem>>, vector<16xf32>,
      %add3A_2725 = arith.addf %add3A_2711, %get3A_2724 : vector<16xf32>
      %xor3A = arith.constant 1 : i32
      %xor3A_2726 = vector.broadcast %xor3A : i32 to vector<16xi32>
      %xor3A_2727 = arith.xori %iota3A, %xor3A_2726 : vector<16xi32>
      %lt3A = arith.constant 0 : i32
      %lt3A_2728 = vector.broadcast %lt3A : i32 to vector<16xi32>
      %lt3A_2729 = arith.cmpi slt, %xor3A_2727, %lt3A_2728 : vector<16xi32>
      %add3A_2730 = arith.constant 16 : i32
      %add3A_2731 = vector.broadcast %add3A_2730 : i32 to vector<16xi32>
      %add3A_2732 = arith.addi %xor3A_2727, %add3A_2731 : vector<16xi32>
      %select_n3A_2733 = arith.select %lt3A_2729, %add3A_2732, %xor3A_2727 : vector<16xi1>, vector<16xi32>
      %broadcast_in_dim3A_2734 = vector.shape_cast %select_n3A_2733 : vector<16xi32> to vector<16x1xi32>
      %gather3A_2735 = vector.shape_cast %broadcast_in_dim3A_2734 : vector<16x1xi32> to vector<16xi32>
      %gather3A_2736 = tpu.dynamic_gather %add3A_2718[%gather3A_2735] in [0] : vector<16xf32>, vector<16xi32> -> vector<16xf32>
      %add3A_2737 = arith.addf %add3A_2718, %gather3A_2736 : vector<16xf32>
      %xor3A_2738 = arith.constant 2 : i32
      %xor3A_2739 = vector.broadcast %xor3A_2738 : i32 to vector<16xi32>
      %xor3A_2740 = arith.xori %iota3A, %xor3A_2739 : vector<16xi32>
      %lt3A_2741 = arith.constant 0 : i32
      %lt3A_2742 = vector.broadcast %lt3A_2741 : i32 to vector<16xi32>
      %lt3A_2743 = arith.cmpi slt, %xor3A_2740, %lt3A_2742 : vector<16xi32>
      %add3A_2744 = arith.constant 16 : i32
      %add3A_2745 = vector.broadcast %add3A_2744 : i32 to vector<16xi32>
      %add3A_2746 = arith.addi %xor3A_2740, %add3A_2745 : vector<16xi32>
      %select_n3A_2747 = arith.select %lt3A_2743, %add3A_2746, %xor3A_2740 : vector<16xi1>, vector<16xi32>
      %broadcast_in_dim3A_2748 = vector.shape_cast %select_n3A_2747 : vector<16xi32> to vector<16x1xi32>
      %gather3A_2749 = vector.shape_cast %broadcast_in_dim3A_2748 : vector<16x1xi32> to vector<16xi32>
      %gather3A_2750 = tpu.dynamic_gather %add3A_2737[%gather3A_2749] in [0] : vector<16xf32>, vector<16xi32> -> vector<16xf32>
      %add3A_2751 = arith.addf %add3A_2737, %gather3A_2750 : vector<16xf32>
      %xor3A_2752 = arith.constant 4 : i32
      %xor3A_2753 = vector.broadcast %xor3A_2752 : i32 to vector<16xi32>
      %xor3A_2754 = arith.xori %iota3A, %xor3A_2753 : vector<16xi32>
      %lt3A_2755 = arith.constant 0 : i32
      %lt3A_2756 = vector.broadcast %lt3A_2755 : i32 to vector<16xi32>
      %lt3A_2757 = arith.cmpi slt, %xor3A_2754, %lt3A_2756 : vector<16xi32>
      %add3A_2758 = arith.constant 16 : i32
      %add3A_2759 = vector.broadcast %add3A_2758 : i32 to vector<16xi32>
      %add3A_2760 = arith.addi %xor3A_2754, %add3A_2759 : vector<16xi32>
      %select_n3A_2761 = arith.select %lt3A_2757, %add3A_2760, %xor3A_2754 : vector<16xi1>, vector<16xi32>
      %broadcast_in_dim3A_2762 = vector.shape_cast %select_n3A_2761 : vector<16xi32> to vector<16x1xi32>
      %gather3A_2763 = vector.shape_cast %broadcast_in_dim3A_2762 : vector<16x1xi32> to vector<16xi32>
      %gather3A_2764 = tpu.dynamic_gather %add3A_2751[%gather3A_2763] in [0] : vector<16xf32>, vector<16xi32> -> vector<16xf32>
      %add3A_2765 = arith.addf %add3A_2751, %gather3A_2764 : vector<16xf32>
      %xor3A_2766 = arith.constant 8 : i32
      %xor3A_2767 = vector.broadcast %xor3A_2766 : i32 to vector<16xi32>
      %xor3A_2768 = arith.xori %iota3A, %xor3A_2767 : vector<16xi32>
      %lt3A_2769 = arith.constant 0 : i32
      %lt3A_2770 = vector.broadcast %lt3A_2769 : i32 to vector<16xi32>
      %lt3A_2771 = arith.cmpi slt, %xor3A_2768, %lt3A_2770 : vector<16xi32>
      %add3A_2772 = arith.constant 16 : i32
      %add3A_2773 = vector.broadcast %add3A_2772 : i32 to vector<16xi32>
      %add3A_2774 = arith.addi %xor3A_2768, %add3A_2773 : vector<16xi32>
      %select_n3A_2775 = arith.select %lt3A_2771, %add3A_2774, %xor3A_2768 : vector<16xi1>, vector<16xi32>
      %broadcast_in_dim3A_2776 = vector.shape_cast %select_n3A_2775 : vector<16xi32> to vector<16x1xi32>
      %gather3A_2777 = vector.shape_cast %broadcast_in_dim3A_2776 : vector<16x1xi32> to vector<16xi32>
      %gather3A_2778 = tpu.dynamic_gather %add3A_2765[%gather3A_2777] in [0] : vector<16xf32>, vector<16xi32> -> vector<16xf32>
      %add3A_2779 = arith.addf %add3A_2765, %gather3A_2778 : vector<16xf32>
      %xor3A_2780 = arith.constant 1 : i32
      %xor3A_2781 = vector.broadcast %xor3A_2780 : i32 to vector<16xi32>
      %xor3A_2782 = arith.xori %iota3A, %xor3A_2781 : vector<16xi32>
      %lt3A_2783 = arith.constant 0 : i32
      %lt3A_2784 = vector.broadcast %lt3A_2783 : i32 to vector<16xi32>
      %lt3A_2785 = arith.cmpi slt, %xor3A_2782, %lt3A_2784 : vector<16xi32>
      %add3A_2786 = arith.constant 16 : i32
      %add3A_2787 = vector.broadcast %add3A_2786 : i32 to vector<16xi32>
      %add3A_2788 = arith.addi %xor3A_2782, %add3A_2787 : vector<16xi32>
      %select_n3A_2789 = arith.select %lt3A_2785, %add3A_2788, %xor3A_2782 : vector<16xi1>, vector<16xi32>
      %broadcast_in_dim3A_2790 = vector.shape_cast %select_n3A_2789 : vector<16xi32> to vector<16x1xi32>
      %gather3A_2791 = vector.shape_cast %broadcast_in_dim3A_2790 : vector<16x1xi32> to vector<16xi32>
      %gather3A_2792 = tpu.dynamic_gather %add3A_2725[%gather3A_2791] in [0] : vector<16xf32>, vector<16xi32> -> vector<16xf32>
      %add3A_2793 = arith.addf %add3A_2725, %gather3A_2792 : vector<16xf32>
      %xor3A_2794 = arith.constant 2 : i32
      %xor3A_2795 = vector.broadcast %xor3A_2794 : i32 to vector<16xi32>
      %xor3A_2796 = arith.xori %iota3A, %xor3A_2795 : vector<16xi32>
      %lt3A_2797 = arith.constant 0 : i32
      %lt3A_2798 = vector.broadcast %lt3A_2797 : i32 to vector<16xi32>
      %lt3A_2799 = arith.cmpi slt, %xor3A_2796, %lt3A_2798 : vector<16xi32>
      %add3A_2800 = arith.constant 16 : i32
      %add3A_2801 = vector.broadcast %add3A_2800 : i32 to vector<16xi32>
      %add3A_2802 = arith.addi %xor3A_2796, %add3A_2801 : vector<16xi32>
      %select_n3A_2803 = arith.select %lt3A_2799, %add3A_2802, %xor3A_2796 : vector<16xi1>, vector<16xi32>
      %broadcast_in_dim3A_2804 = vector.shape_cast %select_n3A_2803 : vector<16xi32> to vector<16x1xi32>
      %gather3A_2805 = vector.shape_cast %broadcast_in_dim3A_2804 : vector<16x1xi32> to vector<16xi32>
      %gather3A_2806 = tpu.dynamic_gather %add3A_2793[%gather3A_2805] in [0] : vector<16xf32>, vector<16xi32> -> vector<16xf32>
      %add3A_2807 = arith.addf %add3A_2793, %gather3A_2806 : vector<16xf32>
      %xor3A_2808 = arith.constant 4 : i32
      %xor3A_2809 = vector.broadcast %xor3A_2808 : i32 to vector<16xi32>
      %xor3A_2810 = arith.xori %iota3A, %xor3A_2809 : vector<16xi32>
      %lt3A_2811 = arith.constant 0 : i32
      %lt3A_2812 = vector.broadcast %lt3A_2811 : i32 to vector<16xi32>
      %lt3A_2813 = arith.cmpi slt, %xor3A_2810, %lt3A_2812 : vector<16xi32>
      %add3A_2814 = arith.constant 16 : i32
      %add3A_2815 = vector.broadcast %add3A_2814 : i32 to vector<16xi32>
      %add3A_2816 = arith.addi %xor3A_2810, %add3A_2815 : vector<16xi32>
      %select_n3A_2817 = arith.select %lt3A_2813, %add3A_2816, %xor3A_2810 : vector<16xi1>, vector<16xi32>
      %broadcast_in_dim3A_2818 = vector.shape_cast %select_n3A_2817 : vector<16xi32> to vector<16x1xi32>
      %gather3A_2819 = vector.shape_cast %broadcast_in_dim3A_2818 : vector<16x1xi32> to vector<16xi32>
      %gather3A_2820 = tpu.dynamic_gather %add3A_2807[%gather3A_2819] in [0] : vector<16xf32>, vector<16xi32> -> vector<16xf32>
      %add3A_2821 = arith.addf %add3A_2807, %gather3A_2820 : vector<16xf32>
      %xor3A_2822 = arith.constant 8 : i32
      %xor3A_2823 = vector.broadcast %xor3A_2822 : i32 to vector<16xi32>
      %xor3A_2824 = arith.xori %iota3A, %xor3A_2823 : vector<16xi32>
      %lt3A_2825 = arith.constant 0 : i32
      %lt3A_2826 = vector.broadcast %lt3A_2825 : i32 to vector<16xi32>
      %lt3A_2827 = arith.cmpi slt, %xor3A_2824, %lt3A_2826 : vector<16xi32>
      %add3A_2828 = arith.constant 16 : i32
      %add3A_2829 = vector.broadcast %add3A_2828 : i32 to vector<16xi32>
      %add3A_2830 = arith.addi %xor3A_2824, %add3A_2829 : vector<16xi32>
      %select_n3A_2831 = arith.select %lt3A_2827, %add3A_2830, %xor3A_2824 : vector<16xi1>, vector<16xi32>
      %broadcast_in_dim3A_2832 = vector.shape_cast %select_n3A_2831 : vector<16xi32> to vector<16x1xi32>
      %gather3A_2833 = vector.shape_cast %broadcast_in_dim3A_2832 : vector<16x1xi32> to vector<16xi32>
      %gather3A_2834 = tpu.dynamic_gather %add3A_2821[%gather3A_2833] in [0] : vector<16xf32>, vector<16xi32> -> vector<16xf32>
      %add3A_2835 = arith.addf %add3A_2821, %gather3A_2834 : vector<16xf32>
      %div3A = arith.divf %add3A_2779, %add3A_2835 : vector<16xf32>
      %swap3A_2836 = arith.constant 0 : i32
      %swap3A_2837 = arith.index_cast %swap3A_2836 : i32 to index
      %swap3A_2838 = arith.constant 0 : index
      %swap3A_2839 = tpu.vector_load %arg8[%swap3A_2837, %swap3A_2838] {strides = array<i32>} : memref<2x16xf32, #tpu.memory_space<vmem>>, vector<16xf32>,
      tpu.vector_store %arg8[%swap3A_2837, %swap3A_2838], %div3A {strides = array<i32>} : memref<2x16xf32, #tpu.memory_space<vmem>>, vector<16xf32>,
      %run_scoped3A = arith.constant 0 : i32
      "tpu.region"() ({
        %run_scoped3A_2840 = tpu.sem_alloc : memref<!tpu.dma_semaphore, #tpu.memory_space<semaphore_mem>>
        %dma_start3A_2841 = arith.constant 0 : i32
        %dma_start3A_2842 = tpu.memref_slice %arg8[%run_scoped3A, %dma_start3A_2841] : memref<2x16xf32, #tpu.memory_space<vmem>> -> memref<1x16xf32, #tpu.memory_space<vmem>>
        %dma_start3A_2843 = tpu.memref_squeeze %dma_start3A_2842 : memref<1x16xf32, #tpu.memory_space<vmem>> -> memref<16xf32, #tpu.memory_space<vmem>>
        %dma_start3A_2844 = arith.constant 0 : i32
        %dma_start3A_2845 = tpu.memref_slice %arg8[%run_scoped3A, %dma_start3A_2844] : memref<2x16xf32, #tpu.memory_space<vmem>> -> memref<1x16xf32, #tpu.memory_space<vmem>>
        %dma_start3A_2846 = tpu.memref_squeeze %dma_start3A_2845 : memref<1x16xf32, #tpu.memory_space<vmem>> -> memref<16xf32, #tpu.memory_space<vmem>>
        tpu.enqueue_dma source(%dma_start3A_2846 : memref<16xf32, #tpu.memory_space<vmem>>) target(%arg4 : memref<16xf32, #tpu.memory_space<hbm>>) target_semaphore(%run_scoped3A_2840 : memref<!tpu.dma_semaphore, #tpu.memory_space<semaphore_mem>>)
        %dma_wait3A_2847 = arith.constant 0 : i32
        %dma_wait3A_2848 = tpu.memref_slice %arg8[%run_scoped3A, %dma_wait3A_2847] : memref<2x16xf32, #tpu.memory_space<vmem>> -> memref<1x16xf32, #tpu.memory_space<vmem>>
        %dma_wait3A_2849 = tpu.memref_squeeze %dma_wait3A_2848 : memref<1x16xf32, #tpu.memory_space<vmem>> -> memref<16xf32, #tpu.memory_space<vmem>>
        %dma_wait3A_2850 = arith.constant 0 : i32
        %dma_wait3A_2851 = tpu.memref_slice %arg8[%run_scoped3A, %dma_wait3A_2850] : memref<2x16xf32, #tpu.memory_space<vmem>> -> memref<1x16xf32, #tpu.memory_space<vmem>>
        %dma_wait3A_2852 = tpu.memref_squeeze %dma_wait3A_2851 : memref<1x16xf32, #tpu.memory_space<vmem>> -> memref<16xf32, #tpu.memory_space<vmem>>
        tpu.wait_dma2 semaphore(%run_scoped3A_2840 : memref<!tpu.dma_semaphore, #tpu.memory_space<semaphore_mem>>) src(%dma_wait3A_2852 : memref<16xf32, #tpu.memory_space<vmem>>) dst(%arg4 : memref<16xf32, #tpu.memory_space<hbm>>)
        tpu.yield
      }) : () -> ()
    } else {
    }
    return
  }
}

</mosaic_0001>

<sc_bundles>
// kernel: kernel.3.cloned.1.call-start
scs
__scs_entry_jumppad:
0x0: {  	(pc) =	sbr.rel $0x88, $3  }
0x1: {  	(tag) =	ssettag $0x0;
	lr =	simm.s32 $0x1  }
0x2: {  	[smem:$0x3F9F] =	sst lr;
	_ =	strace $0xD0000000  }
0x3: {  	_ = 	snop  }
0x4: {  	_ = 	snop  }
0x5: {  	_ = 	snop  }
0x6: {  	_ = 	snop  }
0x7: {  	_ = 	snop  }
__scs_overlays_trampoline_lowered:
0x8: {  	[smem:$0x3FAE] =	sst s0  }
0x9: {  	[smem:$0x3FAF] =	sst s1  }
0xa: {  	[smem:$0x3FB0] =	sst s2  }
0xb: {  	[smem:$0x3FB1] =	sst s3  }
0xc: {  	[smem:$0x3FB2] =	sst s4  }
0xd: {  	[smem:$0x3FB3] =	sst s5  }
0xe: {  	[smem:$0x3FB4] =	sst s6  }
0xf: {  	[smem:$0x3FB5] =	sst s7  }
0x10: {  	[smem:$0x3FB6] =	sst s8  }
0x11: {  	[smem:$0x3FB7] =	sst s9;
	s0 =	simm.s32 @!p0 $0x0  }
0x12: {  	s1 =	sld [smem:$0x3F9D];
	s0 =	simm.s32 @p0 $0x1  }
0x13: {  	[smem:$0x3FB8] =	sst s0;
	s0 =	simm.s32 @!p1 $0x0  }
0x14: {  	s2 =	sld [smem:$0x3F9C];
	s0 =	simm.s32 @p1 $0x1  }
0x15: {  	[smem:$0x3FB9] =	sst s0;
	s0 =	simm.s32 @!p2 $0x0  }
0x16: {  	s3 =	sld [smem:$0x3FDB];
	s0 =	simm.s32 @p2 $0x1  }
0x17: {  	s4 =	simm.s32 $0x1BF5;
	[smem:$0x3FBB] =	sst s0  }
0x18: {  	s0 =	sld [smem:$0x3F9E];
	_ =	swait.ge [sflag:s4], $0x0  }
0x19: {  	s7 =	sld [smem:$0x3F9F]  }
0x1a: {  	s8 =	sadd.s32 $0xFFFFE003, lr  }
0x1b: {  	s9 =	sadd.s32 $0xFFFFFEF7, lr;
	s5 =	simm.s32 $0xFFFFFFFF;
	p2 =	slt.u32 s8, $0xFFFFF086  }
0x1c: {  	p1 =	slt.u32 s9, $0xF7A;
	s5 =	simm.s32 @!p2 $0x0  }
0x1d: {  	s5 =	simm.s32 @p1 $0x1;
	p0 =	seq.s32 s7, s2  }
0x1e: {  	s7 =	smul.u32 @!p0 $0xF7A, s2;
	p2 =	seq.s32 @!p0 s5, $0x0  }
0x1f: {  	s9 =	smul.u32 $0xF7A, s1;
	s8 =	simm.s32 @!p0 $0x1BF5;
	p2 =	por !p2, p0  }
0x20: {  	[sflag:s8] =	ssyncset.s32 @!p0 $0xFFFFF086;
	s6 =	sadd.s32 @!p0 s3, s7;
	s7 =	simm.s32 @!p0 $0x108  }
0x21: {  	s3 =	sadd.s32 s3, s9;
	s6 =	sadd.s32 @!p0 $0x88, s6;
	s7 =	simm.s32 @p2 $0x1082  }
0x22: {  	[simem:s7], [sflag:s8] =	dma.local @!p0 [hbm:s6], $0xF7A  }
0x23: {  	s9 =	sor.u32 $0xD0000000, s2;
	s6 =	simm.s32 $0x108;
	_ =	swait.ge @!p0 [sflag:s8], $0x0  }
0x24: {  	s3 =	sadd.s32 $0x88, s3;
	s6 =	simm.s32 @!p1 $0x1082;
	[sflag:s4] =	ssyncset.s32 $0xFFFFF086  }
0x25: {  	[simem:s6], [sflag:s4] =	dma.local [hbm:s3], $0xF7A  }
0x26: {  	[smem:$0x3F9F] =	sst s1;
	(tag) =	ssettag s2;
	_ =	strace s9  }
0x27: {  	s1 =	sld [smem:$0x3FAF]  }
0x28: {  	s2 =	sld [smem:$0x3FB0]  }
0x29: {  	s4 =	sld [smem:$0x3FB2]  }
0x2a: {  	p0 =	seq.s32 s5, $0x0;
	s5 =	sld [smem:$0x3FB3]  }
0x2b: {  	s6 =	sld [smem:$0x3FB4]  }
0x2c: {  	s7 =	sld [smem:$0x3FB5]  }
0x2d: {  	s3 =	simm.s32 $0x108;
	s8 =	sld [smem:$0x3FB6]  }
0x2e: {  	s3 =	simm.s32 @!p0 $0x1082;
	s9 =	sld [smem:$0x3FB7]  }
0x2f: {  	lr =	sadd.s32 s0, s3;
	s0 =	sld [smem:$0x3FAE]  }
0x30: {  	s3 =	sld [smem:$0x3FB1]  }
0x31: {  	[smem:$0x3FBA] =	sst s10  }
0x32: {  	s10 =	sld [smem:$0x3FB8];
	_ =	sdelay $0x3  }
0x33: {  	p0 =	seq.s32 s10, $0x1;
	s10 =	sld [smem:$0x3FBA];
	_ =	sdelay $0x3  }
0x34: {  	[smem:$0x3FBA] =	sst s10  }
0x35: {  	s10 =	sld [smem:$0x3FB9];
	_ =	sdelay $0x3  }
0x36: {  	p1 =	seq.s32 s10, $0x1;
	s10 =	sld [smem:$0x3FBA];
	_ =	sdelay $0x3  }
0x37: {  	[smem:$0x3FBA] =	sst s10  }
0x38: {  	s10 =	sld [smem:$0x3FBB]  }
0x39: {  	_ = 	snop;
	(pc) =	sbr.ind lr, $3  }
0x3a: {  	_ = 	snop  }
0x3b: {  	_ = 	snop  }
0x3c: {  	p2 =	seq.s32 s10, $0x1;
	s10 =	sld [smem:$0x3FBA]  }
0x3d: {  	_ =	shalt  }
0x3e: {  	_ =	shalt  }
0x3f: {  	_ =	shalt  }
0x40: {  	_ =	shalt  }
0x41: {  	_ =	shalt  }
0x42: {  	_ =	shalt  }
0x43: {  	_ =	shalt  }
0x44: {  	_ =	shalt  }
0x45: {  	_ =	shalt  }
0x46: {  	_ =	shalt  }
0x47: {  	_ =	shalt  }
0x48: {  	_ =	shalt  }
0x49: {  	_ =	shalt  }
0x4a: {  	_ =	shalt  }
0x4b: {  	_ =	shalt  }
0x4c: {  	_ =	shalt  }
0x4d: {  	_ =	shalt  }
0x4e: {  	_ =	shalt  }
0x4f: {  	_ =	shalt  }
0x50: {  	_ =	shalt  }
0x51: {  	_ =	shalt  }
0x52: {  	_ =	shalt  }
0x53: {  	_ =	shalt  }
0x54: {  	_ =	shalt  }
0x55: {  	_ =	shalt  }
0x56: {  	_ =	shalt  }
0x57: {  	_ =	shalt  }
0x58: {  	_ =	shalt  }
0x59: {  	_ =	shalt  }
0x5a: {  	_ =	shalt  }
0x5b: {  	_ =	shalt  }
0x5c: {  	_ =	shalt  }
0x5d: {  	_ =	shalt  }
0x5e: {  	_ =	shalt  }
0x5f: {  	_ =	shalt  }
0x60: {  	_ =	shalt  }
0x61: {  	_ =	shalt  }
0x62: {  	_ =	shalt  }
0x63: {  	_ =	shalt  }
0x64: {  	_ =	shalt  }
0x65: {  	_ =	shalt  }
0x66: {  	_ =	shalt  }
0x67: {  	_ =	shalt  }
0x68: {  	_ =	shalt  }
0x69: {  	_ =	shalt  }
0x6a: {  	_ =	shalt  }
0x6b: {  	_ =	shalt  }
0x6c: {  	_ =	shalt  }
0x6d: {  	_ =	shalt  }
0x6e: {  	_ =	shalt  }
0x6f: {  	_ =	shalt  }
0x70: {  	_ =	shalt  }
0x71: {  	_ =	shalt  }
0x72: {  	_ =	shalt  }
0x73: {  	_ =	shalt  }
0x74: {  	_ =	shalt  }
0x75: {  	_ =	shalt  }
0x76: {  	_ =	shalt  }
0x77: {  	_ =	shalt  }
0x78: {  	_ =	shalt  }
0x79: {  	_ =	shalt  }
0x7a: {  	_ =	shalt  }
0x7b: {  	_ =	shalt  }
0x7c: {  	_ =	shalt  }
0x7d: {  	_ =	shalt  }
0x7e: {  	_ =	shalt  }
0x7f: {  	_ =	shalt  }
0x80: {  	_ =	shalt  }
0x81: {  	_ =	shalt  }
0x82: {  	_ =	shalt  }
0x83: {  	_ =	shalt  }
0x84: {  	_ =	shalt  }
0x85: {  	_ =	shalt  }
0x86: {  	_ =	shalt  }
0x87: {  	_ =	shalt  }
.Lfunc_end0:
.L_simem_size_0:
called_computation_lowered:
.L_overlay_start_0:
0x88: {  	s0 =	sld [smem:$0x3FD9]  }
0x89: {  	s1 =	sld [smem:$0x3FFE];
	_ =	sdelay $0x3  }
0x8a: {  	s0 =	sadd.s32 s1, s0  }
0x8b: {  	[smem:$0x3FC6] =	sst s0  }
0x8c: {  	_ = 	snop  }
0x8d: {  	s0 =	sld [smem:$0x3FC9]  }
0x8e: {  	s16 =	sld [smem:$0x3FD0];
	(tm) =	ssettm $0x1  }
0x8f: {  	s2 =	sld [smem:$0x3FFB];
	_ =	sdelay $0x3  }
0x90: {  	_ =	strace s2  }
0x91: {  	s2 =	sld [smem:$0x3FFC];
	_ =	sdelay $0x3  }
0x92: {  	_ =	strace s2  }
0x93: {  	s2 =	sld [smem:$0x3FFD];
	_ =	sdelay $0x3  }
0x94: {  	_ =	strace s2  }
0x95: {  	_ =	strace $0x8FFFFFFF  }
0x96: {  	s17 =	sld [smem:$0x3FDB];
	_ =	sdelay $0x1  }
0x97: {  	s3 =	simm.s32 $_scs_section_size  }
0x98: {  	s4 =	simm.s32 $_size__tile_overlayer_lowered;
	s5 =	simm.s32 $_tile_overlayer_lowered  }
0x99: {  	s20 =	simm.s32 $0x1BFF;
	s19 =	sshll.u32 s5, $0x1;
	s2 =	sadd.s32 s3, s17  }
0x9a: {  	s6 =	simm.s32 $0x0;
	s18 =	sshll.u32 s4, $0x1;
	s4 =	sadd.s32 s19, s2  }
0x9b: {  	[timem:s6], [sflag:s20] =	dma.local [hbm:s4], s18  }
0x9c: {  	_ =	swait.ge [sflag:s20], s18  }
0x9d: {  	s3 =	ssub.s32 $0x0, s18;
	[sflag:s20] =	ssyncset.done $0x0  }
0x9e: {  	[sflag:s20] =	ssyncadd.s32 s3;
	_ =	sdelay $0x1  }
0x9f: {  	s21 =	simm.s32 $0x1B8B  }
0xa0: {  	_ =	swait.ge [sflag:s21], $0x1  }
0xa1: {  	[sflag:s21] =	ssyncset.done $0x0  }
0xa2: {  	s23 =	simm.s32 $0x1B8E;
	s22 =	sld [smem:$0x3FFE];
	[sflag:s21] =	ssyncadd.s32 $0xFFFFFFFF  }
0xa3: {  	s24 =	simm.s32 $execute0_lowered;
	[smem:$0x3FD2] =	sst s23  }
0xa4: {  	s4 =	sshll.u32 s24, $0x1;
	_ =	strace $0x80000046;
	[dreg:$0x1] =	wrdreg $0xFFFFFFFF  }
0xa5: {  	s25 =	simm.s32 $_size_execute0_lowered;
	s2 =	sadd.s32 s2, s4;
	[dreg:$0x0] =	wrdreg $0x0  }
0xa6: {  	s4 =	sshll.u32 s25, $0x1;
	[dreg:$0x2] =	wrdreg s2  }
0xa7: {  	[dreg:$0x3] =	wrdreg s4  }
0xa8: {  	[dreg:$0x4] =	wrdreg $0xC0  }
0xa9: {  	_ =	task [dreg:s6], $0x5FFFF  }
0xaa: {  	[dreg:$0x1] =	wrdreg $0xFFFFFFFF  }
0xab: {  	[dreg:$0x0] =	wrdreg $0x60  }
0xac: {  	[dreg:$0x2] =	wrdreg s0  }
0xad: {  	[dreg:$0x3] =	wrdreg s22  }
0xae: {  	[dreg:$0x4] =	wrdreg s16  }
0xaf: {  	[dreg:$0x5] =	wrdreg $0x26200  }
0xb0: {  	[dreg:$0x6] =	wrdreg $0x9  }
0xb1: {  	_ =	task.clear_ibuf [dreg:s6], $0x7FFFF;
	_ =	strace $0x90000046  }
0xb2: {  	s26 =	simm.s32 $0x9;
	_ =	strace $0x80000048  }
0xb3: {  	_ =	swait.ge [sflag:s26], $0x1  }
0xb4: {  	[sflag:s26] =	ssyncadd.s32 $0xFFFFFFFF  }
0xb5: {  	_ =	strace $0x90000048  }
0xb6: {  	_ =	sfence  }
0xb7: {  	s28 =	sld [smem:$0x0];
	_ =	sdelay $0x1  }
0xb8: {  	s29 =	srdreg.scid  }
0xb9: {  	s30 =	sshll.u32 s29, $0xD;
	s31 =	sshrl.u32 s29, $0x2  }
0xba: {  	s1 =	sand.u32 $0x1, s29;
	s2 =	sand.u32 $0x4000, s30;
	s0 =	sadd.s32 s31, s28  }
0xbb: {  	s1 =	sor.u32 s2, s1;
	s0 =	sshll.u32 s0, $0x11  }
0xbc: {  	s0 =	sor.u32 s0, s1  }
0xbd: {  	s0 =	sadd.s32 $0x8F2B, s0  }
0xbe: {  	[sflag:s0] =	ssyncadd.remote.s32 $0x1  }
0xbf: {  	_ =	sfence.sel $0xFFFF  }
0xc0: {  	[dreg:$0x0] =	wrdreg $0xFFFFFFFF;
	(pc) =	sbr.abs _section_cstart, $3  }
0xc1: {  	[dreg:$0x1] =	wrdreg $0xFFFFFFFF  }
0xc2: {  	_ =	task.clear_ibuf [dreg:s6], $0x2FFFF;
	_ =	strace $0x9FFFFFFF  }
0xc3: {  	(tm) =	ssettm $0x7FFFFFFF  }
tec
execute0_lowered:
.L_overlay_start_1:
0x0: {  	(tag) =	ssettag $0x1  }
0x1: {  	s6 =	rddreg [dreg:$0x0]  }
0x2: {  	s5 =	rddreg [dreg:$0x1]  }
0x3: {  	s1 =	rddreg [dreg:$0x2]  }
0x4: {  	s3 =	rddreg [dreg:$0x3]  }
0x5: {  	s0 =	rddreg [dreg:$0x4];
	s2 =	simm.s32 $0x0  }
0x6: {  	s4 =	stileid.u32;
	s17 =	simm.s32 $0x80;
	s29 =	simm.s32 $0xC0  }
0x7: {  	s30 =	simm.s32 $0x100;
	s18 =	simm.s32 $0x140;
	[smem:$0x7FF] =	sst s2  }
0x8: {  	s5 =	sadd.s32 $0x400, s5;
	s8 =	sshll.u32 s4, $0x9;
	s7 =	sshll.u32 s4, $0x6  }
0x9: {  	_ =	strace $0x80000047;
	s7 =	sadd.s32 s5, s7;
	s16 =	sor.u32 $0x40, s8  }
0xa: {  	s15 =	sor.u32 $0x80, s8;
	s14 =	sor.u32 $0xC0, s8;
	s9 =	sshrl.u32 s16, $0x3  }
0xb: {  	[tilespmem:s2], [sflag:$0x2] =	stream.linear.gather [hbm4b:s7+s2], $0x40, $0x38;
	[tilespmem:$0x2640] =	vst v63  }
0xc: {  	s10 =	sshrl.u32 s15, $0x3;
	s7 =	simm.s32 $0x40;
	s9 =	sadd.s32 s5, s9  }
0xd: {  	[tilespmem:s7], [sflag:$0x2] =	stream.linear.gather [hbm4b:s9+s2], $0x40, $0x38;
	[tilespmem:$0x2640] =	vst v63  }
0xe: {  	s13 =	sor.u32 $0x100, s8;
	s11 =	sshrl.u32 s14, $0x3;
	s10 =	sadd.s32 s5, s10  }
0xf: {  	[tilespmem:s17], [sflag:$0x2] =	stream.linear.gather [hbm4b:s10+s2], $0x40, $0x38;
	[tilespmem:$0x2640] =	vst v63  }
0x10: {  	s12 =	sor.u32 $0x140, s8;
	s26 =	sshrl.u32 s13, $0x3;
	s11 =	sadd.s32 s5, s11  }
0x11: {  	[tilespmem:s29], [sflag:$0x2] =	stream.linear.gather [hbm4b:s11+s2], $0x40, $0x38;
	[tilespmem:$0x2640] =	vst v63  }
0x12: {  	s28 =	sshrl.u32 s12, $0x3;
	s9 =	sadd.s32 s5, s26;
	s11 =	sor.u32 $0x180, s8  }
0x13: {  	[tilespmem:s30], [sflag:$0x2] =	stream.linear.gather [hbm4b:s9+s2], $0x40, $0x38;
	[tilespmem:$0x2640] =	vst v63  }
0x14: {  	s10 =	sadd.s32 s5, s28;
	s31 =	sshrl.u32 s11, $0x3;
	s9 =	sor.u32 $0x1C0, s8  }
0x15: {  	[tilespmem:s18], [sflag:$0x2] =	stream.linear.gather [hbm4b:s10+s2], $0x40, $0x38;
	[tilespmem:$0x2640] =	vst v63  }
0x16: {  	s20 =	simm.s32 $0x180;
	s19 =	sshrl.u32 s9, $0x3;
	s18 =	sadd.s32 s5, s31  }
0x17: {  	[tilespmem:s20], [sflag:$0x2] =	stream.linear.gather [hbm4b:s18+s2], $0x40, $0x38;
	[tilespmem:$0x2640] =	vst v63  }
0x18: {  	s21 =	simm.s32 $0x1C0;
	s5 =	sadd.s32 s5, s19;
	s10 =	simm.s32 $0x2  }
0x19: {  	[tilespmem:s21], [sflag:$0x2] =	stream.linear.gather [hbm4b:s5+s2], $0x40, $0x38;
	[tilespmem:$0x2640] =	vst v63  }
0x1a: {  	_ =	swait.ge [sflag:s10], $0x40  }
0x1b: {  	[sflag:s10] =	ssyncset.done $0x0  }
0x1c: {  	v0 =	vlaneseq.u32;
	[sflag:s10] =	ssyncadd.s32 $0xFFFFFFC0  }
0x1d: {  	v1 =	vmul.u32 $0x8, v0;
	v2 =	vmov s8;
	s22 =	sor.u32 $0x10, s8;
	v3 =	vld [tilespmem:$0x0]  }
0x1e: {  	v11 =	vand.u32 $0x7, v0;
	s23 =	sor.u32 $0x20, s8;
	s24 =	sor.u32 $0x30, s8;
	v2 =	vshll.u32 v2, $0x3;
	v4 =	vmov s22;
	v6 =	vld [tilespmem:$0x10]  }
0x1f: {  	v5 =	vmov s23;
	v7 =	vmov s24;
	v2 =	vor.u32 v1, v2;
	v9 =	vld [tilespmem:$0x20]  }
0x20: {  	v4 =	vshll.u32 v4, $0x3;
	v5 =	vshll.u32 v5, $0x3;
	v7 =	vshll.u32 v7, $0x3;
	v10 =	vld [tilespmem:$0x30]  }
0x21: {  	v2 =	vand.u32 $0xF040, v2;
	v4 =	vor.u32 v1, v4;
	v5 =	vor.u32 v1, v5  }
0x22: {  	v7 =	vor.u32 v1, v7;
	v4 =	vand.u32 $0x3FFF0C0, v4;
	v5 =	vand.u32 $0x3FFF140, v5  }
0x23: {  	v7 =	vand.u32 $0x3FFF1C0, v7;
	v8 =	vshra.s32 v3, $0x7;
	v3 =	vshrl.u32 v3, $0x4  }
0x24: {  	v12 =	vshra.s32 v6, $0x7;
	v6 =	vshrl.u32 v6, $0x4;
	v13 =	vshra.s32 v9, $0x7  }
0x25: {  	v14 =	vshrl.u32 v9, $0x4;
	v15 =	vshra.s32 v10, $0x7;
	v16 =	vshrl.u32 v10, $0x4  }
0x26: {  	v2 =	vadd.s32 v2, v8;
	v3 =	vand.u32 $0x7, v3;
	v4 =	vadd.s32 v4, v12  }
0x27: {  	v6 =	vand.u32 $0x7, v6;
	v5 =	vadd.s32 v5, v13;
	v7 =	vadd.s32 v7, v15  }
0x28: {  	v19 =	vand.u32 $0x7, v16;
	v8 =	vshll.u32 v2, $0x6;
	v2 =	vmul.u32 $0x8, v11  }
0x29: {  	v4 =	vshll.u32 v4, $0x6;
	v5 =	vshll.u32 v5, $0x6;
	v3 =	vor.u32 v3, v8  }
0x2a: {  	v18 =	vshll.u32 v7, $0x6;
	v4 =	vor.u32 v6, v4;
	v3 =	vor.u32 v2, v3  }
0x2b: {  	v6 =	vand.u32 $0x7, v14;
	v20 =	vor.u32 v19, v18;
	v4 =	vor.u32 v2, v4;
	[tilespmem:$0x200] =	vst v3  }
0x2c: {  	v17 =	vor.u32 v6, v5;
	v21 =	vor.u32 v2, v20;
	[tilespmem:$0x210] =	vst v4  }
0x2d: {  	v3 =	vor.u32 v2, v17;
	[tilespmem:$0x230] =	vst v21  }
0x2e: {  	s25 =	simm.s32 $0x200;
	s5 =	simm.s32 $0x400;
	[tilespmem:$0x220] =	vst v3  }
0x2f: {  	[tilespmem:s5], [sflag:$0x1] =	stream.indirect.gather [hbm4b:s6+s7], $0x10, s25, s7, $0xb8;
	[tilespmem:$0x2640] =	vst v63  }
0x30: {  	_ =	swait.ge [sflag:s10], $0x40  }
0x31: {  	[sflag:s10] =	ssyncset.done $0x0  }
0x32: {  	[sflag:s10] =	ssyncadd.s32 $0xFFFFFFC0  }
0x33: {  	s28 =	sor.u32 $0x60, s8;
	v23 =	vld [tilespmem:$0x40]  }
0x34: {  	v22 =	vmov s16;
	s26 =	sor.u32 $0x50, s8;
	v26 =	vmov s28;
	s29 =	sor.u32 $0x70, s8;
	v25 =	vld [tilespmem:$0x50]  }
0x35: {  	v24 =	vmov s26;
	v27 =	vmov s29;
	v7 =	vshll.u32 v26, $0x3;
	v29 =	vld [tilespmem:$0x60]  }
0x36: {  	v7 =	vor.u32 v1, v7;
	v8 =	vshll.u32 v27, $0x3;
	v5 =	vshll.u32 v24, $0x3;
	v31 =	vld [tilespmem:$0x70]  }
0x37: {  	v7 =	vand.u32 $0x3FFF340, v7;
	v8 =	vor.u32 v1, v8;
	v3 =	vshll.u32 v22, $0x3  }
0x38: {  	v5 =	vor.u32 v1, v5;
	v8 =	vand.u32 $0x3FFF3C0, v8;
	v3 =	vor.u32 v1, v3  }
0x39: {  	v5 =	vand.u32 $0x3FFF2C0, v5;
	v3 =	vand.u32 $0x3FFF240, v3;
	v28 =	vshra.s32 v23, $0x7  }
0x3a: {  	v30 =	vshra.s32 v25, $0x7;
	v4 =	vshrl.u32 v23, $0x4;
	v6 =	vshrl.u32 v25, $0x4  }
0x3b: {  	v33 =	vshra.s32 v29, $0x7;
	v34 =	vshrl.u32 v29, $0x4;
	v35 =	vshra.s32 v31, $0x7  }
0x3c: {  	v36 =	vshrl.u32 v31, $0x4;
	v3 =	vadd.s32 v3, v28;
	v5 =	vadd.s32 v5, v30  }
0x3d: {  	v4 =	vand.u32 $0x7, v4;
	v6 =	vand.u32 $0x7, v6;
	v3 =	vshll.u32 v3, $0x6  }
0x3e: {  	v39 =	vand.u32 $0x7, v36;
	v5 =	vshll.u32 v5, $0x6;
	v3 =	vor.u32 v4, v3  }
0x3f: {  	v32 =	vor.u32 v6, v5;
	v5 =	vadd.s32 v7, v33;
	v6 =	vand.u32 $0x7, v34  }
0x40: {  	v7 =	vadd.s32 v8, v35;
	v3 =	vor.u32 v2, v3;
	v5 =	vshll.u32 v5, $0x6  }
0x41: {  	v4 =	vor.u32 v2, v32;
	v38 =	vshll.u32 v7, $0x6;
	[tilespmem:$0x240] =	vst v3;
	v37 =	vor.u32 v6, v5  }
0x42: {  	[tilespmem:$0x250] =	vst v4;
	v40 =	vor.u32 v39, v38;
	v3 =	vor.u32 v2, v37  }
0x43: {  	v41 =	vor.u32 v2, v40;
	[tilespmem:$0x260] =	vst v3  }
0x44: {  	s30 =	simm.s32 $0x240;
	s31 =	simm.s32 $0x800;
	[tilespmem:$0x270] =	vst v41  }
0x45: {  	[tilespmem:s31], [sflag:$0x1] =	stream.indirect.gather [hbm4b:s6+s7], $0x10, s30, s7, $0xb8;
	[tilespmem:$0x2640] =	vst v63  }
0x46: {  	_ =	swait.ge [sflag:s10], $0x40  }
0x47: {  	[sflag:s10] =	ssyncset.done $0x0  }
0x48: {  	[sflag:s10] =	ssyncadd.s32 $0xFFFFFFC0  }
0x49: {  	s18 =	sor.u32 $0xB0, s8;
	v43 =	vld [tilespmem:$0x80]  }
0x4a: {  	v42 =	vmov s15;
	s16 =	sor.u32 $0x90, s8;
	s17 =	sor.u32 $0xA0, s8;
	v47 =	vmov s18;
	v45 =	vld [tilespmem:$0x90]  }
0x4b: {  	v44 =	vmov s16;
	v46 =	vmov s17;
	v8 =	vshll.u32 v47, $0x3;
	v49 =	vld [tilespmem:$0xA0]  }
0x4c: {  	v7 =	vshll.u32 v46, $0x3;
	v8 =	vor.u32 v1, v8;
	v5 =	vshll.u32 v44, $0x3;
	v51 =	vld [tilespmem:$0xB0]  }
0x4d: {  	v7 =	vor.u32 v1, v7;
	v8 =	vand.u32 $0x3FFF5C0, v8;
	v3 =	vshll.u32 v42, $0x3  }
0x4e: {  	v5 =	vor.u32 v1, v5;
	v7 =	vand.u32 $0x3FFF540, v7;
	v3 =	vor.u32 v1, v3  }
0x4f: {  	v5 =	vand.u32 $0x3FFF4C0, v5;
	v3 =	vand.u32 $0x3FFF440, v3;
	v48 =	vshra.s32 v43, $0x7  }
0x50: {  	v50 =	vshra.s32 v45, $0x7;
	v4 =	vshrl.u32 v43, $0x4;
	v6 =	vshrl.u32 v45, $0x4  }
0x51: {  	v53 =	vshra.s32 v49, $0x7;
	v54 =	vshrl.u32 v49, $0x4;
	v55 =	vshra.s32 v51, $0x7  }
0x52: {  	v56 =	vshrl.u32 v51, $0x4;
	v3 =	vadd.s32 v3, v48;
	v5 =	vadd.s32 v5, v50  }
0x53: {  	v4 =	vand.u32 $0x7, v4;
	v6 =	vand.u32 $0x7, v6;
	v3 =	vshll.u32 v3, $0x6  }
0x54: {  	v59 =	vand.u32 $0x7, v56;
	v5 =	vshll.u32 v5, $0x6;
	v3 =	vor.u32 v4, v3  }
0x55: {  	v52 =	vor.u32 v6, v5;
	v5 =	vadd.s32 v7, v53;
	v6 =	vand.u32 $0x7, v54  }
0x56: {  	v7 =	vadd.s32 v8, v55;
	v3 =	vor.u32 v2, v3;
	v5 =	vshll.u32 v5, $0x6  }
0x57: {  	v4 =	vor.u32 v2, v52;
	v58 =	vshll.u32 v7, $0x6;
	[tilespmem:$0x280] =	vst v3;
	v57 =	vor.u32 v6, v5  }
0x58: {  	[tilespmem:$0x290] =	vst v4;
	v60 =	vor.u32 v59, v58;
	v3 =	vor.u32 v2, v57  }
0x59: {  	v61 =	vor.u32 v2, v60;
	[tilespmem:$0x2A0] =	vst v3  }
0x5a: {  	s19 =	simm.s32 $0x280;
	s20 =	simm.s32 $0xC00;
	[tilespmem:$0x2B0] =	vst v61  }
0x5b: {  	[tilespmem:s20], [sflag:$0x1] =	stream.indirect.gather [hbm4b:s6+s7], $0x10, s19, s7, $0xb8;
	[tilespmem:$0x2640] =	vst v63  }
0x5c: {  	_ =	swait.ge [sflag:s10], $0x40  }
0x5d: {  	[sflag:s10] =	ssyncset.done $0x0  }
0x5e: {  	[sflag:s10] =	ssyncadd.s32 $0xFFFFFFC0  }
0x5f: {  	s23 =	sor.u32 $0xF0, s8;
	v63 =	vld [tilespmem:$0xC0]  }
0x60: {  	v62 =	vmov s14;
	s22 =	sor.u32 $0xE0, s8;
	s21 =	sor.u32 $0xD0, s8;
	v14 =	vmov s23;
	v12 =	vld [tilespmem:$0xD0]  }
0x61: {  	v13 =	vmov s22;
	v11 =	vmov s21;
	v8 =	vshll.u32 v14, $0x3;
	v16 =	vld [tilespmem:$0xE0]  }
0x62: {  	v7 =	vshll.u32 v13, $0x3;
	v8 =	vor.u32 v1, v8;
	v5 =	vshll.u32 v11, $0x3;
	v18 =	vld [tilespmem:$0xF0]  }
0x63: {  	v7 =	vor.u32 v1, v7;
	v8 =	vand.u32 $0x3FFF7C0, v8;
	v3 =	vshll.u32 v62, $0x3  }
0x64: {  	v5 =	vor.u32 v1, v5;
	v7 =	vand.u32 $0x3FFF740, v7;
	v3 =	vor.u32 v1, v3  }
0x65: {  	v5 =	vand.u32 $0x3FFF6C0, v5;
	v3 =	vand.u32 $0x3FFF640, v3;
	v15 =	vshra.s32 v63, $0x7  }
0x66: {  	v17 =	vshra.s32 v12, $0x7;
	v4 =	vshrl.u32 v63, $0x4;
	v6 =	vshrl.u32 v12, $0x4  }
0x67: {  	v20 =	vshra.s32 v16, $0x7;
	v21 =	vshrl.u32 v16, $0x4;
	v22 =	vshra.s32 v18, $0x7  }
0x68: {  	v23 =	vshrl.u32 v18, $0x4;
	v3 =	vadd.s32 v3, v15;
	v5 =	vadd.s32 v5, v17  }
0x69: {  	v4 =	vand.u32 $0x7, v4;
	v6 =	vand.u32 $0x7, v6;
	v3 =	vshll.u32 v3, $0x6  }
0x6a: {  	v26 =	vand.u32 $0x7, v23;
	v5 =	vshll.u32 v5, $0x6;
	v3 =	vor.u32 v4, v3  }
0x6b: {  	v19 =	vor.u32 v6, v5;
	v5 =	vadd.s32 v7, v20;
	v6 =	vand.u32 $0x7, v21  }
0x6c: {  	v7 =	vadd.s32 v8, v22;
	v3 =	vor.u32 v2, v3;
	v5 =	vshll.u32 v5, $0x6  }
0x6d: {  	v4 =	vor.u32 v2, v19;
	v25 =	vshll.u32 v7, $0x6;
	[tilespmem:$0x2C0] =	vst v3;
	v24 =	vor.u32 v6, v5  }
0x6e: {  	[tilespmem:$0x2D0] =	vst v4;
	v27 =	vor.u32 v26, v25;
	v3 =	vor.u32 v2, v24  }
0x6f: {  	v28 =	vor.u32 v2, v27;
	[tilespmem:$0x2E0] =	vst v3  }
0x70: {  	s24 =	simm.s32 $0x2C0;
	s25 =	simm.s32 $0x1000;
	[tilespmem:$0x2F0] =	vst v28  }
0x71: {  	[tilespmem:s25], [sflag:$0x1] =	stream.indirect.gather [hbm4b:s6+s7], $0x10, s24, s7, $0xb8;
	[tilespmem:$0x2640] =	vst v63  }
0x72: {  	_ =	swait.ge [sflag:s10], $0x40  }
0x73: {  	[sflag:s10] =	ssyncset.done $0x0  }
0x74: {  	[sflag:s10] =	ssyncadd.s32 $0xFFFFFFC0  }
0x75: {  	s29 =	sor.u32 $0x130, s8;
	v30 =	vld [tilespmem:$0x100]  }
0x76: {  	s26 =	sor.u32 $0x110, s8;
	s28 =	sor.u32 $0x120, s8;
	v29 =	vmov s13;
	v34 =	vmov s29;
	v32 =	vld [tilespmem:$0x110]  }
0x77: {  	v31 =	vmov s26;
	v33 =	vmov s28;
	v8 =	vshll.u32 v34, $0x3;
	v36 =	vld [tilespmem:$0x120]  }
0x78: {  	v7 =	vshll.u32 v33, $0x3;
	v8 =	vor.u32 v1, v8;
	v5 =	vshll.u32 v31, $0x3;
	v38 =	vld [tilespmem:$0x130]  }
0x79: {  	v7 =	vor.u32 v1, v7;
	v8 =	vand.u32 $0x3FFF9C0, v8;
	v3 =	vshll.u32 v29, $0x3  }
0x7a: {  	v5 =	vor.u32 v1, v5;
	v7 =	vand.u32 $0x3FFF940, v7;
	v3 =	vor.u32 v1, v3  }
0x7b: {  	v5 =	vand.u32 $0x3FFF8C0, v5;
	v3 =	vand.u32 $0x3FFF840, v3;
	v35 =	vshra.s32 v30, $0x7  }
0x7c: {  	v37 =	vshra.s32 v32, $0x7;
	v4 =	vshrl.u32 v30, $0x4;
	v6 =	vshrl.u32 v32, $0x4  }
0x7d: {  	v40 =	vshra.s32 v36, $0x7;
	v41 =	vshrl.u32 v36, $0x4;
	v42 =	vshra.s32 v38, $0x7  }
0x7e: {  	v43 =	vshrl.u32 v38, $0x4;
	v3 =	vadd.s32 v3, v35;
	v5 =	vadd.s32 v5, v37  }
0x7f: {  	v4 =	vand.u32 $0x7, v4;
	v6 =	vand.u32 $0x7, v6;
	v3 =	vshll.u32 v3, $0x6  }
0x80: {  	v46 =	vand.u32 $0x7, v43;
	v5 =	vshll.u32 v5, $0x6;
	v3 =	vor.u32 v4, v3  }
0x81: {  	v39 =	vor.u32 v6, v5;
	v5 =	vadd.s32 v7, v40;
	v6 =	vand.u32 $0x7, v41  }
0x82: {  	v7 =	vadd.s32 v8, v42;
	v3 =	vor.u32 v2, v3;
	v5 =	vshll.u32 v5, $0x6  }
0x83: {  	v4 =	vor.u32 v2, v39;
	v45 =	vshll.u32 v7, $0x6;
	[tilespmem:$0x300] =	vst v3;
	v44 =	vor.u32 v6, v5  }
0x84: {  	[tilespmem:$0x310] =	vst v4;
	v47 =	vor.u32 v46, v45;
	v3 =	vor.u32 v2, v44  }
0x85: {  	v48 =	vor.u32 v2, v47;
	[tilespmem:$0x320] =	vst v3  }
0x86: {  	s30 =	simm.s32 $0x300;
	s31 =	simm.s32 $0x1400;
	[tilespmem:$0x330] =	vst v48  }
0x87: {  	[tilespmem:s31], [sflag:$0x1] =	stream.indirect.gather [hbm4b:s6+s7], $0x10, s30, s7, $0xb8;
	[tilespmem:$0x2640] =	vst v63  }
0x88: {  	_ =	swait.ge [sflag:s10], $0x40  }
0x89: {  	[sflag:s10] =	ssyncset.done $0x0  }
0x8a: {  	[sflag:s10] =	ssyncadd.s32 $0xFFFFFFC0  }
0x8b: {  	s17 =	sor.u32 $0x170, s8;
	v50 =	vld [tilespmem:$0x140]  }
0x8c: {  	s15 =	sor.u32 $0x150, s8;
	s16 =	sor.u32 $0x160, s8;
	v49 =	vmov s12;
	v54 =	vmov s17;
	v52 =	vld [tilespmem:$0x150]  }
0x8d: {  	v51 =	vmov s15;
	v53 =	vmov s16;
	v8 =	vshll.u32 v54, $0x3;
	v56 =	vld [tilespmem:$0x160]  }
0x8e: {  	v7 =	vshll.u32 v53, $0x3;
	v8 =	vor.u32 v1, v8;
	v5 =	vshll.u32 v51, $0x3;
	v58 =	vld [tilespmem:$0x170]  }
0x8f: {  	v7 =	vor.u32 v1, v7;
	v8 =	vand.u32 $0x3FFFBC0, v8;
	v3 =	vshll.u32 v49, $0x3  }
0x90: {  	v5 =	vor.u32 v1, v5;
	v7 =	vand.u32 $0x3FFFB40, v7;
	v3 =	vor.u32 v1, v3  }
0x91: {  	v5 =	vand.u32 $0x3FFFAC0, v5;
	v3 =	vand.u32 $0x3FFFA40, v3;
	v55 =	vshra.s32 v50, $0x7  }
0x92: {  	v57 =	vshra.s32 v52, $0x7;
	v4 =	vshrl.u32 v50, $0x4;
	v6 =	vshrl.u32 v52, $0x4  }
0x93: {  	v60 =	vshra.s32 v56, $0x7;
	v61 =	vshrl.u32 v56, $0x4;
	v62 =	vshra.s32 v58, $0x7  }
0x94: {  	v63 =	vshrl.u32 v58, $0x4;
	v3 =	vadd.s32 v3, v55;
	v5 =	vadd.s32 v5, v57  }
0x95: {  	v4 =	vand.u32 $0x7, v4;
	v6 =	vand.u32 $0x7, v6;
	v3 =	vshll.u32 v3, $0x6  }
0x96: {  	v13 =	vand.u32 $0x7, v63;
	v5 =	vshll.u32 v5, $0x6;
	v3 =	vor.u32 v4, v3  }
0x97: {  	v59 =	vor.u32 v6, v5;
	v5 =	vadd.s32 v7, v60;
	v6 =	vand.u32 $0x7, v61  }
0x98: {  	v7 =	vadd.s32 v8, v62;
	v3 =	vor.u32 v2, v3;
	v5 =	vshll.u32 v5, $0x6  }
0x99: {  	v4 =	vor.u32 v2, v59;
	v12 =	vshll.u32 v7, $0x6;
	[tilespmem:$0x340] =	vst v3;
	v11 =	vor.u32 v6, v5  }
0x9a: {  	[tilespmem:$0x350] =	vst v4;
	v14 =	vor.u32 v13, v12;
	v3 =	vor.u32 v2, v11  }
0x9b: {  	v15 =	vor.u32 v2, v14;
	[tilespmem:$0x360] =	vst v3  }
0x9c: {  	s18 =	simm.s32 $0x340;
	s19 =	simm.s32 $0x1800;
	[tilespmem:$0x370] =	vst v15  }
0x9d: {  	[tilespmem:s19], [sflag:$0x1] =	stream.indirect.gather [hbm4b:s6+s7], $0x10, s18, s7, $0xb8;
	[tilespmem:$0x2640] =	vst v63  }
0x9e: {  	_ =	swait.ge [sflag:s10], $0x40  }
0x9f: {  	[sflag:s10] =	ssyncset.done $0x0  }
0xa0: {  	[sflag:s10] =	ssyncadd.s32 $0xFFFFFFC0  }
0xa1: {  	s22 =	sor.u32 $0x1B0, s8;
	v17 =	vld [tilespmem:$0x180]  }
0xa2: {  	s21 =	sor.u32 $0x1A0, s8;
	s20 =	sor.u32 $0x190, s8;
	v16 =	vmov s11;
	v21 =	vmov s22;
	v19 =	vld [tilespmem:$0x190]  }
0xa3: {  	v18 =	vmov s20;
	v20 =	vmov s21;
	v8 =	vshll.u32 v21, $0x3;
	v23 =	vld [tilespmem:$0x1A0]  }
0xa4: {  	v7 =	vshll.u32 v20, $0x3;
	v8 =	vor.u32 v1, v8;
	v5 =	vshll.u32 v18, $0x3;
	v25 =	vld [tilespmem:$0x1B0]  }
0xa5: {  	v7 =	vor.u32 v1, v7;
	v8 =	vand.u32 $0x3FFFDC0, v8;
	v3 =	vshll.u32 v16, $0x3  }
0xa6: {  	v5 =	vor.u32 v1, v5;
	v7 =	vand.u32 $0x3FFFD40, v7;
	v3 =	vor.u32 v1, v3  }
0xa7: {  	v5 =	vand.u32 $0x3FFFCC0, v5;
	v3 =	vand.u32 $0x3FFFC40, v3;
	v22 =	vshra.s32 v17, $0x7  }
0xa8: {  	v24 =	vshra.s32 v19, $0x7;
	v4 =	vshrl.u32 v17, $0x4;
	v6 =	vshrl.u32 v19, $0x4  }
0xa9: {  	v27 =	vshra.s32 v23, $0x7;
	v28 =	vshrl.u32 v23, $0x4;
	v29 =	vshra.s32 v25, $0x7  }
0xaa: {  	v30 =	vshrl.u32 v25, $0x4;
	v3 =	vadd.s32 v3, v22;
	v5 =	vadd.s32 v5, v24  }
0xab: {  	v4 =	vand.u32 $0x7, v4;
	v6 =	vand.u32 $0x7, v6;
	v3 =	vshll.u32 v3, $0x6  }
0xac: {  	v33 =	vand.u32 $0x7, v30;
	v5 =	vshll.u32 v5, $0x6;
	v3 =	vor.u32 v4, v3  }
0xad: {  	v26 =	vor.u32 v6, v5;
	v5 =	vadd.s32 v7, v27;
	v6 =	vand.u32 $0x7, v28  }
0xae: {  	v7 =	vadd.s32 v8, v29;
	v3 =	vor.u32 v2, v3;
	v5 =	vshll.u32 v5, $0x6  }
0xaf: {  	v4 =	vor.u32 v2, v26;
	v32 =	vshll.u32 v7, $0x6;
	[tilespmem:$0x380] =	vst v3;
	v31 =	vor.u32 v6, v5  }
0xb0: {  	[tilespmem:$0x390] =	vst v4;
	v34 =	vor.u32 v33, v32;
	v3 =	vor.u32 v2, v31  }
0xb1: {  	v35 =	vor.u32 v2, v34;
	[tilespmem:$0x3A0] =	vst v3  }
0xb2: {  	s23 =	simm.s32 $0x380;
	s24 =	simm.s32 $0x1C00;
	[tilespmem:$0x3B0] =	vst v35  }
0xb3: {  	[tilespmem:s24], [sflag:$0x1] =	stream.indirect.gather [hbm4b:s6+s7], $0x10, s23, s7, $0xb8;
	[tilespmem:$0x2640] =	vst v63  }
0xb4: {  	_ =	swait.ge [sflag:s10], $0x40  }
0xb5: {  	[sflag:s10] =	ssyncset.done $0x0  }
0xb6: {  	[sflag:s10] =	ssyncadd.s32 $0xFFFFFFC0  }
0xb7: {  	s26 =	sor.u32 $0x1E0, s8;
	v37 =	vld [tilespmem:$0x1C0]  }
0xb8: {  	s25 =	sor.u32 $0x1D0, s8;
	s8 =	sor.u32 $0x1F0, s8;
	v36 =	vmov s9;
	v40 =	vmov s26;
	v39 =	vld [tilespmem:$0x1D0]  }
0xb9: {  	v38 =	vmov s25;
	v41 =	vmov s8;
	v7 =	vshll.u32 v40, $0x3;
	v43 =	vld [tilespmem:$0x1E0]  }
0xba: {  	v8 =	vshll.u32 v41, $0x3;
	v5 =	vshll.u32 v38, $0x3;
	v7 =	vor.u32 v1, v7;
	v45 =	vld [tilespmem:$0x1F0]  }
0xbb: {  	v5 =	vor.u32 v1, v5;
	v7 =	vand.u32 $0x3FFFF40, v7;
	v3 =	vshll.u32 v36, $0x3  }
0xbc: {  	v5 =	vand.u32 $0x3FFFEC0, v5;
	v3 =	vor.u32 v1, v3;
	v1 =	vor.u32 v1, v8  }
0xbd: {  	v3 =	vand.u32 $0x3FFFE40, v3;
	v1 =	vand.u32 $0x3FFFFC0, v1;
	v42 =	vshra.s32 v37, $0x7  }
0xbe: {  	v44 =	vshra.s32 v39, $0x7;
	v4 =	vshrl.u32 v37, $0x4;
	v6 =	vshrl.u32 v39, $0x4  }
0xbf: {  	v47 =	vshra.s32 v43, $0x7;
	v48 =	vshrl.u32 v43, $0x4;
	v49 =	vshra.s32 v45, $0x7  }
0xc0: {  	v50 =	vshrl.u32 v45, $0x4;
	v3 =	vadd.s32 v3, v42;
	v5 =	vadd.s32 v5, v44  }
0xc1: {  	v4 =	vand.u32 $0x7, v4;
	v6 =	vand.u32 $0x7, v6;
	v1 =	vadd.s32 v1, v49  }
0xc2: {  	v52 =	vand.u32 $0x7, v50;
	v3 =	vshll.u32 v3, $0x6;
	v5 =	vshll.u32 v5, $0x6  }
0xc3: {  	v1 =	vshll.u32 v1, $0x6;
	v3 =	vor.u32 v4, v3;
	v46 =	vor.u32 v6, v5  }
0xc4: {  	v5 =	vadd.s32 v7, v47;
	v6 =	vand.u32 $0x7, v48;
	v3 =	vor.u32 v2, v3  }
0xc5: {  	v1 =	vor.u32 v52, v1;
	v4 =	vor.u32 v2, v46;
	v5 =	vshll.u32 v5, $0x6;
	[tilespmem:$0x3C0] =	vst v3  }
0xc6: {  	v1 =	vor.u32 v2, v1;
	v51 =	vor.u32 v6, v5;
	[tilespmem:$0x3D0] =	vst v4  }
0xc7: {  	[tilespmem:$0x3F0] =	vst v1;
	v3 =	vor.u32 v2, v51  }
0xc8: {  	s28 =	simm.s32 $0x3C0;
	s29 =	simm.s32 $0x2000;
	s30 =	simm.s32 $0x1;
	[tilespmem:$0x3E0] =	vst v3  }
0xc9: {  	[tilespmem:s29], [sflag:$0x1] =	stream.indirect.gather [hbm4b:s6+s7], $0x10, s28, s7, $0xb8;
	[tilespmem:$0x2640] =	vst v63  }
0xca: {  	_ =	swait.ge [sflag:s30], $0x400  }
0xcb: {  	[sflag:s30] =	ssyncset.done $0x0  }
0xcc: {  	[sflag:s30] =	ssyncadd.s32 $0xFFFFFC00  }
0xcd: {  	v53 =	vld [tilespmem:$0x0]  }
0xce: {  	v54 =	vld [tilespmem:$0x10]  }
0xcf: {  	v4 =	vld [tilespmem:$0x20]  }
0xd0: {  	v14 =	vld [tilespmem:$0x30]  }
0xd1: {  	v0 =	vmul.u32 $0x10, v0  }
0xd2: {  	v55 =	vand.u32 $0xF, v53  }
0xd3: {  	v57 =	vor.u32 $0x100, v0;
	v56 =	vand.u32 $0xF, v54;
	v3 =	vor.u32 v0, v55  }
0xd4: {  	v59 =	vor.u32 $0x200, v0;
	v58 =	vand.u32 $0xF, v4;
	v5 =	vor.u32 v57, v56  }
0xd5: {  	v61 =	vor.u32 $0x300, v0;
	v60 =	vand.u32 $0xF, v14;
	v6 =	vor.u32 v59, v58  }
0xd6: {  	v7 =	vor.u32 v61, v60;
	_ =	sdelay $0x1  }
0xd7: {  	v62 =	vld.idx.msk [tilespmem:v3+s5+$0x0], $0xffff  }
0xd8: {  	v63 =	vld.idx.msk [tilespmem:v5+s5+$0x0], $0xffff  }
0xd9: {  	v15 =	vld.idx.msk [tilespmem:v6+s5+$0x0], $0xffff  }
0xda: {  	v16 =	vld.idx.msk [tilespmem:v7+s5+$0x0], $0xffff;
	_ =	swait.ge [sflag:s30], $0x400  }
0xdb: {  	[sflag:s30] =	ssyncset.done $0x0  }
0xdc: {  	[sflag:s30] =	ssyncadd.s32 $0xFFFFFC00  }
0xdd: {  	v17 =	vld [tilespmem:$0x40]  }
0xde: {  	v18 =	vld [tilespmem:$0x50]  }
0xdf: {  	v19 =	vld [tilespmem:$0x60]  }
0xe0: {  	v13 =	vld [tilespmem:$0x70];
	_ =	sdelay $0x1  }
0xe1: {  	v33 =	vor.u32 $0x400, v0;
	v32 =	vand.u32 $0xF, v17  }
0xe2: {  	v35 =	vor.u32 $0x500, v0;
	v34 =	vand.u32 $0xF, v18;
	v3 =	vor.u32 v33, v32  }
0xe3: {  	v37 =	vor.u32 $0x600, v0;
	v36 =	vand.u32 $0xF, v19;
	v5 =	vor.u32 v35, v34  }
0xe4: {  	v39 =	vor.u32 $0x700, v0;
	v38 =	vand.u32 $0xF, v13;
	v6 =	vor.u32 v37, v36  }
0xe5: {  	v7 =	vor.u32 v39, v38;
	_ =	sdelay $0x1  }
0xe6: {  	v20 =	vld.idx.msk [tilespmem:v3+s5+$0x0], $0xffff  }
0xe7: {  	v21 =	vld.idx.msk [tilespmem:v5+s5+$0x0], $0xffff  }
0xe8: {  	v22 =	vld.idx.msk [tilespmem:v6+s5+$0x0], $0xffff  }
0xe9: {  	v23 =	vld.idx.msk [tilespmem:v7+s5+$0x0], $0xffff;
	_ =	swait.ge [sflag:s30], $0x400  }
0xea: {  	[sflag:s30] =	ssyncset.done $0x0  }
0xeb: {  	[sflag:s30] =	ssyncadd.s32 $0xFFFFFC00  }
0xec: {  	v24 =	vld [tilespmem:$0x80]  }
0xed: {  	v25 =	vld [tilespmem:$0x90]  }
0xee: {  	v12 =	vld [tilespmem:$0xA0]  }
0xef: {  	v6 =	vld [tilespmem:$0xB0];
	_ =	sdelay $0x1  }
0xf0: {  	v41 =	vor.u32 $0x800, v0;
	v40 =	vand.u32 $0xF, v24  }
0xf1: {  	v43 =	vor.u32 $0x900, v0;
	v42 =	vand.u32 $0xF, v25;
	v3 =	vor.u32 v41, v40  }
0xf2: {  	v45 =	vor.u32 $0xA00, v0;
	v44 =	vand.u32 $0xF, v12;
	v5 =	vor.u32 v43, v42  }
0xf3: {  	v47 =	vor.u32 $0xB00, v0;
	v46 =	vand.u32 $0xF, v6;
	v7 =	vor.u32 v45, v44  }
0xf4: {  	v10 =	vor.u32 v47, v46;
	_ =	sdelay $0x1  }
0xf5: {  	v26 =	vld.idx.msk [tilespmem:v3+s5+$0x0], $0xffff  }
0xf6: {  	v27 =	vld.idx.msk [tilespmem:v5+s5+$0x0], $0xffff  }
0xf7: {  	v28 =	vld.idx.msk [tilespmem:v7+s5+$0x0], $0xffff  }
0xf8: {  	v29 =	vld.idx.msk [tilespmem:v10+s5+$0x0], $0xffff;
	_ =	swait.ge [sflag:s30], $0x400  }
0xf9: {  	[sflag:s30] =	ssyncset.done $0x0  }
0xfa: {  	[sflag:s30] =	ssyncadd.s32 $0xFFFFFC00  }
0xfb: {  	v11 =	vld [tilespmem:$0xC0]  }
0xfc: {  	v7 =	vld [tilespmem:$0xD0]  }
0xfd: {  	v5 =	vld [tilespmem:$0xE0]  }
0xfe: {  	v3 =	vld [tilespmem:$0xF0];
	_ =	sdelay $0x1  }
0xff: {  	v30 =	vor.u32 $0xC00, v0;
	v48 =	vand.u32 $0xF, v11  }
0x100: {  	v31 =	vor.u32 $0xD00, v0;
	v49 =	vand.u32 $0xF, v7;
	v10 =	vor.u32 v30, v48  }
0x101: {  	v32 =	vor.u32 $0xE00, v0;
	v50 =	vand.u32 $0xF, v5;
	v30 =	vor.u32 v31, v49  }
0x102: {  	v33 =	vor.u32 $0xF00, v0;
	v51 =	vand.u32 $0xF, v3;
	v31 =	vor.u32 v32, v50  }
0x103: {  	v32 =	vor.u32 v33, v51;
	_ =	sdelay $0x1  }
0x104: {  	v33 =	vld.idx.msk [tilespmem:v10+s5+$0x0], $0xffff  }
0x105: {  	v30 =	vld.idx.msk [tilespmem:v30+s5+$0x0], $0xffff  }
0x106: {  	v31 =	vld.idx.msk [tilespmem:v31+s5+$0x0], $0xffff  }
0x107: {  	v1 =	vimm.f32 $0.0e+00;
	vm0 =	vgt.s32 v53, $0x1;
	vm1 =	vgt.s32 v54, $0x1;
	v10 =	vld.idx.msk [tilespmem:v32+s5+$0x0], $0xffff;
	_ =	swait.ge [sflag:s30], $0x400  }
0x108: {  	vm10 =	vgt.s32 v4, $0x1;
	vm11 =	vgt.s32 v14, $0x1;
	v53 =	vsel vm0, $0x3F800000, v1;
	[sflag:s30] =	ssyncset.done $0x0  }
0x109: {  	v54 =	vsel vm1, $0x3F800000, v1;
	v8 =	vsub.f32 $0.0e+00, v62;
	v52 =	vsub.f32 $0.0e+00, v63;
	[sflag:s30] =	ssyncadd.s32 $0xFFFFFC00  }
0x10a: {  	v55 =	vsel vm10, $0x3F800000, v1;
	v15 =	vsub.f32 $0.0e+00, v15;
	v16 =	vsub.f32 $0.0e+00, v16;
	v9 =	vld [tilespmem:$0x100]  }
0x10b: {  	v59 =	vor.u32 $0x1200, v0;
	v61 =	vsel vm11, $0x3F800000, v1;
	v34 =	vnsel vm0, $0x0, v8;
	v8 =	vld [tilespmem:$0x110]  }
0x10c: {  	v15 =	vnsel vm10, $0x0, v15;
	v14 =	vnsel vm11, $0x0, v16;
	v32 =	vnsel vm1, $0x0, v52;
	v4 =	vld [tilespmem:$0x120]  }
0x10d: {  	vm12 =	vgt.s32 v17, $0x1;
	vm13 =	vgt.s32 v18, $0x1;
	v32 =	vadd.f32 v32, v34;
	v2 =	vld [tilespmem:$0x130]  }
0x10e: {  	vm14 =	vgt.s32 v19, $0x1;
	v35 =	vor.u32 $0x1000, v0;
	v34 =	vadd.f32 v54, v53  }
0x10f: {  	v37 =	vor.u32 $0x1100, v0;
	v15 =	vadd.f32 v15, v32;
	v56 =	vand.u32 $0xF, v9  }
0x110: {  	v32 =	vadd.f32 v55, v34;
	v36 =	vand.u32 $0xF, v8;
	v34 =	vor.u32 v35, v56  }
0x111: {  	vm15 =	vgt.s32 v13, $0x1;
	v58 =	vand.u32 $0xF, v4;
	v57 =	vor.u32 v37, v36  }
0x112: {  	v39 =	vor.u32 $0x1300, v0;
	v38 =	vand.u32 $0xF, v2;
	v36 =	vor.u32 v59, v58  }
0x113: {  	v17 =	vsel vm12, $0x3F800000, v1;
	v62 =	vadd.f32 v61, v32;
	v60 =	vor.u32 v39, v38  }
0x114: {  	v18 =	vsel vm13, $0x3F800000, v1;
	v20 =	vsub.f32 $0.0e+00, v20;
	v14 =	vadd.f32 v14, v15  }
0x115: {  	v19 =	vsel vm14, $0x3F800000, v1;
	v32 =	vsub.f32 $0.0e+00, v21;
	v15 =	vadd.f32 v17, v62;
	v21 =	vld.idx.msk [tilespmem:v34+s5+$0x0], $0xffff  }
0x116: {  	v63 =	vnsel vm12, $0x0, v20;
	vm4 =	vgt.s32 v24, $0x1;
	vm5 =	vgt.s32 v25, $0x1;
	v16 =	vld.idx.msk [tilespmem:v57+s5+$0x0], $0xffff  }
0x117: {  	vm6 =	vgt.s32 v12, $0x1;
	v39 =	vsub.f32 $0.0e+00, v22;
	v15 =	vadd.f32 v18, v15;
	v22 =	vld.idx.msk [tilespmem:v36+s5+$0x0], $0xffff  }
0x118: {  	vm7 =	vgt.s32 v6, $0x1;
	v41 =	vsub.f32 $0.0e+00, v23;
	v42 =	vsel vm15, $0x3F800000, v1;
	v17 =	vld.idx.msk [tilespmem:v60+s5+$0x0], $0xffff;
	_ =	swait.ge [sflag:s30], $0x400  }
0x119: {  	v46 =	vsel vm4, $0x3F800000, v1;
	v43 =	vsub.f32 $0.0e+00, v26;
	v15 =	vadd.f32 v19, v15;
	[sflag:s30] =	ssyncset.done $0x0  }
0x11a: {  	v13 =	vnsel vm15, $0x0, v41;
	v47 =	vsub.f32 $0.0e+00, v27;
	v27 =	vsel vm7, $0x3F800000, v1;
	[sflag:s30] =	ssyncadd.s32 $0xFFFFFC00  }
0x11b: {  	v45 =	vnsel vm4, $0x0, v43;
	v14 =	vadd.f32 v63, v14;
	v44 =	vadd.f32 v42, v15;
	v15 =	vld [tilespmem:$0x140]  }
0x11c: {  	vm8 =	vgt.s32 v11, $0x1;
	vm9 =	vgt.s32 v7, $0x1;
	v38 =	vnsel vm13, $0x0, v32;
	v23 =	vld [tilespmem:$0x150]  }
0x11d: {  	vm10 =	vgt.s32 v5, $0x1;
	vm11 =	vgt.s32 v3, $0x1;
	v14 =	vadd.f32 v38, v14;
	v18 =	vld [tilespmem:$0x160]  }
0x11e: {  	v48 =	vnsel vm5, $0x0, v47;
	v49 =	vsel vm5, $0x3F800000, v1;
	v40 =	vnsel vm14, $0x0, v39;
	v24 =	vld [tilespmem:$0x170]  }
0x11f: {  	v50 =	vsub.f32 $0.0e+00, v28;
	v52 =	vor.u32 $0x1400, v0;
	v14 =	vadd.f32 v40, v14  }
0x120: {  	v54 =	vor.u32 $0x1500, v0;
	v56 =	vor.u32 $0x1600, v0;
	v51 =	vand.u32 $0xF, v15  }
0x121: {  	v13 =	vadd.f32 v13, v14;
	v53 =	vand.u32 $0xF, v23;
	v19 =	vor.u32 v52, v51  }
0x122: {  	v58 =	vor.u32 $0x1700, v0;
	v55 =	vand.u32 $0xF, v18;
	v20 =	vor.u32 v54, v53  }
0x123: {  	v13 =	vadd.f32 v45, v13;
	v57 =	vand.u32 $0xF, v24;
	v25 =	vor.u32 v56, v55  }
0x124: {  	v41 =	vsel vm10, $0x3F800000, v1;
	v10 =	vsub.f32 $0.0e+00, v10;
	v26 =	vor.u32 v58, v57  }
0x125: {  	v12 =	vnsel vm6, $0x0, v50;
	v14 =	vadd.f32 v46, v44;
	v13 =	vadd.f32 v48, v13  }
0x126: {  	v63 =	vsub.f32 $0.0e+00, v33;
	v10 =	vnsel vm11, $0x0, v10;
	v59 =	vsub.f32 $0.0e+00, v29;
	v19 =	vld.idx.msk [tilespmem:v19+s5+$0x0], $0xffff  }
0x127: {  	vm12 =	vgt.s32 v9, $0x1;
	v14 =	vadd.f32 v49, v14;
	v12 =	vadd.f32 v12, v13;
	v28 =	vld.idx.msk [tilespmem:v20+s5+$0x0], $0xffff  }
0x128: {  	vm15 =	vgt.s32 v2, $0x1;
	v62 =	vnsel vm7, $0x0, v59;
	v60 =	vsel vm6, $0x3F800000, v1;
	v33 =	vld.idx.msk [tilespmem:v25+s5+$0x0], $0xffff  }
0x129: {  	v29 =	vnsel vm8, $0x0, v63;
	v61 =	vadd.f32 v60, v14;
	v12 =	vadd.f32 v62, v12;
	v35 =	vld.idx.msk [tilespmem:v26+s5+$0x0], $0xffff;
	_ =	swait.ge [sflag:s30], $0x400  }
0x12a: {  	v32 =	vsub.f32 $0.0e+00, v30;
	v37 =	vsub.f32 $0.0e+00, v31;
	vm13 =	vgt.s32 v8, $0x1;
	[sflag:s30] =	ssyncset.done $0x0  }
0x12b: {  	v38 =	vsel vm9, $0x3F800000, v1;
	v6 =	vadd.f32 v27, v61;
	v12 =	vadd.f32 v29, v12;
	[sflag:s30] =	ssyncadd.s32 $0xFFFFFC00  }
0x12c: {  	vm14 =	vgt.s32 v4, $0x1;
	v34 =	vsel vm8, $0x3F800000, v1;
	v36 =	vnsel vm9, $0x0, v32;
	v42 =	vld [tilespmem:$0x180]  }
0x12d: {  	v40 =	vnsel vm10, $0x0, v37;
	v6 =	vadd.f32 v34, v6;
	v12 =	vadd.f32 v36, v12;
	v13 =	vld [tilespmem:$0x190]  }
0x12e: {  	v44 =	vsel vm11, $0x3F800000, v1;
	v43 =	vsub.f32 $0.0e+00, v21;
	v47 =	vsub.f32 $0.0e+00, v16;
	v9 =	vld [tilespmem:$0x1A0]  }
0x12f: {  	v46 =	vsel vm12, $0x3F800000, v1;
	v39 =	vadd.f32 v38, v6;
	v6 =	vadd.f32 v40, v12;
	v12 =	vld [tilespmem:$0x1B0]  }
0x130: {  	v49 =	vor.u32 $0x1800, v0;
	v22 =	vsub.f32 $0.0e+00, v22;
	v45 =	vnsel vm12, $0x0, v43  }
0x131: {  	v8 =	vnsel vm13, $0x0, v47;
	v51 =	vor.u32 $0x1900, v0;
	v48 =	vand.u32 $0xF, v42  }
0x132: {  	v53 =	vor.u32 $0x1A00, v0;
	v50 =	vand.u32 $0xF, v13;
	v14 =	vor.u32 v49, v48  }
0x133: {  	v55 =	vor.u32 $0x1B00, v0;
	v52 =	vand.u32 $0xF, v9;
	v16 =	vor.u32 v51, v50  }
0x134: {  	v5 =	vadd.f32 v41, v39;
	v54 =	vand.u32 $0xF, v12;
	v21 =	vor.u32 v53, v52  }
0x135: {  	v61 =	vsel vm14, $0x3F800000, v1;
	v27 =	vsel vm15, $0x3F800000, v1;
	v25 =	vor.u32 v55, v54  }
0x136: {  	v43 =	vor.u32 $0x1D00, v0;
	v5 =	vadd.f32 v44, v5;
	v6 =	vadd.f32 v10, v6  }
0x137: {  	v47 =	vor.u32 $0x1E00, v0;
	vm4 =	vgt.s32 v15, $0x1;
	vm5 =	vgt.s32 v23, $0x1;
	v14 =	vld.idx.msk [tilespmem:v14+s5+$0x0], $0xffff  }
0x138: {  	vm6 =	vgt.s32 v18, $0x1;
	v5 =	vadd.f32 v46, v5;
	v6 =	vadd.f32 v45, v6;
	v60 =	vld.idx.msk [tilespmem:v16+s5+$0x0], $0xffff  }
0x139: {  	v56 =	vsel vm13, $0x3F800000, v1;
	v57 =	vnsel vm14, $0x0, v22;
	v58 =	vsub.f32 $0.0e+00, v17;
	v22 =	vld.idx.msk [tilespmem:v21+s5+$0x0], $0xffff  }
0x13a: {  	vm7 =	vgt.s32 v24, $0x1;
	v4 =	vadd.f32 v56, v5;
	v6 =	vadd.f32 v8, v6;
	v26 =	vld.idx.msk [tilespmem:v25+s5+$0x0], $0xffff;
	_ =	swait.ge [sflag:s30], $0x400  }
0x13b: {  	v32 =	vsel vm5, $0x3F800000, v1;
	v34 =	vsel vm6, $0x3F800000, v1;
	v62 =	vnsel vm15, $0x0, v58;
	[sflag:s30] =	ssyncset.done $0x0  }
0x13c: {  	v38 =	vor.u32 $0x1C00, v0;
	v4 =	vadd.f32 v61, v4;
	v59 =	vadd.f32 v57, v6;
	[sflag:s30] =	ssyncadd.s32 $0xFFFFFC00  }
0x13d: {  	v0 =	vor.u32 $0x1F00, v0;
	v63 =	vsub.f32 $0.0e+00, v19;
	v11 =	vsub.f32 $0.0e+00, v28;
	v31 =	vld [tilespmem:$0x1C0]  }
0x13e: {  	v28 =	vsel vm4, $0x3F800000, v1;
	v4 =	vadd.f32 v27, v4;
	v5 =	vadd.f32 v62, v59  }
0x13f: {  	v30 =	vsub.f32 $0.0e+00, v33;
	v7 =	vsub.f32 $0.0e+00, v35;
	v10 =	vnsel vm4, $0x0, v63;
	v33 =	vld [tilespmem:$0x1D0]  }
0x140: {  	v39 =	vsel vm7, $0x3F800000, v1;
	v4 =	vadd.f32 v28, v4;
	v5 =	vadd.f32 v10, v5  }
0x141: {  	v29 =	vnsel vm5, $0x0, v11;
	v11 =	vnsel vm6, $0x0, v30;
	v7 =	vnsel vm7, $0x0, v7;
	v35 =	vld [tilespmem:$0x1E0]  }
0x142: {  	v4 =	vadd.f32 v32, v4;
	v5 =	vadd.f32 v29, v5;
	v37 =	vand.u32 $0xF, v31  }
0x143: {  	vm8 =	vgt.s32 v42, $0x1;
	vm9 =	vgt.s32 v13, $0x1;
	v41 =	vld [tilespmem:$0x1F0];
	v40 =	vor.u32 v38, v37  }
0x144: {  	v4 =	vadd.f32 v34, v4;
	v5 =	vadd.f32 v11, v5;
	v42 =	vand.u32 $0xF, v33  }
0x145: {  	v45 =	vsel vm8, $0x3F800000, v1;
	v36 =	vsub.f32 $0.0e+00, v14;
	v44 =	vor.u32 v43, v42  }
0x146: {  	v4 =	vadd.f32 v39, v4;
	v5 =	vadd.f32 v7, v5;
	v46 =	vand.u32 $0xF, v35  }
0x147: {  	v2 =	vsub.f32 $0.0e+00, v60;
	v11 =	vnsel vm8, $0x0, v36;
	v48 =	vor.u32 v47, v46  }
0x148: {  	v4 =	vadd.f32 v45, v4;
	v5 =	vadd.f32 v11, v5;
	v49 =	vand.u32 $0xF, v41;
	v3 =	vld.idx.msk [tilespmem:v40+s5+$0x0], $0xffff  }
0x149: {  	v16 =	vsub.f32 $0.0e+00, v22;
	v2 =	vnsel vm9, $0x0, v2;
	v0 =	vor.u32 v0, v49  }
0x14a: {  	vm10 =	vgt.s32 v9, $0x1;
	v50 =	vsel vm9, $0x3F800000, v1;
	v2 =	vadd.f32 v2, v5;
	v51 =	vld.idx.msk [tilespmem:v44+s5+$0x0], $0xffff  }
0x14b: {  	v6 =	vsub.f32 $0.0e+00, v26;
	v4 =	vadd.f32 v50, v4;
	v52 =	vnsel vm10, $0x0, v16  }
0x14c: {  	vm11 =	vgt.s32 v12, $0x1;
	v53 =	vsel vm10, $0x3F800000, v1;
	v2 =	vadd.f32 v52, v2;
	v54 =	vld.idx.msk [tilespmem:v48+s5+$0x0], $0xffff  }
0x14d: {  	v55 =	vnsel vm11, $0x0, v6;
	v4 =	vadd.f32 v53, v4;
	v3 =	vsub.f32 $0.0e+00, v3  }
0x14e: {  	v56 =	vsel vm11, $0x3F800000, v1;
	vm12 =	vgt.s32 v31, $0x1;
	v2 =	vadd.f32 v55, v2;
	v0 =	vld.idx.msk [tilespmem:v0+s5+$0x0], $0xffff  }
0x14f: {  	v4 =	vadd.f32 v56, v4;
	v57 =	vsub.f32 $0.0e+00, v51;
	v3 =	vnsel vm12, $0x0, v3  }
0x150: {  	vm13 =	vgt.s32 v33, $0x1;
	v58 =	vsel vm12, $0x3F800000, v1;
	v2 =	vadd.f32 v3, v2  }
0x151: {  	v60 =	vsub.f32 $0.0e+00, v54;
	v59 =	vnsel vm13, $0x0, v57;
	v3 =	vadd.f32 v58, v4  }
0x152: {  	vm14 =	vgt.s32 v35, $0x1;
	v61 =	vsel vm13, $0x3F800000, v1;
	v2 =	vadd.f32 v59, v2  }
0x153: {  	v0 =	vsub.f32 $0.0e+00, v0;
	v62 =	vnsel vm14, $0x0, v60;
	v3 =	vadd.f32 v61, v3  }
0x154: {  	vm15 =	vgt.s32 v41, $0x1;
	v63 =	vsel vm14, $0x3F800000, v1;
	v2 =	vadd.f32 v62, v2  }
0x155: {  	v0 =	vnsel vm15, $0x0, v0;
	v3 =	vadd.f32 v63, v3  }
0x156: {  	v1 =	vsel vm15, $0x3F800000, v1;
	v0 =	vadd.f32 v0, v2  }
0x157: {  	v1 =	vadd.f32 v1, v3  }
0x158: {  	s31 =	sshll.u32 s4, $0x5;
	[tilespmem:$0x2400] =	vst v0  }
0x159: {  	s6 =	simm.s32 $0x2400;
	s5 =	sadd.s32 s31, s3;
	[tilespmem:$0x2410] =	vst v1  }
0x15a: {  	[spmem:s5] =	stream.linear.scatter [tilespmem:s6], [sflag:$0x3], $0x20, $0x38;
	[tilespmem:$0x2640] =	vst v63  }
0x15b: {  	s5 =	simm.s32 $0x3  }
0x15c: {  	_ =	swait.ge [sflag:s5], $0x20  }
0x15d: {  	[sflag:s5] =	ssyncset.done $0x0  }
0x15e: {  	[sflag:s5] =	ssyncadd.s32 $0xFFFFFFE0  }
0x15f: {  	p0 =	sne.s32 s4, $0x0;
	[bflag:$0x0] =	sbarrier.arrive $0xFFFF  }
0x160: {  	_ =	sfence.sel @p0 $0x180000  }
0x161: {  	[bflag:$0x0] =	sbarrier.arrive @p0 $0xFFFF  }
0x162: {  	_ =	strace @p0 $0x90000047  }
0x163: {  	[bflag:$0x2] =	sbarrier.arrive @p0 $0xFFFF  }
0x164: {  	_ =	shalt @p0  }
.LBB2_1:
0x165: {  	s4 =	simm.s32 $0x2420  }
0x166: {  	[tilespmem:s4], [sflag:$0x3] =	stream.linear.gather [spmem:s3], $0x200, $0x38;
	[tilespmem:$0x2640] =	vst v63  }
0x167: {  	_ =	swait.ge [sflag:s5], $0x200  }
0x168: {  	[sflag:s5] =	ssyncset.done $0x0  }
0x169: {  	[sflag:s5] =	ssyncadd.s32 $0xFFFFFE00  }
0x16a: {  	v0 =	vld [tilespmem:$0x2430];
	_ =	sdelay $0x1  }
0x16b: {  	v1 =	vld [tilespmem:$0x2450];
	_ =	sdelay $0x1  }
0x16c: {  	v2 =	vld [tilespmem:$0x2470]  }
0x16d: {  	v0 =	vadd.f32 $0.0e+00, v0  }
0x16e: {  	v3 =	vld [tilespmem:$0x2490]  }
0x16f: {  	v0 =	vadd.f32 v1, v0  }
0x170: {  	v23 =	vld [tilespmem:$0x24B0]  }
0x171: {  	v4 =	vld [tilespmem:$0x2420];
	v0 =	vadd.f32 v2, v0  }
0x172: {  	v24 =	vld [tilespmem:$0x24D0]  }
0x173: {  	v5 =	vld [tilespmem:$0x2440];
	v0 =	vadd.f32 v3, v0  }
0x174: {  	v26 =	vld [tilespmem:$0x24F0]  }
0x175: {  	v6 =	vld [tilespmem:$0x2460];
	v0 =	vadd.f32 v23, v0  }
0x176: {  	v28 =	vld [tilespmem:$0x2510]  }
0x177: {  	v7 =	vld [tilespmem:$0x2480];
	v25 =	vadd.f32 $0.0e+00, v4;
	v0 =	vadd.f32 v24, v0  }
0x178: {  	v30 =	vld [tilespmem:$0x2530]  }
0x179: {  	v29 =	vld [tilespmem:$0x24A0];
	v27 =	vadd.f32 v5, v25;
	v0 =	vadd.f32 v26, v0  }
0x17a: {  	v32 =	vld [tilespmem:$0x2550]  }
0x17b: {  	v31 =	vld [tilespmem:$0x24C0];
	v1 =	vadd.f32 v6, v27;
	v0 =	vadd.f32 v28, v0  }
0x17c: {  	v34 =	vld [tilespmem:$0x2570]  }
0x17d: {  	v33 =	vld [tilespmem:$0x24E0];
	v1 =	vadd.f32 v7, v1;
	v0 =	vadd.f32 v30, v0  }
0x17e: {  	v36 =	vld [tilespmem:$0x2590]  }
0x17f: {  	v35 =	vld [tilespmem:$0x2500];
	v1 =	vadd.f32 v29, v1;
	v0 =	vadd.f32 v32, v0  }
0x180: {  	v38 =	vld [tilespmem:$0x25B0]  }
0x181: {  	v37 =	vld [tilespmem:$0x2520];
	v1 =	vadd.f32 v31, v1;
	v0 =	vadd.f32 v34, v0  }
0x182: {  	v40 =	vld [tilespmem:$0x25D0]  }
0x183: {  	v39 =	vld [tilespmem:$0x2540];
	v1 =	vadd.f32 v33, v1;
	v0 =	vadd.f32 v36, v0  }
0x184: {  	v44 =	vimm.s32 $0xEFCDAB89;
	v42 =	vld [tilespmem:$0x25F0]  }
0x185: {  	v8 =	vimm.s32 $0x67452301;
	v41 =	vld [tilespmem:$0x2560];
	v1 =	vadd.f32 v35, v1;
	v0 =	vadd.f32 v38, v0  }
0x186: {  	v8 =	vunpack.c.l.s4.s8 v8;
	v45 =	vld [tilespmem:$0x2610];
	v4 =	vunpack.c.l.s4.s8 v44  }
0x187: {  	v1 =	vadd.f32 v37, v1;
	v0 =	vadd.f32 v40, v0  }
0x188: {  	v48 =	vimm.s32 $0xDCFE98BA;
	v47 =	vunpack.c.0.s8.s32 v8;
	v43 =	vld [tilespmem:$0x2580];
	v46 =	vunpack.c.0.s8.s32 v4  }
0x189: {  	v49 =	vimm.s32 $0x54761032;
	v1 =	vadd.f32 v39, v1;
	v0 =	vadd.f32 v42, v0  }
0x18a: {  	v51 =	vunpack.c.l.s4.s8 v49;
	v50 =	vld [tilespmem:$0x25A0];
	v2 =	vunpack.c.l.s4.s8 v48;
	v3 =	vcombine.low v47, v46  }
0x18b: {  	v53 =	vimm.s32 $0xBA98FEDC;
	v1 =	vadd.f32 v41, v1;
	v0 =	vadd.f32 v45, v0  }
0x18c: {  	v52 =	vld [tilespmem:$0x25C0];
	v4 =	vunpack.c.0.s8.s32 v51;
	v2 =	vunpack.c.0.s8.s32 v2;
	v3 =	vand.u32 $0xF, v3  }
0x18d: {  	v54 =	vimm.s32 $0x32107654;
	v1 =	vadd.f32 v43, v1;
	v9 =	vperm.xlane v0, v3  }
0x18e: {  	v55 =	vld [tilespmem:$0x25E0];
	v6 =	vunpack.c.l.s4.s8 v53;
	v7 =	vunpack.c.l.s4.s8 v54;
	v2 =	vcombine.low v4, v2  }
0x18f: {  	v1 =	vadd.f32 v50, v1;
	v0 =	vadd.f32 v9, v0  }
0x190: {  	v56 =	vld [tilespmem:$0x2600];
	v6 =	vunpack.c.0.s8.s32 v6;
	v7 =	vunpack.c.0.s8.s32 v7;
	v2 =	vand.u32 $0xF, v2  }
0x191: {  	v57 =	vimm.s32 $0xFEDCBA98;
	v1 =	vadd.f32 v52, v1;
	v9 =	vperm.xlane v0, v2  }
0x192: {  	v58 =	vimm.s32 $0x76543210;
	v5 =	vunpack.c.l.s4.s8 v57;
	v6 =	vcombine.low v7, v6  }
0x193: {  	v59 =	vunpack.c.l.s4.s8 v58;
	v1 =	vadd.f32 v55, v1;
	v0 =	vadd.f32 v9, v0  }
0x194: {  	v5 =	vunpack.c.0.s8.s32 v5;
	v6 =	vand.u32 $0xF, v6  }
0x195: {  	v4 =	vunpack.c.0.s8.s32 v59;
	v1 =	vadd.f32 v56, v1;
	v60 =	vperm.xlane v0, v6  }
0x196: {  	v5 =	vand.u32 $0xF, v5  }
0x197: {  	v4 =	vcombine.low v5, v4;
	v3 =	vperm.xlane v1, v3;
	v0 =	vadd.f32 v60, v0;
	_ =	sdelay $0x1  }
0x198: {  	v1 =	vadd.f32 v3, v1;
	v61 =	vperm.xlane v0, v4;
	_ =	sdelay $0x1  }
0x199: {  	v2 =	vperm.xlane v1, v2;
	v0 =	vadd.f32 v61, v0;
	_ =	sdelay $0x1  }
0x19a: {  	v1 =	vadd.f32 v2, v1;
	(erf) = vrcp.f32 v0;
	_ =	sdelay $0x1  }
0x19b: {  	v62 =	vperm.xlane v1, v6;
	_ =	sdelay $0x1  }
0x19c: {  	v0 =	vadd.f32 v62, v1;
	_ =	sdelay $0x1  }
0x19d: {  	v1 =	vperm.xlane v0, v4;
	_ =	sdelay $0x1  }
0x19e: {  	v0 =	vadd.f32 v1, v0  }
0x19f: {  	v63 =	vpop (erf)  }
0x1a0: {  	v0 =	vmul.f32 v63, v0;
	_ =	sdelay $0x1  }
0x1a1: {  	[tilespmem:$0x2400] =	vst v0  }
0x1a2: {  	[hbm4b:s1+s2] =	stream.linear.scatter [tilespmem:s6], [sflag:$0x3], $0x10, $0x38;
	[tilespmem:$0x2640] =	vst v63  }
0x1a3: {  	_ =	swait.ge [sflag:s5], $0x10  }
0x1a4: {  	[sflag:s5] =	ssyncset.done $0x0  }
0x1a5: {  	[sflag:s5] =	ssyncadd.s32 $0xFFFFFFF0  }
0x1a6: {  	_ =	sfence.sel $0x180000  }
0x1a7: {  	[bflag:$0x0] =	sbarrier.arrive $0xFFFF  }
0x1a8: {  	_ =	strace $0x90000047  }
0x1a9: {  	s0 =	sadd.s32 $0x100000, s0;
	[bflag:$0x2] =	sbarrier.arrive $0xFFFF  }
0x1aa: {  	[sflag:s0] =	ssyncadd.tile.s32 $0x1;
	_ =	shalt  }
.Lfunc_end2:
_tile_overlayer_lowered:
.L_overlay_start_2:
0x1ab: {  	(tag) =	ssettag $0x2  }
0x1ac: {  	s0 =	rddreg [dreg:$0x0];
	s2 =	stileid.u32  }
0x1ad: {  	s1 =	rddreg [dreg:$0x1];
	p0 =	sne.s32 s2, $0x0  }
0x1ae: {  	s3 =	rddreg [dreg:$0x2];
	[bflag:$0x3] =	sbarrier.arrive $0xFFFF;
	s2 =	simm.s32 @!p0 $0x1C03  }
0x1af: {  	[timem:s3], [sflag:s2] =	dma.local @!p0 [hbm:s0], s1  }
0x1b0: {  	s0 =	simm.s32 @!p0 $0x3  }
0x1b1: {  	_ =	swait.ge @!p0 [sflag:s0], s1  }
0x1b2: {  	s1 =	ssub.s32 @!p0 $0x0, s1;
	[sflag:s0] =	ssyncset.done @!p0 $0x0  }
0x1b3: {  	[sflag:s0] =	ssyncadd.s32 @!p0 s1  }
0x1b4: {  	[bflag:$0x3] =	sbarrier.arrive $0xFFFF  }
0x1b5: {  	_ =	shalt  }

</sc_bundles>
